<compile_context>
chip_gen: v7x
topology: tpu7x:2x2x1
jax: 0.10.2.dev20260603
libtpu: 0.0.44.dev20260713+nightly
codegen_flags: <defaults>
</compile_context>

<pallas_src>
import jax
import jax.numpy as jnp
from jax import lax
from jax.experimental import pallas as pl
from jax.experimental.pallas import tpu as pltpu
from jax.experimental.pallas import tpu_sc as plsc

N = 100000
EMBED_DIM = 16
OUT_DIM = 2 * EMBED_DIM
NG = N // 8
NC, NS = 2, 16
NW = NC * NS
ROWS_W = 3200
ROWS_LAST = N - (NW - 1) * ROWS_W
SUB = 400
GSUB = SUB // 8
NSUB = ROWS_W // SUB
NSUB_LAST = ROWS_LAST // SUB
L = 16


def _sc_body(nt_hbm, niv_hbm, tab_hbm, wb_hbm, out_hbm,
             nt_v, niv_v, tab_v, wb_v, buf, sem):
    c = lax.axis_index("c")
    s = lax.axis_index("s")
    wid = s * NC + c
    is_last = wid == NW - 1
    base = wid * ROWS_W

    pltpu.sync_copy(tab_hbm, tab_v)
    pltpu.sync_copy(wb_hbm, wb_v)

    @pl.when(jnp.logical_not(is_last))
    def _():
        pltpu.sync_copy(nt_hbm.at[pl.ds(base, ROWS_W)], nt_v)
        pltpu.sync_copy(niv_hbm.at[pl.ds(base, ROWS_W)], niv_v)

    @pl.when(is_last)
    def _():
        pltpu.sync_copy(nt_hbm.at[pl.ds(base, ROWS_LAST)],
                        nt_v.at[pl.ds(0, ROWS_LAST)])
        pltpu.sync_copy(niv_hbm.at[pl.ds(base, ROWS_LAST)],
                        niv_v.at[pl.ds(0, ROWS_LAST)])

    wv = wb_v[pl.ds(0, L)]
    bv = wb_v[pl.ds(L, L)]
    lane = lax.iota(jnp.int32, L)
    gbase = wid * (ROWS_W // 8)

    def dma(k, par):
        dst = out_hbm.at[pl.ds(gbase + k * GSUB, GSUB), :, :]
        return pltpu.make_async_copy(buf.at[par], dst, sem)

    nsub = jnp.where(is_last, NSUB_LAST, NSUB)

    def chunk_body(k, carry):
        par = lax.rem(k, 2)

        @plsc.parallel_loop(0, SUB // L)
        def _blocks(i):
            b16 = k * SUB + i * L
            nt16 = nt_v[pl.ds(b16, L)]
            niv16 = niv_v[pl.ds(b16, L)]
            for r in range(L):
                rr = jnp.full((L,), r, dtype=jnp.int32)
                ntb = jnp.take_along_axis(nt16, rr, axis=0)
                nivb = jnp.take_along_axis(niv16, rr, axis=0)
                emb = plsc.load_gather(tab_v, [ntb * EMBED_DIM + lane])
                g = 2 * i + (r // 8)
                sl = r % 8
                buf[par, g, sl, pl.ds(0, L)] = emb
                buf[par, g, sl, pl.ds(L, L)] = nivb * wv + bv

        @pl.when(k > 0)
        def _():
            dma(k, par).wait()

        dma(k, par).start()
        return carry

    lax.fori_loop(0, nsub, chunk_body, 0)
    dma(0, 0).wait()


@jax.jit
def _sc_call(nt, niv, tab, wb):
    mesh = plsc.VectorSubcoreMesh(
        core_axis_name="c", subcore_axis_name="s",
        num_cores=NC, num_subcores=NS,
    )
    f = pl.kernel(
        _sc_body,
        out_type=jax.ShapeDtypeStruct((NG, 8, OUT_DIM), jnp.float32),
        mesh=mesh,
        compiler_params=pltpu.CompilerParams(needs_layout_passes=False),
        scratch_types=[
            pltpu.VMEM((ROWS_W,), jnp.int32),
            pltpu.VMEM((ROWS_W,), jnp.float32),
            pltpu.VMEM((3 * EMBED_DIM,), jnp.float32),
            pltpu.VMEM((2 * EMBED_DIM,), jnp.float32),
            pltpu.VMEM((2, GSUB, 8, OUT_DIM), jnp.float32),
            pltpu.SemaphoreType.DMA,
        ],
    )
    return f(nt, niv, tab, wb)


def kernel(node_type, num_inverted_predecessors, embed_table, W, b):
    nt = node_type.astype(jnp.int32)
    wb = jnp.concatenate([W.T, b[None, :]], axis=0)
    out_g = _sc_call(nt, num_inverted_predecessors,
                     embed_table.reshape(-1), wb.reshape(-1))
    return out_g.reshape(N, OUT_DIM)

# --- scband reference (transcript-rebuilt; emitter-appended) ---
"""Pipeline reference for scband-graph-feature-extractor-78658031059102 (READ-ONLY COPY).

The authoritative reference and input builder live on the scoring server;
editing this copy changes nothing except your own understanding.
"""

import jax, jax.numpy as jnp
import numpy as np

NUM_NODE_TYPES = 3
EMBED_DIM = 16
N = 100000

def setup_inputs(seed: int = 0) -> dict:
    key = jax.random.key(seed)
    k1, k2, k3, k4, k5 = jax.random.split(key, 5)
    node_type = jax.random.randint(k1, (N,), 0, NUM_NODE_TYPES, dtype=jnp.int64 if jax.config.jax_enable_x64 else jnp.int32)
    num_inverted_predecessors = jax.random.uniform(k2, (N,), dtype=jnp.float32)
    embed_table = jax.random.normal(k3, (NUM_NODE_TYPES, EMBED_DIM), dtype=jnp.float32)
    W = jax.random.normal(k4, (EMBED_DIM, 1), dtype=jnp.float32) * (1.0 / np.sqrt(1.0))
    b = jax.random.normal(k5, (EMBED_DIM,), dtype=jnp.float32) * 0.01
    return {"node_type": node_type, "num_inverted_predecessors": num_inverted_predecessors, "embed_table": embed_table, "W": W, "b": b}

def reference(node_type, num_inverted_predecessors, embed_table, W, b):
    x = num_inverted_predecessors.reshape(-1, 1)
    numeric_embedded = x @ W.T + b
    node_type_embedded = jnp.take(embed_table, node_type, axis=0)
    node_features = jnp.concatenate([node_type_embedded, numeric_embedded], axis=-1)
    return node_features

if __name__ == "__main__":
    import jax
    _d = setup_inputs()
    print(jax.jit(kernel)(*tuple(_d.values())))

</pallas_src>

<mosaic_0001>
#map = affine_map<(d0, d1) -> (0)>
#map1 = affine_map<(d0, d1) -> (0, 0, 0)>
module attributes {stable_mosaic.version = 14 : i64} {
  func.func @_sc_body(%arg0: i32, %arg1: i32, %arg2: memref<100000xi32, #tpu.memory_space<hbm>>, %arg3: memref<100000xf32, #tpu.memory_space<hbm>>, %arg4: memref<48xf32, #tpu.memory_space<hbm>>, %arg5: memref<32xf32, #tpu.memory_space<hbm>>, %arg6: memref<12500x8x32xf32, #tpu.memory_space<hbm>>, %arg7: memref<3200xi32, #tpu.memory_space<vmem>>, %arg8: memref<3200xf32, #tpu.memory_space<vmem>>, %arg9: memref<48xf32, #tpu.memory_space<vmem>>, %arg10: memref<32xf32, #tpu.memory_space<vmem>>, %arg11: memref<2x50x8x32xf32, #tpu.memory_space<vmem>>, %arg12: memref<!tpu.dma_semaphore, #tpu.memory_space<semaphore_mem>>) attributes {dimension_semantics = [#tpu.dimension_semantics<core_parallel>, #tpu.dimension_semantics<subcore_parallel>], iteration_bounds = array<i64: 2, 16>, scalar_prefetch = 0 : i64, scratch_operands = 6 : i64, tpu.core_type = #tpu.core_type<sc_vector_subcore>, window_params = [{transform_indices = #map}, {transform_indices = #map}, {transform_indices = #map}, {transform_indices = #map}, {transform_indices = #map1}]} {
    %mul3A = arith.constant 2 : i32
    %mul3A_0 = arith.muli %arg1, %mul3A : i32
    %add3A = arith.addi %mul3A_0, %arg0 : i32
    %eq3A = arith.constant 31 : i32
    %eq3A_1 = arith.cmpi eq, %add3A, %eq3A : i32
    %mul3A_2 = arith.constant 3200 : i32
    %mul3A_3 = arith.muli %add3A, %mul3A_2 : i32
    "tpu.region"() ({
      %run_scoped3A = tpu.sem_alloc : memref<!tpu.dma_semaphore, #tpu.memory_space<semaphore_mem>>
      tpu.enqueue_dma source(%arg4 : memref<48xf32, #tpu.memory_space<hbm>>) target(%arg9 : memref<48xf32, #tpu.memory_space<vmem>>) target_semaphore(%run_scoped3A : memref<!tpu.dma_semaphore, #tpu.memory_space<semaphore_mem>>)
      tpu.wait_dma2 semaphore(%run_scoped3A : memref<!tpu.dma_semaphore, #tpu.memory_space<semaphore_mem>>) src(%arg4 : memref<48xf32, #tpu.memory_space<hbm>>) dst(%arg9 : memref<48xf32, #tpu.memory_space<vmem>>)
      tpu.yield
    }) : () -> ()
    "tpu.region"() ({
      %run_scoped3A = tpu.sem_alloc : memref<!tpu.dma_semaphore, #tpu.memory_space<semaphore_mem>>
      tpu.enqueue_dma source(%arg5 : memref<32xf32, #tpu.memory_space<hbm>>) target(%arg10 : memref<32xf32, #tpu.memory_space<vmem>>) target_semaphore(%run_scoped3A : memref<!tpu.dma_semaphore, #tpu.memory_space<semaphore_mem>>)
      tpu.wait_dma2 semaphore(%run_scoped3A : memref<!tpu.dma_semaphore, #tpu.memory_space<semaphore_mem>>) src(%arg5 : memref<32xf32, #tpu.memory_space<hbm>>) dst(%arg10 : memref<32xf32, #tpu.memory_space<vmem>>)
      tpu.yield
    }) : () -> ()
    %not3A = arith.constant true
    %not3A_4 = arith.xori %eq3A_1, %not3A : i1
    %convert_element_type3A = arith.extui %not3A_4 : i1 to i32
    %cond3A = arith.constant 0 : i32
    %cond3A_5 = arith.cmpi ne, %convert_element_type3A, %cond3A : i32
    scf.if %cond3A_5 {
      "tpu.region"() ({
        %run_scoped3A = tpu.sem_alloc : memref<!tpu.dma_semaphore, #tpu.memory_space<semaphore_mem>>
        %dma_start3A = tpu.memref_slice %arg2[%mul3A_3] : memref<100000xi32, #tpu.memory_space<hbm>> -> memref<3200xi32, #tpu.memory_space<hbm>>
        %dma_start3A_42 = tpu.memref_slice %arg2[%mul3A_3] : memref<100000xi32, #tpu.memory_space<hbm>> -> memref<3200xi32, #tpu.memory_space<hbm>>
        tpu.enqueue_dma source(%dma_start3A_42 : memref<3200xi32, #tpu.memory_space<hbm>>) target(%arg7 : memref<3200xi32, #tpu.memory_space<vmem>>) target_semaphore(%run_scoped3A : memref<!tpu.dma_semaphore, #tpu.memory_space<semaphore_mem>>)
        %dma_wait3A_43 = tpu.memref_slice %arg2[%mul3A_3] : memref<100000xi32, #tpu.memory_space<hbm>> -> memref<3200xi32, #tpu.memory_space<hbm>>
        %dma_wait3A_44 = tpu.memref_slice %arg2[%mul3A_3] : memref<100000xi32, #tpu.memory_space<hbm>> -> memref<3200xi32, #tpu.memory_space<hbm>>
        tpu.wait_dma2 semaphore(%run_scoped3A : memref<!tpu.dma_semaphore, #tpu.memory_space<semaphore_mem>>) src(%dma_wait3A_44 : memref<3200xi32, #tpu.memory_space<hbm>>) dst(%arg7 : memref<3200xi32, #tpu.memory_space<vmem>>)
        tpu.yield
      }) : () -> ()
      "tpu.region"() ({
        %run_scoped3A = tpu.sem_alloc : memref<!tpu.dma_semaphore, #tpu.memory_space<semaphore_mem>>
        %dma_start3A = tpu.memref_slice %arg3[%mul3A_3] : memref<100000xf32, #tpu.memory_space<hbm>> -> memref<3200xf32, #tpu.memory_space<hbm>>
        %dma_start3A_42 = tpu.memref_slice %arg3[%mul3A_3] : memref<100000xf32, #tpu.memory_space<hbm>> -> memref<3200xf32, #tpu.memory_space<hbm>>
        tpu.enqueue_dma source(%dma_start3A_42 : memref<3200xf32, #tpu.memory_space<hbm>>) target(%arg8 : memref<3200xf32, #tpu.memory_space<vmem>>) target_semaphore(%run_scoped3A : memref<!tpu.dma_semaphore, #tpu.memory_space<semaphore_mem>>)
        %dma_wait3A_43 = tpu.memref_slice %arg3[%mul3A_3] : memref<100000xf32, #tpu.memory_space<hbm>> -> memref<3200xf32, #tpu.memory_space<hbm>>
        %dma_wait3A_44 = tpu.memref_slice %arg3[%mul3A_3] : memref<100000xf32, #tpu.memory_space<hbm>> -> memref<3200xf32, #tpu.memory_space<hbm>>
        tpu.wait_dma2 semaphore(%run_scoped3A : memref<!tpu.dma_semaphore, #tpu.memory_space<semaphore_mem>>) src(%dma_wait3A_44 : memref<3200xf32, #tpu.memory_space<hbm>>) dst(%arg8 : memref<3200xf32, #tpu.memory_space<vmem>>)
        tpu.yield
      }) : () -> ()
    } else {
    }
    %convert_element_type3A_6 = arith.extui %eq3A_1 : i1 to i32
    %cond3A_7 = arith.constant 0 : i32
    %cond3A_8 = arith.cmpi ne, %convert_element_type3A_6, %cond3A_7 : i32
    scf.if %cond3A_8 {
      "tpu.region"() ({
        %run_scoped3A = tpu.sem_alloc : memref<!tpu.dma_semaphore, #tpu.memory_space<semaphore_mem>>
        %dma_start3A = arith.constant 0 : i32
        %dma_start3A_42 = tpu.memref_slice %arg7[%dma_start3A] : memref<3200xi32, #tpu.memory_space<vmem>> -> memref<800xi32, #tpu.memory_space<vmem>>
        %dma_start3A_43 = tpu.memref_slice %arg2[%mul3A_3] : memref<100000xi32, #tpu.memory_space<hbm>> -> memref<800xi32, #tpu.memory_space<hbm>>
        %dma_start3A_44 = arith.constant 0 : i32
        %dma_start3A_45 = tpu.memref_slice %arg7[%dma_start3A_44] : memref<3200xi32, #tpu.memory_space<vmem>> -> memref<800xi32, #tpu.memory_space<vmem>>
        %dma_start3A_46 = tpu.memref_slice %arg2[%mul3A_3] : memref<100000xi32, #tpu.memory_space<hbm>> -> memref<800xi32, #tpu.memory_space<hbm>>
        tpu.enqueue_dma source(%dma_start3A_46 : memref<800xi32, #tpu.memory_space<hbm>>) target(%dma_start3A_45 : memref<800xi32, #tpu.memory_space<vmem>>) target_semaphore(%run_scoped3A : memref<!tpu.dma_semaphore, #tpu.memory_space<semaphore_mem>>)
        %dma_wait3A_47 = arith.constant 0 : i32
        %dma_wait3A_48 = tpu.memref_slice %arg7[%dma_wait3A_47] : memref<3200xi32, #tpu.memory_space<vmem>> -> memref<800xi32, #tpu.memory_space<vmem>>
        %dma_wait3A_49 = tpu.memref_slice %arg2[%mul3A_3] : memref<100000xi32, #tpu.memory_space<hbm>> -> memref<800xi32, #tpu.memory_space<hbm>>
        %dma_wait3A_50 = arith.constant 0 : i32
        %dma_wait3A_51 = tpu.memref_slice %arg7[%dma_wait3A_50] : memref<3200xi32, #tpu.memory_space<vmem>> -> memref<800xi32, #tpu.memory_space<vmem>>
        %dma_wait3A_52 = tpu.memref_slice %arg2[%mul3A_3] : memref<100000xi32, #tpu.memory_space<hbm>> -> memref<800xi32, #tpu.memory_space<hbm>>
        tpu.wait_dma2 semaphore(%run_scoped3A : memref<!tpu.dma_semaphore, #tpu.memory_space<semaphore_mem>>) src(%dma_wait3A_52 : memref<800xi32, #tpu.memory_space<hbm>>) dst(%dma_wait3A_51 : memref<800xi32, #tpu.memory_space<vmem>>)
        tpu.yield
      }) : () -> ()
      "tpu.region"() ({
        %run_scoped3A = tpu.sem_alloc : memref<!tpu.dma_semaphore, #tpu.memory_space<semaphore_mem>>
        %dma_start3A = arith.constant 0 : i32
        %dma_start3A_42 = tpu.memref_slice %arg8[%dma_start3A] : memref<3200xf32, #tpu.memory_space<vmem>> -> memref<800xf32, #tpu.memory_space<vmem>>
        %dma_start3A_43 = tpu.memref_slice %arg3[%mul3A_3] : memref<100000xf32, #tpu.memory_space<hbm>> -> memref<800xf32, #tpu.memory_space<hbm>>
        %dma_start3A_44 = arith.constant 0 : i32
        %dma_start3A_45 = tpu.memref_slice %arg8[%dma_start3A_44] : memref<3200xf32, #tpu.memory_space<vmem>> -> memref<800xf32, #tpu.memory_space<vmem>>
        %dma_start3A_46 = tpu.memref_slice %arg3[%mul3A_3] : memref<100000xf32, #tpu.memory_space<hbm>> -> memref<800xf32, #tpu.memory_space<hbm>>
        tpu.enqueue_dma source(%dma_start3A_46 : memref<800xf32, #tpu.memory_space<hbm>>) target(%dma_start3A_45 : memref<800xf32, #tpu.memory_space<vmem>>) target_semaphore(%run_scoped3A : memref<!tpu.dma_semaphore, #tpu.memory_space<semaphore_mem>>)
        %dma_wait3A_47 = arith.constant 0 : i32
        %dma_wait3A_48 = tpu.memref_slice %arg8[%dma_wait3A_47] : memref<3200xf32, #tpu.memory_space<vmem>> -> memref<800xf32, #tpu.memory_space<vmem>>
        %dma_wait3A_49 = tpu.memref_slice %arg3[%mul3A_3] : memref<100000xf32, #tpu.memory_space<hbm>> -> memref<800xf32, #tpu.memory_space<hbm>>
        %dma_wait3A_50 = arith.constant 0 : i32
        %dma_wait3A_51 = tpu.memref_slice %arg8[%dma_wait3A_50] : memref<3200xf32, #tpu.memory_space<vmem>> -> memref<800xf32, #tpu.memory_space<vmem>>
        %dma_wait3A_52 = tpu.memref_slice %arg3[%mul3A_3] : memref<100000xf32, #tpu.memory_space<hbm>> -> memref<800xf32, #tpu.memory_space<hbm>>
        tpu.wait_dma2 semaphore(%run_scoped3A : memref<!tpu.dma_semaphore, #tpu.memory_space<semaphore_mem>>) src(%dma_wait3A_52 : memref<800xf32, #tpu.memory_space<hbm>>) dst(%dma_wait3A_51 : memref<800xf32, #tpu.memory_space<vmem>>)
        tpu.yield
      }) : () -> ()
    } else {
    }
    %get3A = arith.constant 0 : index
    %get3A_9 = tpu.vector_load %arg10[%get3A] {strides = array<i32>} : memref<32xf32, #tpu.memory_space<vmem>>, vector<16xf32>,
    %get3A_10 = arith.constant 16 : index
    %get3A_11 = tpu.vector_load %arg10[%get3A_10] {strides = array<i32>} : memref<32xf32, #tpu.memory_space<vmem>>, vector<16xf32>,
    %iota3A = tpu.iota {dimensions = array<i32: 0>} : vector<16xi32>
    %mul3A_12 = arith.constant 400 : i32
    %mul3A_13 = arith.muli %add3A, %mul3A_12 : i32
    %jit3A = arith.constant 2 : i32
    %jit3A_14 = arith.constant 8 : i32
    %select_n3A = arith.select %eq3A_1, %jit3A, %jit3A_14 : i32
    %while3A = arith.constant 0 : i32
    %while3A_15 = arith.constant 0 : i32
    %while3A_16 = arith.subi %select_n3A, %while3A_15 : i32
    %while3A_17 = arith.addi %while3A_15, %while3A_16 : i32
    %while3A_18 = arith.constant 1 : i32
    %while3A_19 = arith.divsi %while3A_16, %while3A_18 : i32
    %while3A_20 = arith.muli %while3A_19, %while3A_18 : i32
    %while3A_21 = arith.addi %while3A_15, %while3A_20 : i32
    %while3A_22 = arith.constant 1 : i32
    scf.for %while3A_42 = %while3A_15 to %while3A_21 step %while3A_22  : i32 {
      %rem3A = arith.constant 2 : i32
      %rem3A_43 = arith.remsi %while3A_42, %rem3A : i32
      %parallel_loop3A = arith.constant 0 : i32
      %parallel_loop3A_44 = arith.constant 25 : i32
      %parallel_loop3A_45 = arith.constant 1 : i32
      scf.for %parallel_loop3A_68 = %parallel_loop3A to %parallel_loop3A_44 step %parallel_loop3A_45  : i32 {
        %parallel_loop3A_69 = arith.constant 400 : i32
        %parallel_loop3A_70 = arith.muli %while3A_42, %parallel_loop3A_69 : i32
        %parallel_loop3A_71 = arith.constant 16 : i32
        %parallel_loop3A_72 = arith.muli %parallel_loop3A_68, %parallel_loop3A_71 : i32
        %parallel_loop3A_73 = arith.addi %parallel_loop3A_70, %parallel_loop3A_72 : i32
        %parallel_loop3A_74 = arith.index_cast %parallel_loop3A_73 : i32 to index
        %parallel_loop3A_75 = tpu.vector_load %arg7[%parallel_loop3A_74] {strides = array<i32>} : memref<3200xi32, #tpu.memory_space<vmem>>, vector<16xi32>,
        %parallel_loop3A_76 = arith.index_cast %parallel_loop3A_73 : i32 to index
        %parallel_loop3A_77 = tpu.vector_load %arg8[%parallel_loop3A_76] {strides = array<i32>} : memref<3200xf32, #tpu.memory_space<vmem>>, vector<16xf32>,
        %parallel_loop3A_78 = arith.constant 0 : i32
        %parallel_loop3A_79 = vector.broadcast %parallel_loop3A_78 : i32 to vector<16xi32>
        %parallel_loop3A_80 = arith.constant 0 : i32
        %parallel_loop3A_81 = vector.broadcast %parallel_loop3A_80 : i32 to vector<16xi32>
        %parallel_loop3A_82 = arith.cmpi slt, %parallel_loop3A_79, %parallel_loop3A_81 : vector<16xi32>
        %parallel_loop3A_83 = arith.constant 16 : i32
        %parallel_loop3A_84 = vector.broadcast %parallel_loop3A_83 : i32 to vector<16xi32>
        %parallel_loop3A_85 = arith.addi %parallel_loop3A_79, %parallel_loop3A_84 : vector<16xi32>
        %parallel_loop3A_86 = arith.select %parallel_loop3A_82, %parallel_loop3A_85, %parallel_loop3A_79 : vector<16xi1>, vector<16xi32>
        %parallel_loop3A_87 = vector.shape_cast %parallel_loop3A_86 : vector<16xi32> to vector<16x1xi32>
        %parallel_loop3A_88 = vector.shape_cast %parallel_loop3A_87 : vector<16x1xi32> to vector<16xi32>
        %parallel_loop3A_89 = tpu.dynamic_gather %parallel_loop3A_75[%parallel_loop3A_88] in [0] : vector<16xi32>, vector<16xi32> -> vector<16xi32>
        %parallel_loop3A_90 = arith.constant 0 : i32
        %parallel_loop3A_91 = vector.broadcast %parallel_loop3A_90 : i32 to vector<16xi32>
        %parallel_loop3A_92 = arith.cmpi slt, %parallel_loop3A_79, %parallel_loop3A_91 : vector<16xi32>
        %parallel_loop3A_93 = arith.constant 16 : i32
        %parallel_loop3A_94 = vector.broadcast %parallel_loop3A_93 : i32 to vector<16xi32>
        %parallel_loop3A_95 = arith.addi %parallel_loop3A_79, %parallel_loop3A_94 : vector<16xi32>
        %parallel_loop3A_96 = arith.select %parallel_loop3A_92, %parallel_loop3A_95, %parallel_loop3A_79 : vector<16xi1>, vector<16xi32>
        %parallel_loop3A_97 = vector.shape_cast %parallel_loop3A_96 : vector<16xi32> to vector<16x1xi32>
        %parallel_loop3A_98 = vector.shape_cast %parallel_loop3A_97 : vector<16x1xi32> to vector<16xi32>
        %parallel_loop3A_99 = tpu.dynamic_gather %parallel_loop3A_77[%parallel_loop3A_98] in [0] : vector<16xf32>, vector<16xi32> -> vector<16xf32>
        %parallel_loop3A_100 = arith.constant 16 : i32
        %parallel_loop3A_101 = vector.broadcast %parallel_loop3A_100 : i32 to vector<16xi32>
        %parallel_loop3A_102 = arith.muli %parallel_loop3A_89, %parallel_loop3A_101 : vector<16xi32>
        %parallel_loop3A_103 = arith.addi %parallel_loop3A_102, %iota3A : vector<16xi32>
        %parallel_loop3A_104 = tpu.vector_load_idx %arg9[%parallel_loop3A_103] : memref<48xf32, #tpu.memory_space<vmem>>[vector<16xi32>], vector<16xf32>,
        %parallel_loop3A_105 = arith.constant 2 : i32
        %parallel_loop3A_106 = arith.muli %parallel_loop3A_105, %parallel_loop3A_68 : i32
        %parallel_loop3A_107 = arith.constant 0 : i32
        %parallel_loop3A_108 = arith.addi %parallel_loop3A_106, %parallel_loop3A_107 : i32
        %parallel_loop3A_109 = arith.constant 0 : i32
        %parallel_loop3A_110 = arith.index_cast %rem3A_43 : i32 to index
        %parallel_loop3A_111 = arith.index_cast %parallel_loop3A_108 : i32 to index
        %parallel_loop3A_112 = arith.index_cast %parallel_loop3A_109 : i32 to index
        %parallel_loop3A_113 = arith.constant 0 : index
        %parallel_loop3A_114 = tpu.vector_load %arg11[%parallel_loop3A_110, %parallel_loop3A_111, %parallel_loop3A_112, %parallel_loop3A_113] {strides = array<i32>} : memref<2x50x8x32xf32, #tpu.memory_space<vmem>>, vector<16xf32>,
        tpu.vector_store %arg11[%parallel_loop3A_110, %parallel_loop3A_111, %parallel_loop3A_112, %parallel_loop3A_113], %parallel_loop3A_104 {strides = array<i32>} : memref<2x50x8x32xf32, #tpu.memory_space<vmem>>, vector<16xf32>,
        %parallel_loop3A_115 = arith.mulf %parallel_loop3A_99, %get3A_9 : vector<16xf32>
        %parallel_loop3A_116 = arith.addf %parallel_loop3A_115, %get3A_11 : vector<16xf32>
        %parallel_loop3A_117 = arith.constant 0 : i32
        %parallel_loop3A_118 = arith.index_cast %rem3A_43 : i32 to index
        %parallel_loop3A_119 = arith.index_cast %parallel_loop3A_108 : i32 to index
        %parallel_loop3A_120 = arith.index_cast %parallel_loop3A_117 : i32 to index
        %parallel_loop3A_121 = arith.constant 16 : index
        %parallel_loop3A_122 = tpu.vector_load %arg11[%parallel_loop3A_118, %parallel_loop3A_119, %parallel_loop3A_120, %parallel_loop3A_121] {strides = array<i32>} : memref<2x50x8x32xf32, #tpu.memory_space<vmem>>, vector<16xf32>,
        tpu.vector_store %arg11[%parallel_loop3A_118, %parallel_loop3A_119, %parallel_loop3A_120, %parallel_loop3A_121], %parallel_loop3A_116 {strides = array<i32>} : memref<2x50x8x32xf32, #tpu.memory_space<vmem>>, vector<16xf32>,
        %parallel_loop3A_123 = arith.constant 1 : i32
        %parallel_loop3A_124 = vector.broadcast %parallel_loop3A_123 : i32 to vector<16xi32>
        %parallel_loop3A_125 = arith.constant 0 : i32
        %parallel_loop3A_126 = vector.broadcast %parallel_loop3A_125 : i32 to vector<16xi32>
        %parallel_loop3A_127 = arith.cmpi slt, %parallel_loop3A_124, %parallel_loop3A_126 : vector<16xi32>
        %parallel_loop3A_128 = arith.constant 16 : i32
        %parallel_loop3A_129 = vector.broadcast %parallel_loop3A_128 : i32 to vector<16xi32>
        %parallel_loop3A_130 = arith.addi %parallel_loop3A_124, %parallel_loop3A_129 : vector<16xi32>
        %parallel_loop3A_131 = arith.select %parallel_loop3A_127, %parallel_loop3A_130, %parallel_loop3A_124 : vector<16xi1>, vector<16xi32>
        %parallel_loop3A_132 = vector.shape_cast %parallel_loop3A_131 : vector<16xi32> to vector<16x1xi32>
        %parallel_loop3A_133 = vector.shape_cast %parallel_loop3A_132 : vector<16x1xi32> to vector<16xi32>
        %parallel_loop3A_134 = tpu.dynamic_gather %parallel_loop3A_75[%parallel_loop3A_133] in [0] : vector<16xi32>, vector<16xi32> -> vector<16xi32>
        %parallel_loop3A_135 = arith.constant 0 : i32
        %parallel_loop3A_136 = vector.broadcast %parallel_loop3A_135 : i32 to vector<16xi32>
        %parallel_loop3A_137 = arith.cmpi slt, %parallel_loop3A_124, %parallel_loop3A_136 : vector<16xi32>
        %parallel_loop3A_138 = arith.constant 16 : i32
        %parallel_loop3A_139 = vector.broadcast %parallel_loop3A_138 : i32 to vector<16xi32>
        %parallel_loop3A_140 = arith.addi %parallel_loop3A_124, %parallel_loop3A_139 : vector<16xi32>
        %parallel_loop3A_141 = arith.select %parallel_loop3A_137, %parallel_loop3A_140, %parallel_loop3A_124 : vector<16xi1>, vector<16xi32>
        %parallel_loop3A_142 = vector.shape_cast %parallel_loop3A_141 : vector<16xi32> to vector<16x1xi32>
        %parallel_loop3A_143 = vector.shape_cast %parallel_loop3A_142 : vector<16x1xi32> to vector<16xi32>
        %parallel_loop3A_144 = tpu.dynamic_gather %parallel_loop3A_77[%parallel_loop3A_143] in [0] : vector<16xf32>, vector<16xi32> -> vector<16xf32>
        %parallel_loop3A_145 = arith.constant 16 : i32
        %parallel_loop3A_146 = vector.broadcast %parallel_loop3A_145 : i32 to vector<16xi32>
        %parallel_loop3A_147 = arith.muli %parallel_loop3A_134, %parallel_loop3A_146 : vector<16xi32>
        %parallel_loop3A_148 = arith.addi %parallel_loop3A_147, %iota3A : vector<16xi32>
        %parallel_loop3A_149 = tpu.vector_load_idx %arg9[%parallel_loop3A_148] : memref<48xf32, #tpu.memory_space<vmem>>[vector<16xi32>], vector<16xf32>,
        %parallel_loop3A_150 = arith.constant 2 : i32
        %parallel_loop3A_151 = arith.muli %parallel_loop3A_150, %parallel_loop3A_68 : i32
        %parallel_loop3A_152 = arith.constant 0 : i32
        %parallel_loop3A_153 = arith.addi %parallel_loop3A_151, %parallel_loop3A_152 : i32
        %parallel_loop3A_154 = arith.constant 1 : i32
        %parallel_loop3A_155 = arith.index_cast %rem3A_43 : i32 to index
        %parallel_loop3A_156 = arith.index_cast %parallel_loop3A_153 : i32 to index
        %parallel_loop3A_157 = arith.index_cast %parallel_loop3A_154 : i32 to index
        %parallel_loop3A_158 = arith.constant 0 : index
        %parallel_loop3A_159 = tpu.vector_load %arg11[%parallel_loop3A_155, %parallel_loop3A_156, %parallel_loop3A_157, %parallel_loop3A_158] {strides = array<i32>} : memref<2x50x8x32xf32, #tpu.memory_space<vmem>>, vector<16xf32>,
        tpu.vector_store %arg11[%parallel_loop3A_155, %parallel_loop3A_156, %parallel_loop3A_157, %parallel_loop3A_158], %parallel_loop3A_149 {strides = array<i32>} : memref<2x50x8x32xf32, #tpu.memory_space<vmem>>, vector<16xf32>,
        %parallel_loop3A_160 = arith.mulf %parallel_loop3A_144, %get3A_9 : vector<16xf32>
        %parallel_loop3A_161 = arith.addf %parallel_loop3A_160, %get3A_11 : vector<16xf32>
        %parallel_loop3A_162 = arith.constant 1 : i32
        %parallel_loop3A_163 = arith.index_cast %rem3A_43 : i32 to index
        %parallel_loop3A_164 = arith.index_cast %parallel_loop3A_153 : i32 to index
        %parallel_loop3A_165 = arith.index_cast %parallel_loop3A_162 : i32 to index
        %parallel_loop3A_166 = arith.constant 16 : index
        %parallel_loop3A_167 = tpu.vector_load %arg11[%parallel_loop3A_163, %parallel_loop3A_164, %parallel_loop3A_165, %parallel_loop3A_166] {strides = array<i32>} : memref<2x50x8x32xf32, #tpu.memory_space<vmem>>, vector<16xf32>,
        tpu.vector_store %arg11[%parallel_loop3A_163, %parallel_loop3A_164, %parallel_loop3A_165, %parallel_loop3A_166], %parallel_loop3A_161 {strides = array<i32>} : memref<2x50x8x32xf32, #tpu.memory_space<vmem>>, vector<16xf32>,
        %parallel_loop3A_168 = arith.constant 2 : i32
        %parallel_loop3A_169 = vector.broadcast %parallel_loop3A_168 : i32 to vector<16xi32>
        %parallel_loop3A_170 = arith.constant 0 : i32
        %parallel_loop3A_171 = vector.broadcast %parallel_loop3A_170 : i32 to vector<16xi32>
        %parallel_loop3A_172 = arith.cmpi slt, %parallel_loop3A_169, %parallel_loop3A_171 : vector<16xi32>
        %parallel_loop3A_173 = arith.constant 16 : i32
        %parallel_loop3A_174 = vector.broadcast %parallel_loop3A_173 : i32 to vector<16xi32>
        %parallel_loop3A_175 = arith.addi %parallel_loop3A_169, %parallel_loop3A_174 : vector<16xi32>
        %parallel_loop3A_176 = arith.select %parallel_loop3A_172, %parallel_loop3A_175, %parallel_loop3A_169 : vector<16xi1>, vector<16xi32>
        %parallel_loop3A_177 = vector.shape_cast %parallel_loop3A_176 : vector<16xi32> to vector<16x1xi32>
        %parallel_loop3A_178 = vector.shape_cast %parallel_loop3A_177 : vector<16x1xi32> to vector<16xi32>
        %parallel_loop3A_179 = tpu.dynamic_gather %parallel_loop3A_75[%parallel_loop3A_178] in [0] : vector<16xi32>, vector<16xi32> -> vector<16xi32>
        %parallel_loop3A_180 = arith.constant 0 : i32
        %parallel_loop3A_181 = vector.broadcast %parallel_loop3A_180 : i32 to vector<16xi32>
        %parallel_loop3A_182 = arith.cmpi slt, %parallel_loop3A_169, %parallel_loop3A_181 : vector<16xi32>
        %parallel_loop3A_183 = arith.constant 16 : i32
        %parallel_loop3A_184 = vector.broadcast %parallel_loop3A_183 : i32 to vector<16xi32>
        %parallel_loop3A_185 = arith.addi %parallel_loop3A_169, %parallel_loop3A_184 : vector<16xi32>
        %parallel_loop3A_186 = arith.select %parallel_loop3A_182, %parallel_loop3A_185, %parallel_loop3A_169 : vector<16xi1>, vector<16xi32>
        %parallel_loop3A_187 = vector.shape_cast %parallel_loop3A_186 : vector<16xi32> to vector<16x1xi32>
        %parallel_loop3A_188 = vector.shape_cast %parallel_loop3A_187 : vector<16x1xi32> to vector<16xi32>
        %parallel_loop3A_189 = tpu.dynamic_gather %parallel_loop3A_77[%parallel_loop3A_188] in [0] : vector<16xf32>, vector<16xi32> -> vector<16xf32>
        %parallel_loop3A_190 = arith.constant 16 : i32
        %parallel_loop3A_191 = vector.broadcast %parallel_loop3A_190 : i32 to vector<16xi32>
        %parallel_loop3A_192 = arith.muli %parallel_loop3A_179, %parallel_loop3A_191 : vector<16xi32>
        %parallel_loop3A_193 = arith.addi %parallel_loop3A_192, %iota3A : vector<16xi32>
        %parallel_loop3A_194 = tpu.vector_load_idx %arg9[%parallel_loop3A_193] : memref<48xf32, #tpu.memory_space<vmem>>[vector<16xi32>], vector<16xf32>,
        %parallel_loop3A_195 = arith.constant 2 : i32
        %parallel_loop3A_196 = arith.muli %parallel_loop3A_195, %parallel_loop3A_68 : i32
        %parallel_loop3A_197 = arith.constant 0 : i32
        %parallel_loop3A_198 = arith.addi %parallel_loop3A_196, %parallel_loop3A_197 : i32
        %parallel_loop3A_199 = arith.constant 2 : i32
        %parallel_loop3A_200 = arith.index_cast %rem3A_43 : i32 to index
        %parallel_loop3A_201 = arith.index_cast %parallel_loop3A_198 : i32 to index
        %parallel_loop3A_202 = arith.index_cast %parallel_loop3A_199 : i32 to index
        %parallel_loop3A_203 = arith.constant 0 : index
        %parallel_loop3A_204 = tpu.vector_load %arg11[%parallel_loop3A_200, %parallel_loop3A_201, %parallel_loop3A_202, %parallel_loop3A_203] {strides = array<i32>} : memref<2x50x8x32xf32, #tpu.memory_space<vmem>>, vector<16xf32>,
        tpu.vector_store %arg11[%parallel_loop3A_200, %parallel_loop3A_201, %parallel_loop3A_202, %parallel_loop3A_203], %parallel_loop3A_194 {strides = array<i32>} : memref<2x50x8x32xf32, #tpu.memory_space<vmem>>, vector<16xf32>,
        %parallel_loop3A_205 = arith.mulf %parallel_loop3A_189, %get3A_9 : vector<16xf32>
        %parallel_loop3A_206 = arith.addf %parallel_loop3A_205, %get3A_11 : vector<16xf32>
        %parallel_loop3A_207 = arith.constant 2 : i32
        %parallel_loop3A_208 = arith.index_cast %rem3A_43 : i32 to index
        %parallel_loop3A_209 = arith.index_cast %parallel_loop3A_198 : i32 to index
        %parallel_loop3A_210 = arith.index_cast %parallel_loop3A_207 : i32 to index
        %parallel_loop3A_211 = arith.constant 16 : index
        %parallel_loop3A_212 = tpu.vector_load %arg11[%parallel_loop3A_208, %parallel_loop3A_209, %parallel_loop3A_210, %parallel_loop3A_211] {strides = array<i32>} : memref<2x50x8x32xf32, #tpu.memory_space<vmem>>, vector<16xf32>,
        tpu.vector_store %arg11[%parallel_loop3A_208, %parallel_loop3A_209, %parallel_loop3A_210, %parallel_loop3A_211], %parallel_loop3A_206 {strides = array<i32>} : memref<2x50x8x32xf32, #tpu.memory_space<vmem>>, vector<16xf32>,
        %parallel_loop3A_213 = arith.constant 3 : i32
        %parallel_loop3A_214 = vector.broadcast %parallel_loop3A_213 : i32 to vector<16xi32>
        %parallel_loop3A_215 = arith.constant 0 : i32
        %parallel_loop3A_216 = vector.broadcast %parallel_loop3A_215 : i32 to vector<16xi32>
        %parallel_loop3A_217 = arith.cmpi slt, %parallel_loop3A_214, %parallel_loop3A_216 : vector<16xi32>
        %parallel_loop3A_218 = arith.constant 16 : i32
        %parallel_loop3A_219 = vector.broadcast %parallel_loop3A_218 : i32 to vector<16xi32>
        %parallel_loop3A_220 = arith.addi %parallel_loop3A_214, %parallel_loop3A_219 : vector<16xi32>
        %parallel_loop3A_221 = arith.select %parallel_loop3A_217, %parallel_loop3A_220, %parallel_loop3A_214 : vector<16xi1>, vector<16xi32>
        %parallel_loop3A_222 = vector.shape_cast %parallel_loop3A_221 : vector<16xi32> to vector<16x1xi32>
        %parallel_loop3A_223 = vector.shape_cast %parallel_loop3A_222 : vector<16x1xi32> to vector<16xi32>
        %parallel_loop3A_224 = tpu.dynamic_gather %parallel_loop3A_75[%parallel_loop3A_223] in [0] : vector<16xi32>, vector<16xi32> -> vector<16xi32>
        %parallel_loop3A_225 = arith.constant 0 : i32
        %parallel_loop3A_226 = vector.broadcast %parallel_loop3A_225 : i32 to vector<16xi32>
        %parallel_loop3A_227 = arith.cmpi slt, %parallel_loop3A_214, %parallel_loop3A_226 : vector<16xi32>
        %parallel_loop3A_228 = arith.constant 16 : i32
        %parallel_loop3A_229 = vector.broadcast %parallel_loop3A_228 : i32 to vector<16xi32>
        %parallel_loop3A_230 = arith.addi %parallel_loop3A_214, %parallel_loop3A_229 : vector<16xi32>
        %parallel_loop3A_231 = arith.select %parallel_loop3A_227, %parallel_loop3A_230, %parallel_loop3A_214 : vector<16xi1>, vector<16xi32>
        %parallel_loop3A_232 = vector.shape_cast %parallel_loop3A_231 : vector<16xi32> to vector<16x1xi32>
        %parallel_loop3A_233 = vector.shape_cast %parallel_loop3A_232 : vector<16x1xi32> to vector<16xi32>
        %parallel_loop3A_234 = tpu.dynamic_gather %parallel_loop3A_77[%parallel_loop3A_233] in [0] : vector<16xf32>, vector<16xi32> -> vector<16xf32>
        %parallel_loop3A_235 = arith.constant 16 : i32
        %parallel_loop3A_236 = vector.broadcast %parallel_loop3A_235 : i32 to vector<16xi32>
        %parallel_loop3A_237 = arith.muli %parallel_loop3A_224, %parallel_loop3A_236 : vector<16xi32>
        %parallel_loop3A_238 = arith.addi %parallel_loop3A_237, %iota3A : vector<16xi32>
        %parallel_loop3A_239 = tpu.vector_load_idx %arg9[%parallel_loop3A_238] : memref<48xf32, #tpu.memory_space<vmem>>[vector<16xi32>], vector<16xf32>,
        %parallel_loop3A_240 = arith.constant 2 : i32
        %parallel_loop3A_241 = arith.muli %parallel_loop3A_240, %parallel_loop3A_68 : i32
        %parallel_loop3A_242 = arith.constant 0 : i32
        %parallel_loop3A_243 = arith.addi %parallel_loop3A_241, %parallel_loop3A_242 : i32
        %parallel_loop3A_244 = arith.constant 3 : i32
        %parallel_loop3A_245 = arith.index_cast %rem3A_43 : i32 to index
        %parallel_loop3A_246 = arith.index_cast %parallel_loop3A_243 : i32 to index
        %parallel_loop3A_247 = arith.index_cast %parallel_loop3A_244 : i32 to index
        %parallel_loop3A_248 = arith.constant 0 : index
        %parallel_loop3A_249 = tpu.vector_load %arg11[%parallel_loop3A_245, %parallel_loop3A_246, %parallel_loop3A_247, %parallel_loop3A_248] {strides = array<i32>} : memref<2x50x8x32xf32, #tpu.memory_space<vmem>>, vector<16xf32>,
        tpu.vector_store %arg11[%parallel_loop3A_245, %parallel_loop3A_246, %parallel_loop3A_247, %parallel_loop3A_248], %parallel_loop3A_239 {strides = array<i32>} : memref<2x50x8x32xf32, #tpu.memory_space<vmem>>, vector<16xf32>,
        %parallel_loop3A_250 = arith.mulf %parallel_loop3A_234, %get3A_9 : vector<16xf32>
        %parallel_loop3A_251 = arith.addf %parallel_loop3A_250, %get3A_11 : vector<16xf32>
        %parallel_loop3A_252 = arith.constant 3 : i32
        %parallel_loop3A_253 = arith.index_cast %rem3A_43 : i32 to index
        %parallel_loop3A_254 = arith.index_cast %parallel_loop3A_243 : i32 to index
        %parallel_loop3A_255 = arith.index_cast %parallel_loop3A_252 : i32 to index
        %parallel_loop3A_256 = arith.constant 16 : index
        %parallel_loop3A_257 = tpu.vector_load %arg11[%parallel_loop3A_253, %parallel_loop3A_254, %parallel_loop3A_255, %parallel_loop3A_256] {strides = array<i32>} : memref<2x50x8x32xf32, #tpu.memory_space<vmem>>, vector<16xf32>,
        tpu.vector_store %arg11[%parallel_loop3A_253, %parallel_loop3A_254, %parallel_loop3A_255, %parallel_loop3A_256], %parallel_loop3A_251 {strides = array<i32>} : memref<2x50x8x32xf32, #tpu.memory_space<vmem>>, vector<16xf32>,
        %parallel_loop3A_258 = arith.constant 4 : i32
        %parallel_loop3A_259 = vector.broadcast %parallel_loop3A_258 : i32 to vector<16xi32>
        %parallel_loop3A_260 = arith.constant 0 : i32
        %parallel_loop3A_261 = vector.broadcast %parallel_loop3A_260 : i32 to vector<16xi32>
        %parallel_loop3A_262 = arith.cmpi slt, %parallel_loop3A_259, %parallel_loop3A_261 : vector<16xi32>
        %parallel_loop3A_263 = arith.constant 16 : i32
        %parallel_loop3A_264 = vector.broadcast %parallel_loop3A_263 : i32 to vector<16xi32>
        %parallel_loop3A_265 = arith.addi %parallel_loop3A_259, %parallel_loop3A_264 : vector<16xi32>
        %parallel_loop3A_266 = arith.select %parallel_loop3A_262, %parallel_loop3A_265, %parallel_loop3A_259 : vector<16xi1>, vector<16xi32>
        %parallel_loop3A_267 = vector.shape_cast %parallel_loop3A_266 : vector<16xi32> to vector<16x1xi32>
        %parallel_loop3A_268 = vector.shape_cast %parallel_loop3A_267 : vector<16x1xi32> to vector<16xi32>
        %parallel_loop3A_269 = tpu.dynamic_gather %parallel_loop3A_75[%parallel_loop3A_268] in [0] : vector<16xi32>, vector<16xi32> -> vector<16xi32>
        %parallel_loop3A_270 = arith.constant 0 : i32
        %parallel_loop3A_271 = vector.broadcast %parallel_loop3A_270 : i32 to vector<16xi32>
        %parallel_loop3A_272 = arith.cmpi slt, %parallel_loop3A_259, %parallel_loop3A_271 : vector<16xi32>
        %parallel_loop3A_273 = arith.constant 16 : i32
        %parallel_loop3A_274 = vector.broadcast %parallel_loop3A_273 : i32 to vector<16xi32>
        %parallel_loop3A_275 = arith.addi %parallel_loop3A_259, %parallel_loop3A_274 : vector<16xi32>
        %parallel_loop3A_276 = arith.select %parallel_loop3A_272, %parallel_loop3A_275, %parallel_loop3A_259 : vector<16xi1>, vector<16xi32>
        %parallel_loop3A_277 = vector.shape_cast %parallel_loop3A_276 : vector<16xi32> to vector<16x1xi32>
        %parallel_loop3A_278 = vector.shape_cast %parallel_loop3A_277 : vector<16x1xi32> to vector<16xi32>
        %parallel_loop3A_279 = tpu.dynamic_gather %parallel_loop3A_77[%parallel_loop3A_278] in [0] : vector<16xf32>, vector<16xi32> -> vector<16xf32>
        %parallel_loop3A_280 = arith.constant 16 : i32
        %parallel_loop3A_281 = vector.broadcast %parallel_loop3A_280 : i32 to vector<16xi32>
        %parallel_loop3A_282 = arith.muli %parallel_loop3A_269, %parallel_loop3A_281 : vector<16xi32>
        %parallel_loop3A_283 = arith.addi %parallel_loop3A_282, %iota3A : vector<16xi32>
        %parallel_loop3A_284 = tpu.vector_load_idx %arg9[%parallel_loop3A_283] : memref<48xf32, #tpu.memory_space<vmem>>[vector<16xi32>], vector<16xf32>,
        %parallel_loop3A_285 = arith.constant 2 : i32
        %parallel_loop3A_286 = arith.muli %parallel_loop3A_285, %parallel_loop3A_68 : i32
        %parallel_loop3A_287 = arith.constant 0 : i32
        %parallel_loop3A_288 = arith.addi %parallel_loop3A_286, %parallel_loop3A_287 : i32
        %parallel_loop3A_289 = arith.constant 4 : i32
        %parallel_loop3A_290 = arith.index_cast %rem3A_43 : i32 to index
        %parallel_loop3A_291 = arith.index_cast %parallel_loop3A_288 : i32 to index
        %parallel_loop3A_292 = arith.index_cast %parallel_loop3A_289 : i32 to index
        %parallel_loop3A_293 = arith.constant 0 : index
        %parallel_loop3A_294 = tpu.vector_load %arg11[%parallel_loop3A_290, %parallel_loop3A_291, %parallel_loop3A_292, %parallel_loop3A_293] {strides = array<i32>} : memref<2x50x8x32xf32, #tpu.memory_space<vmem>>, vector<16xf32>,
        tpu.vector_store %arg11[%parallel_loop3A_290, %parallel_loop3A_291, %parallel_loop3A_292, %parallel_loop3A_293], %parallel_loop3A_284 {strides = array<i32>} : memref<2x50x8x32xf32, #tpu.memory_space<vmem>>, vector<16xf32>,
        %parallel_loop3A_295 = arith.mulf %parallel_loop3A_279, %get3A_9 : vector<16xf32>
        %parallel_loop3A_296 = arith.addf %parallel_loop3A_295, %get3A_11 : vector<16xf32>
        %parallel_loop3A_297 = arith.constant 4 : i32
        %parallel_loop3A_298 = arith.index_cast %rem3A_43 : i32 to index
        %parallel_loop3A_299 = arith.index_cast %parallel_loop3A_288 : i32 to index
        %parallel_loop3A_300 = arith.index_cast %parallel_loop3A_297 : i32 to index
        %parallel_loop3A_301 = arith.constant 16 : index
        %parallel_loop3A_302 = tpu.vector_load %arg11[%parallel_loop3A_298, %parallel_loop3A_299, %parallel_loop3A_300, %parallel_loop3A_301] {strides = array<i32>} : memref<2x50x8x32xf32, #tpu.memory_space<vmem>>, vector<16xf32>,
        tpu.vector_store %arg11[%parallel_loop3A_298, %parallel_loop3A_299, %parallel_loop3A_300, %parallel_loop3A_301], %parallel_loop3A_296 {strides = array<i32>} : memref<2x50x8x32xf32, #tpu.memory_space<vmem>>, vector<16xf32>,
        %parallel_loop3A_303 = arith.constant 5 : i32
        %parallel_loop3A_304 = vector.broadcast %parallel_loop3A_303 : i32 to vector<16xi32>
        %parallel_loop3A_305 = arith.constant 0 : i32
        %parallel_loop3A_306 = vector.broadcast %parallel_loop3A_305 : i32 to vector<16xi32>
        %parallel_loop3A_307 = arith.cmpi slt, %parallel_loop3A_304, %parallel_loop3A_306 : vector<16xi32>
        %parallel_loop3A_308 = arith.constant 16 : i32
        %parallel_loop3A_309 = vector.broadcast %parallel_loop3A_308 : i32 to vector<16xi32>
        %parallel_loop3A_310 = arith.addi %parallel_loop3A_304, %parallel_loop3A_309 : vector<16xi32>
        %parallel_loop3A_311 = arith.select %parallel_loop3A_307, %parallel_loop3A_310, %parallel_loop3A_304 : vector<16xi1>, vector<16xi32>
        %parallel_loop3A_312 = vector.shape_cast %parallel_loop3A_311 : vector<16xi32> to vector<16x1xi32>
        %parallel_loop3A_313 = vector.shape_cast %parallel_loop3A_312 : vector<16x1xi32> to vector<16xi32>
        %parallel_loop3A_314 = tpu.dynamic_gather %parallel_loop3A_75[%parallel_loop3A_313] in [0] : vector<16xi32>, vector<16xi32> -> vector<16xi32>
        %parallel_loop3A_315 = arith.constant 0 : i32
        %parallel_loop3A_316 = vector.broadcast %parallel_loop3A_315 : i32 to vector<16xi32>
        %parallel_loop3A_317 = arith.cmpi slt, %parallel_loop3A_304, %parallel_loop3A_316 : vector<16xi32>
        %parallel_loop3A_318 = arith.constant 16 : i32
        %parallel_loop3A_319 = vector.broadcast %parallel_loop3A_318 : i32 to vector<16xi32>
        %parallel_loop3A_320 = arith.addi %parallel_loop3A_304, %parallel_loop3A_319 : vector<16xi32>
        %parallel_loop3A_321 = arith.select %parallel_loop3A_317, %parallel_loop3A_320, %parallel_loop3A_304 : vector<16xi1>, vector<16xi32>
        %parallel_loop3A_322 = vector.shape_cast %parallel_loop3A_321 : vector<16xi32> to vector<16x1xi32>
        %parallel_loop3A_323 = vector.shape_cast %parallel_loop3A_322 : vector<16x1xi32> to vector<16xi32>
        %parallel_loop3A_324 = tpu.dynamic_gather %parallel_loop3A_77[%parallel_loop3A_323] in [0] : vector<16xf32>, vector<16xi32> -> vector<16xf32>
        %parallel_loop3A_325 = arith.constant 16 : i32
        %parallel_loop3A_326 = vector.broadcast %parallel_loop3A_325 : i32 to vector<16xi32>
        %parallel_loop3A_327 = arith.muli %parallel_loop3A_314, %parallel_loop3A_326 : vector<16xi32>
        %parallel_loop3A_328 = arith.addi %parallel_loop3A_327, %iota3A : vector<16xi32>
        %parallel_loop3A_329 = tpu.vector_load_idx %arg9[%parallel_loop3A_328] : memref<48xf32, #tpu.memory_space<vmem>>[vector<16xi32>], vector<16xf32>,
        %parallel_loop3A_330 = arith.constant 2 : i32
        %parallel_loop3A_331 = arith.muli %parallel_loop3A_330, %parallel_loop3A_68 : i32
        %parallel_loop3A_332 = arith.constant 0 : i32
        %parallel_loop3A_333 = arith.addi %parallel_loop3A_331, %parallel_loop3A_332 : i32
        %parallel_loop3A_334 = arith.constant 5 : i32
        %parallel_loop3A_335 = arith.index_cast %rem3A_43 : i32 to index
        %parallel_loop3A_336 = arith.index_cast %parallel_loop3A_333 : i32 to index
        %parallel_loop3A_337 = arith.index_cast %parallel_loop3A_334 : i32 to index
        %parallel_loop3A_338 = arith.constant 0 : index
        %parallel_loop3A_339 = tpu.vector_load %arg11[%parallel_loop3A_335, %parallel_loop3A_336, %parallel_loop3A_337, %parallel_loop3A_338] {strides = array<i32>} : memref<2x50x8x32xf32, #tpu.memory_space<vmem>>, vector<16xf32>,
        tpu.vector_store %arg11[%parallel_loop3A_335, %parallel_loop3A_336, %parallel_loop3A_337, %parallel_loop3A_338], %parallel_loop3A_329 {strides = array<i32>} : memref<2x50x8x32xf32, #tpu.memory_space<vmem>>, vector<16xf32>,
        %parallel_loop3A_340 = arith.mulf %parallel_loop3A_324, %get3A_9 : vector<16xf32>
        %parallel_loop3A_341 = arith.addf %parallel_loop3A_340, %get3A_11 : vector<16xf32>
        %parallel_loop3A_342 = arith.constant 5 : i32
        %parallel_loop3A_343 = arith.index_cast %rem3A_43 : i32 to index
        %parallel_loop3A_344 = arith.index_cast %parallel_loop3A_333 : i32 to index
        %parallel_loop3A_345 = arith.index_cast %parallel_loop3A_342 : i32 to index
        %parallel_loop3A_346 = arith.constant 16 : index
        %parallel_loop3A_347 = tpu.vector_load %arg11[%parallel_loop3A_343, %parallel_loop3A_344, %parallel_loop3A_345, %parallel_loop3A_346] {strides = array<i32>} : memref<2x50x8x32xf32, #tpu.memory_space<vmem>>, vector<16xf32>,
        tpu.vector_store %arg11[%parallel_loop3A_343, %parallel_loop3A_344, %parallel_loop3A_345, %parallel_loop3A_346], %parallel_loop3A_341 {strides = array<i32>} : memref<2x50x8x32xf32, #tpu.memory_space<vmem>>, vector<16xf32>,
        %parallel_loop3A_348 = arith.constant 6 : i32
        %parallel_loop3A_349 = vector.broadcast %parallel_loop3A_348 : i32 to vector<16xi32>
        %parallel_loop3A_350 = arith.constant 0 : i32
        %parallel_loop3A_351 = vector.broadcast %parallel_loop3A_350 : i32 to vector<16xi32>
        %parallel_loop3A_352 = arith.cmpi slt, %parallel_loop3A_349, %parallel_loop3A_351 : vector<16xi32>
        %parallel_loop3A_353 = arith.constant 16 : i32
        %parallel_loop3A_354 = vector.broadcast %parallel_loop3A_353 : i32 to vector<16xi32>
        %parallel_loop3A_355 = arith.addi %parallel_loop3A_349, %parallel_loop3A_354 : vector<16xi32>
        %parallel_loop3A_356 = arith.select %parallel_loop3A_352, %parallel_loop3A_355, %parallel_loop3A_349 : vector<16xi1>, vector<16xi32>
        %parallel_loop3A_357 = vector.shape_cast %parallel_loop3A_356 : vector<16xi32> to vector<16x1xi32>
        %parallel_loop3A_358 = vector.shape_cast %parallel_loop3A_357 : vector<16x1xi32> to vector<16xi32>
        %parallel_loop3A_359 = tpu.dynamic_gather %parallel_loop3A_75[%parallel_loop3A_358] in [0] : vector<16xi32>, vector<16xi32> -> vector<16xi32>
        %parallel_loop3A_360 = arith.constant 0 : i32
        %parallel_loop3A_361 = vector.broadcast %parallel_loop3A_360 : i32 to vector<16xi32>
        %parallel_loop3A_362 = arith.cmpi slt, %parallel_loop3A_349, %parallel_loop3A_361 : vector<16xi32>
        %parallel_loop3A_363 = arith.constant 16 : i32
        %parallel_loop3A_364 = vector.broadcast %parallel_loop3A_363 : i32 to vector<16xi32>
        %parallel_loop3A_365 = arith.addi %parallel_loop3A_349, %parallel_loop3A_364 : vector<16xi32>
        %parallel_loop3A_366 = arith.select %parallel_loop3A_362, %parallel_loop3A_365, %parallel_loop3A_349 : vector<16xi1>, vector<16xi32>
        %parallel_loop3A_367 = vector.shape_cast %parallel_loop3A_366 : vector<16xi32> to vector<16x1xi32>
        %parallel_loop3A_368 = vector.shape_cast %parallel_loop3A_367 : vector<16x1xi32> to vector<16xi32>
        %parallel_loop3A_369 = tpu.dynamic_gather %parallel_loop3A_77[%parallel_loop3A_368] in [0] : vector<16xf32>, vector<16xi32> -> vector<16xf32>
        %parallel_loop3A_370 = arith.constant 16 : i32
        %parallel_loop3A_371 = vector.broadcast %parallel_loop3A_370 : i32 to vector<16xi32>
        %parallel_loop3A_372 = arith.muli %parallel_loop3A_359, %parallel_loop3A_371 : vector<16xi32>
        %parallel_loop3A_373 = arith.addi %parallel_loop3A_372, %iota3A : vector<16xi32>
        %parallel_loop3A_374 = tpu.vector_load_idx %arg9[%parallel_loop3A_373] : memref<48xf32, #tpu.memory_space<vmem>>[vector<16xi32>], vector<16xf32>,
        %parallel_loop3A_375 = arith.constant 2 : i32
        %parallel_loop3A_376 = arith.muli %parallel_loop3A_375, %parallel_loop3A_68 : i32
        %parallel_loop3A_377 = arith.constant 0 : i32
        %parallel_loop3A_378 = arith.addi %parallel_loop3A_376, %parallel_loop3A_377 : i32
        %parallel_loop3A_379 = arith.constant 6 : i32
        %parallel_loop3A_380 = arith.index_cast %rem3A_43 : i32 to index
        %parallel_loop3A_381 = arith.index_cast %parallel_loop3A_378 : i32 to index
        %parallel_loop3A_382 = arith.index_cast %parallel_loop3A_379 : i32 to index
        %parallel_loop3A_383 = arith.constant 0 : index
        %parallel_loop3A_384 = tpu.vector_load %arg11[%parallel_loop3A_380, %parallel_loop3A_381, %parallel_loop3A_382, %parallel_loop3A_383] {strides = array<i32>} : memref<2x50x8x32xf32, #tpu.memory_space<vmem>>, vector<16xf32>,
        tpu.vector_store %arg11[%parallel_loop3A_380, %parallel_loop3A_381, %parallel_loop3A_382, %parallel_loop3A_383], %parallel_loop3A_374 {strides = array<i32>} : memref<2x50x8x32xf32, #tpu.memory_space<vmem>>, vector<16xf32>,
        %parallel_loop3A_385 = arith.mulf %parallel_loop3A_369, %get3A_9 : vector<16xf32>
        %parallel_loop3A_386 = arith.addf %parallel_loop3A_385, %get3A_11 : vector<16xf32>
        %parallel_loop3A_387 = arith.constant 6 : i32
        %parallel_loop3A_388 = arith.index_cast %rem3A_43 : i32 to index
        %parallel_loop3A_389 = arith.index_cast %parallel_loop3A_378 : i32 to index
        %parallel_loop3A_390 = arith.index_cast %parallel_loop3A_387 : i32 to index
        %parallel_loop3A_391 = arith.constant 16 : index
        %parallel_loop3A_392 = tpu.vector_load %arg11[%parallel_loop3A_388, %parallel_loop3A_389, %parallel_loop3A_390, %parallel_loop3A_391] {strides = array<i32>} : memref<2x50x8x32xf32, #tpu.memory_space<vmem>>, vector<16xf32>,
        tpu.vector_store %arg11[%parallel_loop3A_388, %parallel_loop3A_389, %parallel_loop3A_390, %parallel_loop3A_391], %parallel_loop3A_386 {strides = array<i32>} : memref<2x50x8x32xf32, #tpu.memory_space<vmem>>, vector<16xf32>,
        %parallel_loop3A_393 = arith.constant 7 : i32
        %parallel_loop3A_394 = vector.broadcast %parallel_loop3A_393 : i32 to vector<16xi32>
        %parallel_loop3A_395 = arith.constant 0 : i32
        %parallel_loop3A_396 = vector.broadcast %parallel_loop3A_395 : i32 to vector<16xi32>
        %parallel_loop3A_397 = arith.cmpi slt, %parallel_loop3A_394, %parallel_loop3A_396 : vector<16xi32>
        %parallel_loop3A_398 = arith.constant 16 : i32
        %parallel_loop3A_399 = vector.broadcast %parallel_loop3A_398 : i32 to vector<16xi32>
        %parallel_loop3A_400 = arith.addi %parallel_loop3A_394, %parallel_loop3A_399 : vector<16xi32>
        %parallel_loop3A_401 = arith.select %parallel_loop3A_397, %parallel_loop3A_400, %parallel_loop3A_394 : vector<16xi1>, vector<16xi32>
        %parallel_loop3A_402 = vector.shape_cast %parallel_loop3A_401 : vector<16xi32> to vector<16x1xi32>
        %parallel_loop3A_403 = vector.shape_cast %parallel_loop3A_402 : vector<16x1xi32> to vector<16xi32>
        %parallel_loop3A_404 = tpu.dynamic_gather %parallel_loop3A_75[%parallel_loop3A_403] in [0] : vector<16xi32>, vector<16xi32> -> vector<16xi32>
        %parallel_loop3A_405 = arith.constant 0 : i32
        %parallel_loop3A_406 = vector.broadcast %parallel_loop3A_405 : i32 to vector<16xi32>
        %parallel_loop3A_407 = arith.cmpi slt, %parallel_loop3A_394, %parallel_loop3A_406 : vector<16xi32>
        %parallel_loop3A_408 = arith.constant 16 : i32
        %parallel_loop3A_409 = vector.broadcast %parallel_loop3A_408 : i32 to vector<16xi32>
        %parallel_loop3A_410 = arith.addi %parallel_loop3A_394, %parallel_loop3A_409 : vector<16xi32>
        %parallel_loop3A_411 = arith.select %parallel_loop3A_407, %parallel_loop3A_410, %parallel_loop3A_394 : vector<16xi1>, vector<16xi32>
        %parallel_loop3A_412 = vector.shape_cast %parallel_loop3A_411 : vector<16xi32> to vector<16x1xi32>
        %parallel_loop3A_413 = vector.shape_cast %parallel_loop3A_412 : vector<16x1xi32> to vector<16xi32>
        %parallel_loop3A_414 = tpu.dynamic_gather %parallel_loop3A_77[%parallel_loop3A_413] in [0] : vector<16xf32>, vector<16xi32> -> vector<16xf32>
        %parallel_loop3A_415 = arith.constant 16 : i32
        %parallel_loop3A_416 = vector.broadcast %parallel_loop3A_415 : i32 to vector<16xi32>
        %parallel_loop3A_417 = arith.muli %parallel_loop3A_404, %parallel_loop3A_416 : vector<16xi32>
        %parallel_loop3A_418 = arith.addi %parallel_loop3A_417, %iota3A : vector<16xi32>
        %parallel_loop3A_419 = tpu.vector_load_idx %arg9[%parallel_loop3A_418] : memref<48xf32, #tpu.memory_space<vmem>>[vector<16xi32>], vector<16xf32>,
        %parallel_loop3A_420 = arith.constant 2 : i32
        %parallel_loop3A_421 = arith.muli %parallel_loop3A_420, %parallel_loop3A_68 : i32
        %parallel_loop3A_422 = arith.constant 0 : i32
        %parallel_loop3A_423 = arith.addi %parallel_loop3A_421, %parallel_loop3A_422 : i32
        %parallel_loop3A_424 = arith.constant 7 : i32
        %parallel_loop3A_425 = arith.index_cast %rem3A_43 : i32 to index
        %parallel_loop3A_426 = arith.index_cast %parallel_loop3A_423 : i32 to index
        %parallel_loop3A_427 = arith.index_cast %parallel_loop3A_424 : i32 to index
        %parallel_loop3A_428 = arith.constant 0 : index
        %parallel_loop3A_429 = tpu.vector_load %arg11[%parallel_loop3A_425, %parallel_loop3A_426, %parallel_loop3A_427, %parallel_loop3A_428] {strides = array<i32>} : memref<2x50x8x32xf32, #tpu.memory_space<vmem>>, vector<16xf32>,
        tpu.vector_store %arg11[%parallel_loop3A_425, %parallel_loop3A_426, %parallel_loop3A_427, %parallel_loop3A_428], %parallel_loop3A_419 {strides = array<i32>} : memref<2x50x8x32xf32, #tpu.memory_space<vmem>>, vector<16xf32>,
        %parallel_loop3A_430 = arith.mulf %parallel_loop3A_414, %get3A_9 : vector<16xf32>
        %parallel_loop3A_431 = arith.addf %parallel_loop3A_430, %get3A_11 : vector<16xf32>
        %parallel_loop3A_432 = arith.constant 7 : i32
        %parallel_loop3A_433 = arith.index_cast %rem3A_43 : i32 to index
        %parallel_loop3A_434 = arith.index_cast %parallel_loop3A_423 : i32 to index
        %parallel_loop3A_435 = arith.index_cast %parallel_loop3A_432 : i32 to index
        %parallel_loop3A_436 = arith.constant 16 : index
        %parallel_loop3A_437 = tpu.vector_load %arg11[%parallel_loop3A_433, %parallel_loop3A_434, %parallel_loop3A_435, %parallel_loop3A_436] {strides = array<i32>} : memref<2x50x8x32xf32, #tpu.memory_space<vmem>>, vector<16xf32>,
        tpu.vector_store %arg11[%parallel_loop3A_433, %parallel_loop3A_434, %parallel_loop3A_435, %parallel_loop3A_436], %parallel_loop3A_431 {strides = array<i32>} : memref<2x50x8x32xf32, #tpu.memory_space<vmem>>, vector<16xf32>,
        %parallel_loop3A_438 = arith.constant 8 : i32
        %parallel_loop3A_439 = vector.broadcast %parallel_loop3A_438 : i32 to vector<16xi32>
        %parallel_loop3A_440 = arith.constant 0 : i32
        %parallel_loop3A_441 = vector.broadcast %parallel_loop3A_440 : i32 to vector<16xi32>
        %parallel_loop3A_442 = arith.cmpi slt, %parallel_loop3A_439, %parallel_loop3A_441 : vector<16xi32>
        %parallel_loop3A_443 = arith.constant 16 : i32
        %parallel_loop3A_444 = vector.broadcast %parallel_loop3A_443 : i32 to vector<16xi32>
        %parallel_loop3A_445 = arith.addi %parallel_loop3A_439, %parallel_loop3A_444 : vector<16xi32>
        %parallel_loop3A_446 = arith.select %parallel_loop3A_442, %parallel_loop3A_445, %parallel_loop3A_439 : vector<16xi1>, vector<16xi32>
        %parallel_loop3A_447 = vector.shape_cast %parallel_loop3A_446 : vector<16xi32> to vector<16x1xi32>
        %parallel_loop3A_448 = vector.shape_cast %parallel_loop3A_447 : vector<16x1xi32> to vector<16xi32>
        %parallel_loop3A_449 = tpu.dynamic_gather %parallel_loop3A_75[%parallel_loop3A_448] in [0] : vector<16xi32>, vector<16xi32> -> vector<16xi32>
        %parallel_loop3A_450 = arith.constant 0 : i32
        %parallel_loop3A_451 = vector.broadcast %parallel_loop3A_450 : i32 to vector<16xi32>
        %parallel_loop3A_452 = arith.cmpi slt, %parallel_loop3A_439, %parallel_loop3A_451 : vector<16xi32>
        %parallel_loop3A_453 = arith.constant 16 : i32
        %parallel_loop3A_454 = vector.broadcast %parallel_loop3A_453 : i32 to vector<16xi32>
        %parallel_loop3A_455 = arith.addi %parallel_loop3A_439, %parallel_loop3A_454 : vector<16xi32>
        %parallel_loop3A_456 = arith.select %parallel_loop3A_452, %parallel_loop3A_455, %parallel_loop3A_439 : vector<16xi1>, vector<16xi32>
        %parallel_loop3A_457 = vector.shape_cast %parallel_loop3A_456 : vector<16xi32> to vector<16x1xi32>
        %parallel_loop3A_458 = vector.shape_cast %parallel_loop3A_457 : vector<16x1xi32> to vector<16xi32>
        %parallel_loop3A_459 = tpu.dynamic_gather %parallel_loop3A_77[%parallel_loop3A_458] in [0] : vector<16xf32>, vector<16xi32> -> vector<16xf32>
        %parallel_loop3A_460 = arith.constant 16 : i32
        %parallel_loop3A_461 = vector.broadcast %parallel_loop3A_460 : i32 to vector<16xi32>
        %parallel_loop3A_462 = arith.muli %parallel_loop3A_449, %parallel_loop3A_461 : vector<16xi32>
        %parallel_loop3A_463 = arith.addi %parallel_loop3A_462, %iota3A : vector<16xi32>
        %parallel_loop3A_464 = tpu.vector_load_idx %arg9[%parallel_loop3A_463] : memref<48xf32, #tpu.memory_space<vmem>>[vector<16xi32>], vector<16xf32>,
        %parallel_loop3A_465 = arith.constant 2 : i32
        %parallel_loop3A_466 = arith.muli %parallel_loop3A_465, %parallel_loop3A_68 : i32
        %parallel_loop3A_467 = arith.constant 1 : i32
        %parallel_loop3A_468 = arith.addi %parallel_loop3A_466, %parallel_loop3A_467 : i32
        %parallel_loop3A_469 = arith.constant 0 : i32
        %parallel_loop3A_470 = arith.index_cast %rem3A_43 : i32 to index
        %parallel_loop3A_471 = arith.index_cast %parallel_loop3A_468 : i32 to index
        %parallel_loop3A_472 = arith.index_cast %parallel_loop3A_469 : i32 to index
        %parallel_loop3A_473 = arith.constant 0 : index
        %parallel_loop3A_474 = tpu.vector_load %arg11[%parallel_loop3A_470, %parallel_loop3A_471, %parallel_loop3A_472, %parallel_loop3A_473] {strides = array<i32>} : memref<2x50x8x32xf32, #tpu.memory_space<vmem>>, vector<16xf32>,
        tpu.vector_store %arg11[%parallel_loop3A_470, %parallel_loop3A_471, %parallel_loop3A_472, %parallel_loop3A_473], %parallel_loop3A_464 {strides = array<i32>} : memref<2x50x8x32xf32, #tpu.memory_space<vmem>>, vector<16xf32>,
        %parallel_loop3A_475 = arith.mulf %parallel_loop3A_459, %get3A_9 : vector<16xf32>
        %parallel_loop3A_476 = arith.addf %parallel_loop3A_475, %get3A_11 : vector<16xf32>
        %parallel_loop3A_477 = arith.constant 0 : i32
        %parallel_loop3A_478 = arith.index_cast %rem3A_43 : i32 to index
        %parallel_loop3A_479 = arith.index_cast %parallel_loop3A_468 : i32 to index
        %parallel_loop3A_480 = arith.index_cast %parallel_loop3A_477 : i32 to index
        %parallel_loop3A_481 = arith.constant 16 : index
        %parallel_loop3A_482 = tpu.vector_load %arg11[%parallel_loop3A_478, %parallel_loop3A_479, %parallel_loop3A_480, %parallel_loop3A_481] {strides = array<i32>} : memref<2x50x8x32xf32, #tpu.memory_space<vmem>>, vector<16xf32>,
        tpu.vector_store %arg11[%parallel_loop3A_478, %parallel_loop3A_479, %parallel_loop3A_480, %parallel_loop3A_481], %parallel_loop3A_476 {strides = array<i32>} : memref<2x50x8x32xf32, #tpu.memory_space<vmem>>, vector<16xf32>,
        %parallel_loop3A_483 = arith.constant 9 : i32
        %parallel_loop3A_484 = vector.broadcast %parallel_loop3A_483 : i32 to vector<16xi32>
        %parallel_loop3A_485 = arith.constant 0 : i32
        %parallel_loop3A_486 = vector.broadcast %parallel_loop3A_485 : i32 to vector<16xi32>
        %parallel_loop3A_487 = arith.cmpi slt, %parallel_loop3A_484, %parallel_loop3A_486 : vector<16xi32>
        %parallel_loop3A_488 = arith.constant 16 : i32
        %parallel_loop3A_489 = vector.broadcast %parallel_loop3A_488 : i32 to vector<16xi32>
        %parallel_loop3A_490 = arith.addi %parallel_loop3A_484, %parallel_loop3A_489 : vector<16xi32>
        %parallel_loop3A_491 = arith.select %parallel_loop3A_487, %parallel_loop3A_490, %parallel_loop3A_484 : vector<16xi1>, vector<16xi32>
        %parallel_loop3A_492 = vector.shape_cast %parallel_loop3A_491 : vector<16xi32> to vector<16x1xi32>
        %parallel_loop3A_493 = vector.shape_cast %parallel_loop3A_492 : vector<16x1xi32> to vector<16xi32>
        %parallel_loop3A_494 = tpu.dynamic_gather %parallel_loop3A_75[%parallel_loop3A_493] in [0] : vector<16xi32>, vector<16xi32> -> vector<16xi32>
        %parallel_loop3A_495 = arith.constant 0 : i32
        %parallel_loop3A_496 = vector.broadcast %parallel_loop3A_495 : i32 to vector<16xi32>
        %parallel_loop3A_497 = arith.cmpi slt, %parallel_loop3A_484, %parallel_loop3A_496 : vector<16xi32>
        %parallel_loop3A_498 = arith.constant 16 : i32
        %parallel_loop3A_499 = vector.broadcast %parallel_loop3A_498 : i32 to vector<16xi32>
        %parallel_loop3A_500 = arith.addi %parallel_loop3A_484, %parallel_loop3A_499 : vector<16xi32>
        %parallel_loop3A_501 = arith.select %parallel_loop3A_497, %parallel_loop3A_500, %parallel_loop3A_484 : vector<16xi1>, vector<16xi32>
        %parallel_loop3A_502 = vector.shape_cast %parallel_loop3A_501 : vector<16xi32> to vector<16x1xi32>
        %parallel_loop3A_503 = vector.shape_cast %parallel_loop3A_502 : vector<16x1xi32> to vector<16xi32>
        %parallel_loop3A_504 = tpu.dynamic_gather %parallel_loop3A_77[%parallel_loop3A_503] in [0] : vector<16xf32>, vector<16xi32> -> vector<16xf32>
        %parallel_loop3A_505 = arith.constant 16 : i32
        %parallel_loop3A_506 = vector.broadcast %parallel_loop3A_505 : i32 to vector<16xi32>
        %parallel_loop3A_507 = arith.muli %parallel_loop3A_494, %parallel_loop3A_506 : vector<16xi32>
        %parallel_loop3A_508 = arith.addi %parallel_loop3A_507, %iota3A : vector<16xi32>
        %parallel_loop3A_509 = tpu.vector_load_idx %arg9[%parallel_loop3A_508] : memref<48xf32, #tpu.memory_space<vmem>>[vector<16xi32>], vector<16xf32>,
        %parallel_loop3A_510 = arith.constant 2 : i32
        %parallel_loop3A_511 = arith.muli %parallel_loop3A_510, %parallel_loop3A_68 : i32
        %parallel_loop3A_512 = arith.constant 1 : i32
        %parallel_loop3A_513 = arith.addi %parallel_loop3A_511, %parallel_loop3A_512 : i32
        %parallel_loop3A_514 = arith.constant 1 : i32
        %parallel_loop3A_515 = arith.index_cast %rem3A_43 : i32 to index
        %parallel_loop3A_516 = arith.index_cast %parallel_loop3A_513 : i32 to index
        %parallel_loop3A_517 = arith.index_cast %parallel_loop3A_514 : i32 to index
        %parallel_loop3A_518 = arith.constant 0 : index
        %parallel_loop3A_519 = tpu.vector_load %arg11[%parallel_loop3A_515, %parallel_loop3A_516, %parallel_loop3A_517, %parallel_loop3A_518] {strides = array<i32>} : memref<2x50x8x32xf32, #tpu.memory_space<vmem>>, vector<16xf32>,
        tpu.vector_store %arg11[%parallel_loop3A_515, %parallel_loop3A_516, %parallel_loop3A_517, %parallel_loop3A_518], %parallel_loop3A_509 {strides = array<i32>} : memref<2x50x8x32xf32, #tpu.memory_space<vmem>>, vector<16xf32>,
        %parallel_loop3A_520 = arith.mulf %parallel_loop3A_504, %get3A_9 : vector<16xf32>
        %parallel_loop3A_521 = arith.addf %parallel_loop3A_520, %get3A_11 : vector<16xf32>
        %parallel_loop3A_522 = arith.constant 1 : i32
        %parallel_loop3A_523 = arith.index_cast %rem3A_43 : i32 to index
        %parallel_loop3A_524 = arith.index_cast %parallel_loop3A_513 : i32 to index
        %parallel_loop3A_525 = arith.index_cast %parallel_loop3A_522 : i32 to index
        %parallel_loop3A_526 = arith.constant 16 : index
        %parallel_loop3A_527 = tpu.vector_load %arg11[%parallel_loop3A_523, %parallel_loop3A_524, %parallel_loop3A_525, %parallel_loop3A_526] {strides = array<i32>} : memref<2x50x8x32xf32, #tpu.memory_space<vmem>>, vector<16xf32>,
        tpu.vector_store %arg11[%parallel_loop3A_523, %parallel_loop3A_524, %parallel_loop3A_525, %parallel_loop3A_526], %parallel_loop3A_521 {strides = array<i32>} : memref<2x50x8x32xf32, #tpu.memory_space<vmem>>, vector<16xf32>,
        %parallel_loop3A_528 = arith.constant 10 : i32
        %parallel_loop3A_529 = vector.broadcast %parallel_loop3A_528 : i32 to vector<16xi32>
        %parallel_loop3A_530 = arith.constant 0 : i32
        %parallel_loop3A_531 = vector.broadcast %parallel_loop3A_530 : i32 to vector<16xi32>
        %parallel_loop3A_532 = arith.cmpi slt, %parallel_loop3A_529, %parallel_loop3A_531 : vector<16xi32>
        %parallel_loop3A_533 = arith.constant 16 : i32
        %parallel_loop3A_534 = vector.broadcast %parallel_loop3A_533 : i32 to vector<16xi32>
        %parallel_loop3A_535 = arith.addi %parallel_loop3A_529, %parallel_loop3A_534 : vector<16xi32>
        %parallel_loop3A_536 = arith.select %parallel_loop3A_532, %parallel_loop3A_535, %parallel_loop3A_529 : vector<16xi1>, vector<16xi32>
        %parallel_loop3A_537 = vector.shape_cast %parallel_loop3A_536 : vector<16xi32> to vector<16x1xi32>
        %parallel_loop3A_538 = vector.shape_cast %parallel_loop3A_537 : vector<16x1xi32> to vector<16xi32>
        %parallel_loop3A_539 = tpu.dynamic_gather %parallel_loop3A_75[%parallel_loop3A_538] in [0] : vector<16xi32>, vector<16xi32> -> vector<16xi32>
        %parallel_loop3A_540 = arith.constant 0 : i32
        %parallel_loop3A_541 = vector.broadcast %parallel_loop3A_540 : i32 to vector<16xi32>
        %parallel_loop3A_542 = arith.cmpi slt, %parallel_loop3A_529, %parallel_loop3A_541 : vector<16xi32>
        %parallel_loop3A_543 = arith.constant 16 : i32
        %parallel_loop3A_544 = vector.broadcast %parallel_loop3A_543 : i32 to vector<16xi32>
        %parallel_loop3A_545 = arith.addi %parallel_loop3A_529, %parallel_loop3A_544 : vector<16xi32>
        %parallel_loop3A_546 = arith.select %parallel_loop3A_542, %parallel_loop3A_545, %parallel_loop3A_529 : vector<16xi1>, vector<16xi32>
        %parallel_loop3A_547 = vector.shape_cast %parallel_loop3A_546 : vector<16xi32> to vector<16x1xi32>
        %parallel_loop3A_548 = vector.shape_cast %parallel_loop3A_547 : vector<16x1xi32> to vector<16xi32>
        %parallel_loop3A_549 = tpu.dynamic_gather %parallel_loop3A_77[%parallel_loop3A_548] in [0] : vector<16xf32>, vector<16xi32> -> vector<16xf32>
        %parallel_loop3A_550 = arith.constant 16 : i32
        %parallel_loop3A_551 = vector.broadcast %parallel_loop3A_550 : i32 to vector<16xi32>
        %parallel_loop3A_552 = arith.muli %parallel_loop3A_539, %parallel_loop3A_551 : vector<16xi32>
        %parallel_loop3A_553 = arith.addi %parallel_loop3A_552, %iota3A : vector<16xi32>
        %parallel_loop3A_554 = tpu.vector_load_idx %arg9[%parallel_loop3A_553] : memref<48xf32, #tpu.memory_space<vmem>>[vector<16xi32>], vector<16xf32>,
        %parallel_loop3A_555 = arith.constant 2 : i32
        %parallel_loop3A_556 = arith.muli %parallel_loop3A_555, %parallel_loop3A_68 : i32
        %parallel_loop3A_557 = arith.constant 1 : i32
        %parallel_loop3A_558 = arith.addi %parallel_loop3A_556, %parallel_loop3A_557 : i32
        %parallel_loop3A_559 = arith.constant 2 : i32
        %parallel_loop3A_560 = arith.index_cast %rem3A_43 : i32 to index
        %parallel_loop3A_561 = arith.index_cast %parallel_loop3A_558 : i32 to index
        %parallel_loop3A_562 = arith.index_cast %parallel_loop3A_559 : i32 to index
        %parallel_loop3A_563 = arith.constant 0 : index
        %parallel_loop3A_564 = tpu.vector_load %arg11[%parallel_loop3A_560, %parallel_loop3A_561, %parallel_loop3A_562, %parallel_loop3A_563] {strides = array<i32>} : memref<2x50x8x32xf32, #tpu.memory_space<vmem>>, vector<16xf32>,
        tpu.vector_store %arg11[%parallel_loop3A_560, %parallel_loop3A_561, %parallel_loop3A_562, %parallel_loop3A_563], %parallel_loop3A_554 {strides = array<i32>} : memref<2x50x8x32xf32, #tpu.memory_space<vmem>>, vector<16xf32>,
        %parallel_loop3A_565 = arith.mulf %parallel_loop3A_549, %get3A_9 : vector<16xf32>
        %parallel_loop3A_566 = arith.addf %parallel_loop3A_565, %get3A_11 : vector<16xf32>
        %parallel_loop3A_567 = arith.constant 2 : i32
        %parallel_loop3A_568 = arith.index_cast %rem3A_43 : i32 to index
        %parallel_loop3A_569 = arith.index_cast %parallel_loop3A_558 : i32 to index
        %parallel_loop3A_570 = arith.index_cast %parallel_loop3A_567 : i32 to index
        %parallel_loop3A_571 = arith.constant 16 : index
        %parallel_loop3A_572 = tpu.vector_load %arg11[%parallel_loop3A_568, %parallel_loop3A_569, %parallel_loop3A_570, %parallel_loop3A_571] {strides = array<i32>} : memref<2x50x8x32xf32, #tpu.memory_space<vmem>>, vector<16xf32>,
        tpu.vector_store %arg11[%parallel_loop3A_568, %parallel_loop3A_569, %parallel_loop3A_570, %parallel_loop3A_571], %parallel_loop3A_566 {strides = array<i32>} : memref<2x50x8x32xf32, #tpu.memory_space<vmem>>, vector<16xf32>,
        %parallel_loop3A_573 = arith.constant 11 : i32
        %parallel_loop3A_574 = vector.broadcast %parallel_loop3A_573 : i32 to vector<16xi32>
        %parallel_loop3A_575 = arith.constant 0 : i32
        %parallel_loop3A_576 = vector.broadcast %parallel_loop3A_575 : i32 to vector<16xi32>
        %parallel_loop3A_577 = arith.cmpi slt, %parallel_loop3A_574, %parallel_loop3A_576 : vector<16xi32>
        %parallel_loop3A_578 = arith.constant 16 : i32
        %parallel_loop3A_579 = vector.broadcast %parallel_loop3A_578 : i32 to vector<16xi32>
        %parallel_loop3A_580 = arith.addi %parallel_loop3A_574, %parallel_loop3A_579 : vector<16xi32>
        %parallel_loop3A_581 = arith.select %parallel_loop3A_577, %parallel_loop3A_580, %parallel_loop3A_574 : vector<16xi1>, vector<16xi32>
        %parallel_loop3A_582 = vector.shape_cast %parallel_loop3A_581 : vector<16xi32> to vector<16x1xi32>
        %parallel_loop3A_583 = vector.shape_cast %parallel_loop3A_582 : vector<16x1xi32> to vector<16xi32>
        %parallel_loop3A_584 = tpu.dynamic_gather %parallel_loop3A_75[%parallel_loop3A_583] in [0] : vector<16xi32>, vector<16xi32> -> vector<16xi32>
        %parallel_loop3A_585 = arith.constant 0 : i32
        %parallel_loop3A_586 = vector.broadcast %parallel_loop3A_585 : i32 to vector<16xi32>
        %parallel_loop3A_587 = arith.cmpi slt, %parallel_loop3A_574, %parallel_loop3A_586 : vector<16xi32>
        %parallel_loop3A_588 = arith.constant 16 : i32
        %parallel_loop3A_589 = vector.broadcast %parallel_loop3A_588 : i32 to vector<16xi32>
        %parallel_loop3A_590 = arith.addi %parallel_loop3A_574, %parallel_loop3A_589 : vector<16xi32>
        %parallel_loop3A_591 = arith.select %parallel_loop3A_587, %parallel_loop3A_590, %parallel_loop3A_574 : vector<16xi1>, vector<16xi32>
        %parallel_loop3A_592 = vector.shape_cast %parallel_loop3A_591 : vector<16xi32> to vector<16x1xi32>
        %parallel_loop3A_593 = vector.shape_cast %parallel_loop3A_592 : vector<16x1xi32> to vector<16xi32>
        %parallel_loop3A_594 = tpu.dynamic_gather %parallel_loop3A_77[%parallel_loop3A_593] in [0] : vector<16xf32>, vector<16xi32> -> vector<16xf32>
        %parallel_loop3A_595 = arith.constant 16 : i32
        %parallel_loop3A_596 = vector.broadcast %parallel_loop3A_595 : i32 to vector<16xi32>
        %parallel_loop3A_597 = arith.muli %parallel_loop3A_584, %parallel_loop3A_596 : vector<16xi32>
        %parallel_loop3A_598 = arith.addi %parallel_loop3A_597, %iota3A : vector<16xi32>
        %parallel_loop3A_599 = tpu.vector_load_idx %arg9[%parallel_loop3A_598] : memref<48xf32, #tpu.memory_space<vmem>>[vector<16xi32>], vector<16xf32>,
        %parallel_loop3A_600 = arith.constant 2 : i32
        %parallel_loop3A_601 = arith.muli %parallel_loop3A_600, %parallel_loop3A_68 : i32
        %parallel_loop3A_602 = arith.constant 1 : i32
        %parallel_loop3A_603 = arith.addi %parallel_loop3A_601, %parallel_loop3A_602 : i32
        %parallel_loop3A_604 = arith.constant 3 : i32
        %parallel_loop3A_605 = arith.index_cast %rem3A_43 : i32 to index
        %parallel_loop3A_606 = arith.index_cast %parallel_loop3A_603 : i32 to index
        %parallel_loop3A_607 = arith.index_cast %parallel_loop3A_604 : i32 to index
        %parallel_loop3A_608 = arith.constant 0 : index
        %parallel_loop3A_609 = tpu.vector_load %arg11[%parallel_loop3A_605, %parallel_loop3A_606, %parallel_loop3A_607, %parallel_loop3A_608] {strides = array<i32>} : memref<2x50x8x32xf32, #tpu.memory_space<vmem>>, vector<16xf32>,
        tpu.vector_store %arg11[%parallel_loop3A_605, %parallel_loop3A_606, %parallel_loop3A_607, %parallel_loop3A_608], %parallel_loop3A_599 {strides = array<i32>} : memref<2x50x8x32xf32, #tpu.memory_space<vmem>>, vector<16xf32>,
        %parallel_loop3A_610 = arith.mulf %parallel_loop3A_594, %get3A_9 : vector<16xf32>
        %parallel_loop3A_611 = arith.addf %parallel_loop3A_610, %get3A_11 : vector<16xf32>
        %parallel_loop3A_612 = arith.constant 3 : i32
        %parallel_loop3A_613 = arith.index_cast %rem3A_43 : i32 to index
        %parallel_loop3A_614 = arith.index_cast %parallel_loop3A_603 : i32 to index
        %parallel_loop3A_615 = arith.index_cast %parallel_loop3A_612 : i32 to index
        %parallel_loop3A_616 = arith.constant 16 : index
        %parallel_loop3A_617 = tpu.vector_load %arg11[%parallel_loop3A_613, %parallel_loop3A_614, %parallel_loop3A_615, %parallel_loop3A_616] {strides = array<i32>} : memref<2x50x8x32xf32, #tpu.memory_space<vmem>>, vector<16xf32>,
        tpu.vector_store %arg11[%parallel_loop3A_613, %parallel_loop3A_614, %parallel_loop3A_615, %parallel_loop3A_616], %parallel_loop3A_611 {strides = array<i32>} : memref<2x50x8x32xf32, #tpu.memory_space<vmem>>, vector<16xf32>,
        %parallel_loop3A_618 = arith.constant 12 : i32
        %parallel_loop3A_619 = vector.broadcast %parallel_loop3A_618 : i32 to vector<16xi32>
        %parallel_loop3A_620 = arith.constant 0 : i32
        %parallel_loop3A_621 = vector.broadcast %parallel_loop3A_620 : i32 to vector<16xi32>
        %parallel_loop3A_622 = arith.cmpi slt, %parallel_loop3A_619, %parallel_loop3A_621 : vector<16xi32>
        %parallel_loop3A_623 = arith.constant 16 : i32
        %parallel_loop3A_624 = vector.broadcast %parallel_loop3A_623 : i32 to vector<16xi32>
        %parallel_loop3A_625 = arith.addi %parallel_loop3A_619, %parallel_loop3A_624 : vector<16xi32>
        %parallel_loop3A_626 = arith.select %parallel_loop3A_622, %parallel_loop3A_625, %parallel_loop3A_619 : vector<16xi1>, vector<16xi32>
        %parallel_loop3A_627 = vector.shape_cast %parallel_loop3A_626 : vector<16xi32> to vector<16x1xi32>
        %parallel_loop3A_628 = vector.shape_cast %parallel_loop3A_627 : vector<16x1xi32> to vector<16xi32>
        %parallel_loop3A_629 = tpu.dynamic_gather %parallel_loop3A_75[%parallel_loop3A_628] in [0] : vector<16xi32>, vector<16xi32> -> vector<16xi32>
        %parallel_loop3A_630 = arith.constant 0 : i32
        %parallel_loop3A_631 = vector.broadcast %parallel_loop3A_630 : i32 to vector<16xi32>
        %parallel_loop3A_632 = arith.cmpi slt, %parallel_loop3A_619, %parallel_loop3A_631 : vector<16xi32>
        %parallel_loop3A_633 = arith.constant 16 : i32
        %parallel_loop3A_634 = vector.broadcast %parallel_loop3A_633 : i32 to vector<16xi32>
        %parallel_loop3A_635 = arith.addi %parallel_loop3A_619, %parallel_loop3A_634 : vector<16xi32>
        %parallel_loop3A_636 = arith.select %parallel_loop3A_632, %parallel_loop3A_635, %parallel_loop3A_619 : vector<16xi1>, vector<16xi32>
        %parallel_loop3A_637 = vector.shape_cast %parallel_loop3A_636 : vector<16xi32> to vector<16x1xi32>
        %parallel_loop3A_638 = vector.shape_cast %parallel_loop3A_637 : vector<16x1xi32> to vector<16xi32>
        %parallel_loop3A_639 = tpu.dynamic_gather %parallel_loop3A_77[%parallel_loop3A_638] in [0] : vector<16xf32>, vector<16xi32> -> vector<16xf32>
        %parallel_loop3A_640 = arith.constant 16 : i32
        %parallel_loop3A_641 = vector.broadcast %parallel_loop3A_640 : i32 to vector<16xi32>
        %parallel_loop3A_642 = arith.muli %parallel_loop3A_629, %parallel_loop3A_641 : vector<16xi32>
        %parallel_loop3A_643 = arith.addi %parallel_loop3A_642, %iota3A : vector<16xi32>
        %parallel_loop3A_644 = tpu.vector_load_idx %arg9[%parallel_loop3A_643] : memref<48xf32, #tpu.memory_space<vmem>>[vector<16xi32>], vector<16xf32>,
        %parallel_loop3A_645 = arith.constant 2 : i32
        %parallel_loop3A_646 = arith.muli %parallel_loop3A_645, %parallel_loop3A_68 : i32
        %parallel_loop3A_647 = arith.constant 1 : i32
        %parallel_loop3A_648 = arith.addi %parallel_loop3A_646, %parallel_loop3A_647 : i32
        %parallel_loop3A_649 = arith.constant 4 : i32
        %parallel_loop3A_650 = arith.index_cast %rem3A_43 : i32 to index
        %parallel_loop3A_651 = arith.index_cast %parallel_loop3A_648 : i32 to index
        %parallel_loop3A_652 = arith.index_cast %parallel_loop3A_649 : i32 to index
        %parallel_loop3A_653 = arith.constant 0 : index
        %parallel_loop3A_654 = tpu.vector_load %arg11[%parallel_loop3A_650, %parallel_loop3A_651, %parallel_loop3A_652, %parallel_loop3A_653] {strides = array<i32>} : memref<2x50x8x32xf32, #tpu.memory_space<vmem>>, vector<16xf32>,
        tpu.vector_store %arg11[%parallel_loop3A_650, %parallel_loop3A_651, %parallel_loop3A_652, %parallel_loop3A_653], %parallel_loop3A_644 {strides = array<i32>} : memref<2x50x8x32xf32, #tpu.memory_space<vmem>>, vector<16xf32>,
        %parallel_loop3A_655 = arith.mulf %parallel_loop3A_639, %get3A_9 : vector<16xf32>
        %parallel_loop3A_656 = arith.addf %parallel_loop3A_655, %get3A_11 : vector<16xf32>
        %parallel_loop3A_657 = arith.constant 4 : i32
        %parallel_loop3A_658 = arith.index_cast %rem3A_43 : i32 to index
        %parallel_loop3A_659 = arith.index_cast %parallel_loop3A_648 : i32 to index
        %parallel_loop3A_660 = arith.index_cast %parallel_loop3A_657 : i32 to index
        %parallel_loop3A_661 = arith.constant 16 : index
        %parallel_loop3A_662 = tpu.vector_load %arg11[%parallel_loop3A_658, %parallel_loop3A_659, %parallel_loop3A_660, %parallel_loop3A_661] {strides = array<i32>} : memref<2x50x8x32xf32, #tpu.memory_space<vmem>>, vector<16xf32>,
        tpu.vector_store %arg11[%parallel_loop3A_658, %parallel_loop3A_659, %parallel_loop3A_660, %parallel_loop3A_661], %parallel_loop3A_656 {strides = array<i32>} : memref<2x50x8x32xf32, #tpu.memory_space<vmem>>, vector<16xf32>,
        %parallel_loop3A_663 = arith.constant 13 : i32
        %parallel_loop3A_664 = vector.broadcast %parallel_loop3A_663 : i32 to vector<16xi32>
        %parallel_loop3A_665 = arith.constant 0 : i32
        %parallel_loop3A_666 = vector.broadcast %parallel_loop3A_665 : i32 to vector<16xi32>
        %parallel_loop3A_667 = arith.cmpi slt, %parallel_loop3A_664, %parallel_loop3A_666 : vector<16xi32>
        %parallel_loop3A_668 = arith.constant 16 : i32
        %parallel_loop3A_669 = vector.broadcast %parallel_loop3A_668 : i32 to vector<16xi32>
        %parallel_loop3A_670 = arith.addi %parallel_loop3A_664, %parallel_loop3A_669 : vector<16xi32>
        %parallel_loop3A_671 = arith.select %parallel_loop3A_667, %parallel_loop3A_670, %parallel_loop3A_664 : vector<16xi1>, vector<16xi32>
        %parallel_loop3A_672 = vector.shape_cast %parallel_loop3A_671 : vector<16xi32> to vector<16x1xi32>
        %parallel_loop3A_673 = vector.shape_cast %parallel_loop3A_672 : vector<16x1xi32> to vector<16xi32>
        %parallel_loop3A_674 = tpu.dynamic_gather %parallel_loop3A_75[%parallel_loop3A_673] in [0] : vector<16xi32>, vector<16xi32> -> vector<16xi32>
        %parallel_loop3A_675 = arith.constant 0 : i32
        %parallel_loop3A_676 = vector.broadcast %parallel_loop3A_675 : i32 to vector<16xi32>
        %parallel_loop3A_677 = arith.cmpi slt, %parallel_loop3A_664, %parallel_loop3A_676 : vector<16xi32>
        %parallel_loop3A_678 = arith.constant 16 : i32
        %parallel_loop3A_679 = vector.broadcast %parallel_loop3A_678 : i32 to vector<16xi32>
        %parallel_loop3A_680 = arith.addi %parallel_loop3A_664, %parallel_loop3A_679 : vector<16xi32>
        %parallel_loop3A_681 = arith.select %parallel_loop3A_677, %parallel_loop3A_680, %parallel_loop3A_664 : vector<16xi1>, vector<16xi32>
        %parallel_loop3A_682 = vector.shape_cast %parallel_loop3A_681 : vector<16xi32> to vector<16x1xi32>
        %parallel_loop3A_683 = vector.shape_cast %parallel_loop3A_682 : vector<16x1xi32> to vector<16xi32>
        %parallel_loop3A_684 = tpu.dynamic_gather %parallel_loop3A_77[%parallel_loop3A_683] in [0] : vector<16xf32>, vector<16xi32> -> vector<16xf32>
        %parallel_loop3A_685 = arith.constant 16 : i32
        %parallel_loop3A_686 = vector.broadcast %parallel_loop3A_685 : i32 to vector<16xi32>
        %parallel_loop3A_687 = arith.muli %parallel_loop3A_674, %parallel_loop3A_686 : vector<16xi32>
        %parallel_loop3A_688 = arith.addi %parallel_loop3A_687, %iota3A : vector<16xi32>
        %parallel_loop3A_689 = tpu.vector_load_idx %arg9[%parallel_loop3A_688] : memref<48xf32, #tpu.memory_space<vmem>>[vector<16xi32>], vector<16xf32>,
        %parallel_loop3A_690 = arith.constant 2 : i32
        %parallel_loop3A_691 = arith.muli %parallel_loop3A_690, %parallel_loop3A_68 : i32
        %parallel_loop3A_692 = arith.constant 1 : i32
        %parallel_loop3A_693 = arith.addi %parallel_loop3A_691, %parallel_loop3A_692 : i32
        %parallel_loop3A_694 = arith.constant 5 : i32
        %parallel_loop3A_695 = arith.index_cast %rem3A_43 : i32 to index
        %parallel_loop3A_696 = arith.index_cast %parallel_loop3A_693 : i32 to index
        %parallel_loop3A_697 = arith.index_cast %parallel_loop3A_694 : i32 to index
        %parallel_loop3A_698 = arith.constant 0 : index
        %parallel_loop3A_699 = tpu.vector_load %arg11[%parallel_loop3A_695, %parallel_loop3A_696, %parallel_loop3A_697, %parallel_loop3A_698] {strides = array<i32>} : memref<2x50x8x32xf32, #tpu.memory_space<vmem>>, vector<16xf32>,
        tpu.vector_store %arg11[%parallel_loop3A_695, %parallel_loop3A_696, %parallel_loop3A_697, %parallel_loop3A_698], %parallel_loop3A_689 {strides = array<i32>} : memref<2x50x8x32xf32, #tpu.memory_space<vmem>>, vector<16xf32>,
        %parallel_loop3A_700 = arith.mulf %parallel_loop3A_684, %get3A_9 : vector<16xf32>
        %parallel_loop3A_701 = arith.addf %parallel_loop3A_700, %get3A_11 : vector<16xf32>
        %parallel_loop3A_702 = arith.constant 5 : i32
        %parallel_loop3A_703 = arith.index_cast %rem3A_43 : i32 to index
        %parallel_loop3A_704 = arith.index_cast %parallel_loop3A_693 : i32 to index
        %parallel_loop3A_705 = arith.index_cast %parallel_loop3A_702 : i32 to index
        %parallel_loop3A_706 = arith.constant 16 : index
        %parallel_loop3A_707 = tpu.vector_load %arg11[%parallel_loop3A_703, %parallel_loop3A_704, %parallel_loop3A_705, %parallel_loop3A_706] {strides = array<i32>} : memref<2x50x8x32xf32, #tpu.memory_space<vmem>>, vector<16xf32>,
        tpu.vector_store %arg11[%parallel_loop3A_703, %parallel_loop3A_704, %parallel_loop3A_705, %parallel_loop3A_706], %parallel_loop3A_701 {strides = array<i32>} : memref<2x50x8x32xf32, #tpu.memory_space<vmem>>, vector<16xf32>,
        %parallel_loop3A_708 = arith.constant 14 : i32
        %parallel_loop3A_709 = vector.broadcast %parallel_loop3A_708 : i32 to vector<16xi32>
        %parallel_loop3A_710 = arith.constant 0 : i32
        %parallel_loop3A_711 = vector.broadcast %parallel_loop3A_710 : i32 to vector<16xi32>
        %parallel_loop3A_712 = arith.cmpi slt, %parallel_loop3A_709, %parallel_loop3A_711 : vector<16xi32>
        %parallel_loop3A_713 = arith.constant 16 : i32
        %parallel_loop3A_714 = vector.broadcast %parallel_loop3A_713 : i32 to vector<16xi32>
        %parallel_loop3A_715 = arith.addi %parallel_loop3A_709, %parallel_loop3A_714 : vector<16xi32>
        %parallel_loop3A_716 = arith.select %parallel_loop3A_712, %parallel_loop3A_715, %parallel_loop3A_709 : vector<16xi1>, vector<16xi32>
        %parallel_loop3A_717 = vector.shape_cast %parallel_loop3A_716 : vector<16xi32> to vector<16x1xi32>
        %parallel_loop3A_718 = vector.shape_cast %parallel_loop3A_717 : vector<16x1xi32> to vector<16xi32>
        %parallel_loop3A_719 = tpu.dynamic_gather %parallel_loop3A_75[%parallel_loop3A_718] in [0] : vector<16xi32>, vector<16xi32> -> vector<16xi32>
        %parallel_loop3A_720 = arith.constant 0 : i32
        %parallel_loop3A_721 = vector.broadcast %parallel_loop3A_720 : i32 to vector<16xi32>
        %parallel_loop3A_722 = arith.cmpi slt, %parallel_loop3A_709, %parallel_loop3A_721 : vector<16xi32>
        %parallel_loop3A_723 = arith.constant 16 : i32
        %parallel_loop3A_724 = vector.broadcast %parallel_loop3A_723 : i32 to vector<16xi32>
        %parallel_loop3A_725 = arith.addi %parallel_loop3A_709, %parallel_loop3A_724 : vector<16xi32>
        %parallel_loop3A_726 = arith.select %parallel_loop3A_722, %parallel_loop3A_725, %parallel_loop3A_709 : vector<16xi1>, vector<16xi32>
        %parallel_loop3A_727 = vector.shape_cast %parallel_loop3A_726 : vector<16xi32> to vector<16x1xi32>
        %parallel_loop3A_728 = vector.shape_cast %parallel_loop3A_727 : vector<16x1xi32> to vector<16xi32>
        %parallel_loop3A_729 = tpu.dynamic_gather %parallel_loop3A_77[%parallel_loop3A_728] in [0] : vector<16xf32>, vector<16xi32> -> vector<16xf32>
        %parallel_loop3A_730 = arith.constant 16 : i32
        %parallel_loop3A_731 = vector.broadcast %parallel_loop3A_730 : i32 to vector<16xi32>
        %parallel_loop3A_732 = arith.muli %parallel_loop3A_719, %parallel_loop3A_731 : vector<16xi32>
        %parallel_loop3A_733 = arith.addi %parallel_loop3A_732, %iota3A : vector<16xi32>
        %parallel_loop3A_734 = tpu.vector_load_idx %arg9[%parallel_loop3A_733] : memref<48xf32, #tpu.memory_space<vmem>>[vector<16xi32>], vector<16xf32>,
        %parallel_loop3A_735 = arith.constant 2 : i32
        %parallel_loop3A_736 = arith.muli %parallel_loop3A_735, %parallel_loop3A_68 : i32
        %parallel_loop3A_737 = arith.constant 1 : i32
        %parallel_loop3A_738 = arith.addi %parallel_loop3A_736, %parallel_loop3A_737 : i32
        %parallel_loop3A_739 = arith.constant 6 : i32
        %parallel_loop3A_740 = arith.index_cast %rem3A_43 : i32 to index
        %parallel_loop3A_741 = arith.index_cast %parallel_loop3A_738 : i32 to index
        %parallel_loop3A_742 = arith.index_cast %parallel_loop3A_739 : i32 to index
        %parallel_loop3A_743 = arith.constant 0 : index
        %parallel_loop3A_744 = tpu.vector_load %arg11[%parallel_loop3A_740, %parallel_loop3A_741, %parallel_loop3A_742, %parallel_loop3A_743] {strides = array<i32>} : memref<2x50x8x32xf32, #tpu.memory_space<vmem>>, vector<16xf32>,
        tpu.vector_store %arg11[%parallel_loop3A_740, %parallel_loop3A_741, %parallel_loop3A_742, %parallel_loop3A_743], %parallel_loop3A_734 {strides = array<i32>} : memref<2x50x8x32xf32, #tpu.memory_space<vmem>>, vector<16xf32>,
        %parallel_loop3A_745 = arith.mulf %parallel_loop3A_729, %get3A_9 : vector<16xf32>
        %parallel_loop3A_746 = arith.addf %parallel_loop3A_745, %get3A_11 : vector<16xf32>
        %parallel_loop3A_747 = arith.constant 6 : i32
        %parallel_loop3A_748 = arith.index_cast %rem3A_43 : i32 to index
        %parallel_loop3A_749 = arith.index_cast %parallel_loop3A_738 : i32 to index
        %parallel_loop3A_750 = arith.index_cast %parallel_loop3A_747 : i32 to index
        %parallel_loop3A_751 = arith.constant 16 : index
        %parallel_loop3A_752 = tpu.vector_load %arg11[%parallel_loop3A_748, %parallel_loop3A_749, %parallel_loop3A_750, %parallel_loop3A_751] {strides = array<i32>} : memref<2x50x8x32xf32, #tpu.memory_space<vmem>>, vector<16xf32>,
        tpu.vector_store %arg11[%parallel_loop3A_748, %parallel_loop3A_749, %parallel_loop3A_750, %parallel_loop3A_751], %parallel_loop3A_746 {strides = array<i32>} : memref<2x50x8x32xf32, #tpu.memory_space<vmem>>, vector<16xf32>,
        %parallel_loop3A_753 = arith.constant 15 : i32
        %parallel_loop3A_754 = vector.broadcast %parallel_loop3A_753 : i32 to vector<16xi32>
        %parallel_loop3A_755 = arith.constant 0 : i32
        %parallel_loop3A_756 = vector.broadcast %parallel_loop3A_755 : i32 to vector<16xi32>
        %parallel_loop3A_757 = arith.cmpi slt, %parallel_loop3A_754, %parallel_loop3A_756 : vector<16xi32>
        %parallel_loop3A_758 = arith.constant 16 : i32
        %parallel_loop3A_759 = vector.broadcast %parallel_loop3A_758 : i32 to vector<16xi32>
        %parallel_loop3A_760 = arith.addi %parallel_loop3A_754, %parallel_loop3A_759 : vector<16xi32>
        %parallel_loop3A_761 = arith.select %parallel_loop3A_757, %parallel_loop3A_760, %parallel_loop3A_754 : vector<16xi1>, vector<16xi32>
        %parallel_loop3A_762 = vector.shape_cast %parallel_loop3A_761 : vector<16xi32> to vector<16x1xi32>
        %parallel_loop3A_763 = vector.shape_cast %parallel_loop3A_762 : vector<16x1xi32> to vector<16xi32>
        %parallel_loop3A_764 = tpu.dynamic_gather %parallel_loop3A_75[%parallel_loop3A_763] in [0] : vector<16xi32>, vector<16xi32> -> vector<16xi32>
        %parallel_loop3A_765 = arith.constant 0 : i32
        %parallel_loop3A_766 = vector.broadcast %parallel_loop3A_765 : i32 to vector<16xi32>
        %parallel_loop3A_767 = arith.cmpi slt, %parallel_loop3A_754, %parallel_loop3A_766 : vector<16xi32>
        %parallel_loop3A_768 = arith.constant 16 : i32
        %parallel_loop3A_769 = vector.broadcast %parallel_loop3A_768 : i32 to vector<16xi32>
        %parallel_loop3A_770 = arith.addi %parallel_loop3A_754, %parallel_loop3A_769 : vector<16xi32>
        %parallel_loop3A_771 = arith.select %parallel_loop3A_767, %parallel_loop3A_770, %parallel_loop3A_754 : vector<16xi1>, vector<16xi32>
        %parallel_loop3A_772 = vector.shape_cast %parallel_loop3A_771 : vector<16xi32> to vector<16x1xi32>
        %parallel_loop3A_773 = vector.shape_cast %parallel_loop3A_772 : vector<16x1xi32> to vector<16xi32>
        %parallel_loop3A_774 = tpu.dynamic_gather %parallel_loop3A_77[%parallel_loop3A_773] in [0] : vector<16xf32>, vector<16xi32> -> vector<16xf32>
        %parallel_loop3A_775 = arith.constant 16 : i32
        %parallel_loop3A_776 = vector.broadcast %parallel_loop3A_775 : i32 to vector<16xi32>
        %parallel_loop3A_777 = arith.muli %parallel_loop3A_764, %parallel_loop3A_776 : vector<16xi32>
        %parallel_loop3A_778 = arith.addi %parallel_loop3A_777, %iota3A : vector<16xi32>
        %parallel_loop3A_779 = tpu.vector_load_idx %arg9[%parallel_loop3A_778] : memref<48xf32, #tpu.memory_space<vmem>>[vector<16xi32>], vector<16xf32>,
        %parallel_loop3A_780 = arith.constant 2 : i32
        %parallel_loop3A_781 = arith.muli %parallel_loop3A_780, %parallel_loop3A_68 : i32
        %parallel_loop3A_782 = arith.constant 1 : i32
        %parallel_loop3A_783 = arith.addi %parallel_loop3A_781, %parallel_loop3A_782 : i32
        %parallel_loop3A_784 = arith.constant 7 : i32
        %parallel_loop3A_785 = arith.index_cast %rem3A_43 : i32 to index
        %parallel_loop3A_786 = arith.index_cast %parallel_loop3A_783 : i32 to index
        %parallel_loop3A_787 = arith.index_cast %parallel_loop3A_784 : i32 to index
        %parallel_loop3A_788 = arith.constant 0 : index
        %parallel_loop3A_789 = tpu.vector_load %arg11[%parallel_loop3A_785, %parallel_loop3A_786, %parallel_loop3A_787, %parallel_loop3A_788] {strides = array<i32>} : memref<2x50x8x32xf32, #tpu.memory_space<vmem>>, vector<16xf32>,
        tpu.vector_store %arg11[%parallel_loop3A_785, %parallel_loop3A_786, %parallel_loop3A_787, %parallel_loop3A_788], %parallel_loop3A_779 {strides = array<i32>} : memref<2x50x8x32xf32, #tpu.memory_space<vmem>>, vector<16xf32>,
        %parallel_loop3A_790 = arith.mulf %parallel_loop3A_774, %get3A_9 : vector<16xf32>
        %parallel_loop3A_791 = arith.addf %parallel_loop3A_790, %get3A_11 : vector<16xf32>
        %parallel_loop3A_792 = arith.constant 7 : i32
        %parallel_loop3A_793 = arith.index_cast %rem3A_43 : i32 to index
        %parallel_loop3A_794 = arith.index_cast %parallel_loop3A_783 : i32 to index
        %parallel_loop3A_795 = arith.index_cast %parallel_loop3A_792 : i32 to index
        %parallel_loop3A_796 = arith.constant 16 : index
        %parallel_loop3A_797 = tpu.vector_load %arg11[%parallel_loop3A_793, %parallel_loop3A_794, %parallel_loop3A_795, %parallel_loop3A_796] {strides = array<i32>} : memref<2x50x8x32xf32, #tpu.memory_space<vmem>>, vector<16xf32>,
        tpu.vector_store %arg11[%parallel_loop3A_793, %parallel_loop3A_794, %parallel_loop3A_795, %parallel_loop3A_796], %parallel_loop3A_791 {strides = array<i32>} : memref<2x50x8x32xf32, #tpu.memory_space<vmem>>, vector<16xf32>,
      } {sc.loop_unroll_factor = 1 : i64, sc.parallel_access}
      %gt3A = arith.constant 0 : i32
      %gt3A_46 = arith.cmpi sgt, %while3A_42, %gt3A : i32
      %convert_element_type3A_47 = arith.extui %gt3A_46 : i1 to i32
      %cond3A_48 = arith.constant 0 : i32
      %cond3A_49 = arith.cmpi ne, %convert_element_type3A_47, %cond3A_48 : i32
      scf.if %cond3A_49 {
        %mul3A_68 = arith.constant 50 : i32
        %mul3A_69 = arith.muli %while3A_42, %mul3A_68 : i32
        %add3A_70 = arith.addi %mul3A_13, %mul3A_69 : i32
        %dma_wait3A_71 = arith.constant 0 : i32
        %dma_wait3A_72 = arith.constant 0 : i32
        %dma_wait3A_73 = arith.constant 0 : i32
        %dma_wait3A_74 = tpu.memref_slice %arg11[%rem3A_43, %dma_wait3A_71, %dma_wait3A_72, %dma_wait3A_73] : memref<2x50x8x32xf32, #tpu.memory_space<vmem>> -> memref<1x50x8x32xf32, #tpu.memory_space<vmem>>
        %dma_wait3A_75 = tpu.memref_squeeze %dma_wait3A_74 : memref<1x50x8x32xf32, #tpu.memory_space<vmem>> -> memref<50x8x32xf32, #tpu.memory_space<vmem>>
        %dma_wait3A_76 = arith.constant 0 : i32
        %dma_wait3A_77 = arith.constant 0 : i32
        %dma_wait3A_78 = tpu.memref_slice %arg6[%add3A_70, %dma_wait3A_76, %dma_wait3A_77] : memref<12500x8x32xf32, #tpu.memory_space<hbm>> -> memref<50x8x32xf32, #tpu.memory_space<hbm>>
        %dma_wait3A_79 = arith.constant 0 : i32
        %dma_wait3A_80 = arith.constant 0 : i32
        %dma_wait3A_81 = tpu.memref_slice %arg6[%add3A_70, %dma_wait3A_79, %dma_wait3A_80] : memref<12500x8x32xf32, #tpu.memory_space<hbm>> -> memref<50x8x32xf32, #tpu.memory_space<hbm>>
        %dma_wait3A_82 = arith.constant 0 : i32
        %dma_wait3A_83 = arith.constant 0 : i32
        %dma_wait3A_84 = arith.constant 0 : i32
        %dma_wait3A_85 = tpu.memref_slice %arg11[%rem3A_43, %dma_wait3A_82, %dma_wait3A_83, %dma_wait3A_84] : memref<2x50x8x32xf32, #tpu.memory_space<vmem>> -> memref<1x50x8x32xf32, #tpu.memory_space<vmem>>
        %dma_wait3A_86 = tpu.memref_squeeze %dma_wait3A_85 : memref<1x50x8x32xf32, #tpu.memory_space<vmem>> -> memref<50x8x32xf32, #tpu.memory_space<vmem>>
        tpu.wait_dma2 semaphore(%arg12 : memref<!tpu.dma_semaphore, #tpu.memory_space<semaphore_mem>>) src(%dma_wait3A_86 : memref<50x8x32xf32, #tpu.memory_space<vmem>>) dst(%dma_wait3A_81 : memref<50x8x32xf32, #tpu.memory_space<hbm>>)
      } else {
      }
      %mul3A_50 = arith.constant 50 : i32
      %mul3A_51 = arith.muli %while3A_42, %mul3A_50 : i32
      %add3A_52 = arith.addi %mul3A_13, %mul3A_51 : i32
      %dma_start3A = arith.constant 0 : i32
      %dma_start3A_53 = arith.constant 0 : i32
      %dma_start3A_54 = arith.constant 0 : i32
      %dma_start3A_55 = tpu.memref_slice %arg11[%rem3A_43, %dma_start3A, %dma_start3A_53, %dma_start3A_54] : memref<2x50x8x32xf32, #tpu.memory_space<vmem>> -> memref<1x50x8x32xf32, #tpu.memory_space<vmem>>
      %dma_start3A_56 = tpu.memref_squeeze %dma_start3A_55 : memref<1x50x8x32xf32, #tpu.memory_space<vmem>> -> memref<50x8x32xf32, #tpu.memory_space<vmem>>
      %dma_start3A_57 = arith.constant 0 : i32
      %dma_start3A_58 = arith.constant 0 : i32
      %dma_start3A_59 = tpu.memref_slice %arg6[%add3A_52, %dma_start3A_57, %dma_start3A_58] : memref<12500x8x32xf32, #tpu.memory_space<hbm>> -> memref<50x8x32xf32, #tpu.memory_space<hbm>>
      %dma_start3A_60 = arith.constant 0 : i32
      %dma_start3A_61 = arith.constant 0 : i32
      %dma_start3A_62 = tpu.memref_slice %arg6[%add3A_52, %dma_start3A_60, %dma_start3A_61] : memref<12500x8x32xf32, #tpu.memory_space<hbm>> -> memref<50x8x32xf32, #tpu.memory_space<hbm>>
      %dma_start3A_63 = arith.constant 0 : i32
      %dma_start3A_64 = arith.constant 0 : i32
      %dma_start3A_65 = arith.constant 0 : i32
      %dma_start3A_66 = tpu.memref_slice %arg11[%rem3A_43, %dma_start3A_63, %dma_start3A_64, %dma_start3A_65] : memref<2x50x8x32xf32, #tpu.memory_space<vmem>> -> memref<1x50x8x32xf32, #tpu.memory_space<vmem>>
      %dma_start3A_67 = tpu.memref_squeeze %dma_start3A_66 : memref<1x50x8x32xf32, #tpu.memory_space<vmem>> -> memref<50x8x32xf32, #tpu.memory_space<vmem>>
      tpu.enqueue_dma source(%dma_start3A_67 : memref<50x8x32xf32, #tpu.memory_space<vmem>>) target(%dma_start3A_62 : memref<50x8x32xf32, #tpu.memory_space<hbm>>) target_semaphore(%arg12 : memref<!tpu.dma_semaphore, #tpu.memory_space<semaphore_mem>>)
    }
    %while3A_23 = arith.constant 1 : i32
    scf.for %while3A_42 = %while3A_21 to %while3A_17 step %while3A_23  : i32 {
      %rem3A = arith.constant 2 : i32
      %rem3A_43 = arith.remsi %while3A_42, %rem3A : i32
      %parallel_loop3A = arith.constant 0 : i32
      %parallel_loop3A_44 = arith.constant 25 : i32
      %parallel_loop3A_45 = arith.constant 1 : i32
      scf.for %parallel_loop3A_68 = %parallel_loop3A to %parallel_loop3A_44 step %parallel_loop3A_45  : i32 {
        %parallel_loop3A_69 = arith.constant 400 : i32
        %parallel_loop3A_70 = arith.muli %while3A_42, %parallel_loop3A_69 : i32
        %parallel_loop3A_71 = arith.constant 16 : i32
        %parallel_loop3A_72 = arith.muli %parallel_loop3A_68, %parallel_loop3A_71 : i32
        %parallel_loop3A_73 = arith.addi %parallel_loop3A_70, %parallel_loop3A_72 : i32
        %parallel_loop3A_74 = arith.index_cast %parallel_loop3A_73 : i32 to index
        %parallel_loop3A_75 = tpu.vector_load %arg7[%parallel_loop3A_74] {strides = array<i32>} : memref<3200xi32, #tpu.memory_space<vmem>>, vector<16xi32>,
        %parallel_loop3A_76 = arith.index_cast %parallel_loop3A_73 : i32 to index
        %parallel_loop3A_77 = tpu.vector_load %arg8[%parallel_loop3A_76] {strides = array<i32>} : memref<3200xf32, #tpu.memory_space<vmem>>, vector<16xf32>,
        %parallel_loop3A_78 = arith.constant 0 : i32
        %parallel_loop3A_79 = vector.broadcast %parallel_loop3A_78 : i32 to vector<16xi32>
        %parallel_loop3A_80 = arith.constant 0 : i32
        %parallel_loop3A_81 = vector.broadcast %parallel_loop3A_80 : i32 to vector<16xi32>
        %parallel_loop3A_82 = arith.cmpi slt, %parallel_loop3A_79, %parallel_loop3A_81 : vector<16xi32>
        %parallel_loop3A_83 = arith.constant 16 : i32
        %parallel_loop3A_84 = vector.broadcast %parallel_loop3A_83 : i32 to vector<16xi32>
        %parallel_loop3A_85 = arith.addi %parallel_loop3A_79, %parallel_loop3A_84 : vector<16xi32>
        %parallel_loop3A_86 = arith.select %parallel_loop3A_82, %parallel_loop3A_85, %parallel_loop3A_79 : vector<16xi1>, vector<16xi32>
        %parallel_loop3A_87 = vector.shape_cast %parallel_loop3A_86 : vector<16xi32> to vector<16x1xi32>
        %parallel_loop3A_88 = vector.shape_cast %parallel_loop3A_87 : vector<16x1xi32> to vector<16xi32>
        %parallel_loop3A_89 = tpu.dynamic_gather %parallel_loop3A_75[%parallel_loop3A_88] in [0] : vector<16xi32>, vector<16xi32> -> vector<16xi32>
        %parallel_loop3A_90 = arith.constant 0 : i32
        %parallel_loop3A_91 = vector.broadcast %parallel_loop3A_90 : i32 to vector<16xi32>
        %parallel_loop3A_92 = arith.cmpi slt, %parallel_loop3A_79, %parallel_loop3A_91 : vector<16xi32>
        %parallel_loop3A_93 = arith.constant 16 : i32
        %parallel_loop3A_94 = vector.broadcast %parallel_loop3A_93 : i32 to vector<16xi32>
        %parallel_loop3A_95 = arith.addi %parallel_loop3A_79, %parallel_loop3A_94 : vector<16xi32>
        %parallel_loop3A_96 = arith.select %parallel_loop3A_92, %parallel_loop3A_95, %parallel_loop3A_79 : vector<16xi1>, vector<16xi32>
        %parallel_loop3A_97 = vector.shape_cast %parallel_loop3A_96 : vector<16xi32> to vector<16x1xi32>
        %parallel_loop3A_98 = vector.shape_cast %parallel_loop3A_97 : vector<16x1xi32> to vector<16xi32>
        %parallel_loop3A_99 = tpu.dynamic_gather %parallel_loop3A_77[%parallel_loop3A_98] in [0] : vector<16xf32>, vector<16xi32> -> vector<16xf32>
        %parallel_loop3A_100 = arith.constant 16 : i32
        %parallel_loop3A_101 = vector.broadcast %parallel_loop3A_100 : i32 to vector<16xi32>
        %parallel_loop3A_102 = arith.muli %parallel_loop3A_89, %parallel_loop3A_101 : vector<16xi32>
        %parallel_loop3A_103 = arith.addi %parallel_loop3A_102, %iota3A : vector<16xi32>
        %parallel_loop3A_104 = tpu.vector_load_idx %arg9[%parallel_loop3A_103] : memref<48xf32, #tpu.memory_space<vmem>>[vector<16xi32>], vector<16xf32>,
        %parallel_loop3A_105 = arith.constant 2 : i32
        %parallel_loop3A_106 = arith.muli %parallel_loop3A_105, %parallel_loop3A_68 : i32
        %parallel_loop3A_107 = arith.constant 0 : i32
        %parallel_loop3A_108 = arith.addi %parallel_loop3A_106, %parallel_loop3A_107 : i32
        %parallel_loop3A_109 = arith.constant 0 : i32
        %parallel_loop3A_110 = arith.index_cast %rem3A_43 : i32 to index
        %parallel_loop3A_111 = arith.index_cast %parallel_loop3A_108 : i32 to index
        %parallel_loop3A_112 = arith.index_cast %parallel_loop3A_109 : i32 to index
        %parallel_loop3A_113 = arith.constant 0 : index
        %parallel_loop3A_114 = tpu.vector_load %arg11[%parallel_loop3A_110, %parallel_loop3A_111, %parallel_loop3A_112, %parallel_loop3A_113] {strides = array<i32>} : memref<2x50x8x32xf32, #tpu.memory_space<vmem>>, vector<16xf32>,
        tpu.vector_store %arg11[%parallel_loop3A_110, %parallel_loop3A_111, %parallel_loop3A_112, %parallel_loop3A_113], %parallel_loop3A_104 {strides = array<i32>} : memref<2x50x8x32xf32, #tpu.memory_space<vmem>>, vector<16xf32>,
        %parallel_loop3A_115 = arith.mulf %parallel_loop3A_99, %get3A_9 : vector<16xf32>
        %parallel_loop3A_116 = arith.addf %parallel_loop3A_115, %get3A_11 : vector<16xf32>
        %parallel_loop3A_117 = arith.constant 0 : i32
        %parallel_loop3A_118 = arith.index_cast %rem3A_43 : i32 to index
        %parallel_loop3A_119 = arith.index_cast %parallel_loop3A_108 : i32 to index
        %parallel_loop3A_120 = arith.index_cast %parallel_loop3A_117 : i32 to index
        %parallel_loop3A_121 = arith.constant 16 : index
        %parallel_loop3A_122 = tpu.vector_load %arg11[%parallel_loop3A_118, %parallel_loop3A_119, %parallel_loop3A_120, %parallel_loop3A_121] {strides = array<i32>} : memref<2x50x8x32xf32, #tpu.memory_space<vmem>>, vector<16xf32>,
        tpu.vector_store %arg11[%parallel_loop3A_118, %parallel_loop3A_119, %parallel_loop3A_120, %parallel_loop3A_121], %parallel_loop3A_116 {strides = array<i32>} : memref<2x50x8x32xf32, #tpu.memory_space<vmem>>, vector<16xf32>,
        %parallel_loop3A_123 = arith.constant 1 : i32
        %parallel_loop3A_124 = vector.broadcast %parallel_loop3A_123 : i32 to vector<16xi32>
        %parallel_loop3A_125 = arith.constant 0 : i32
        %parallel_loop3A_126 = vector.broadcast %parallel_loop3A_125 : i32 to vector<16xi32>
        %parallel_loop3A_127 = arith.cmpi slt, %parallel_loop3A_124, %parallel_loop3A_126 : vector<16xi32>
        %parallel_loop3A_128 = arith.constant 16 : i32
        %parallel_loop3A_129 = vector.broadcast %parallel_loop3A_128 : i32 to vector<16xi32>
        %parallel_loop3A_130 = arith.addi %parallel_loop3A_124, %parallel_loop3A_129 : vector<16xi32>
        %parallel_loop3A_131 = arith.select %parallel_loop3A_127, %parallel_loop3A_130, %parallel_loop3A_124 : vector<16xi1>, vector<16xi32>
        %parallel_loop3A_132 = vector.shape_cast %parallel_loop3A_131 : vector<16xi32> to vector<16x1xi32>
        %parallel_loop3A_133 = vector.shape_cast %parallel_loop3A_132 : vector<16x1xi32> to vector<16xi32>
        %parallel_loop3A_134 = tpu.dynamic_gather %parallel_loop3A_75[%parallel_loop3A_133] in [0] : vector<16xi32>, vector<16xi32> -> vector<16xi32>
        %parallel_loop3A_135 = arith.constant 0 : i32
        %parallel_loop3A_136 = vector.broadcast %parallel_loop3A_135 : i32 to vector<16xi32>
        %parallel_loop3A_137 = arith.cmpi slt, %parallel_loop3A_124, %parallel_loop3A_136 : vector<16xi32>
        %parallel_loop3A_138 = arith.constant 16 : i32
        %parallel_loop3A_139 = vector.broadcast %parallel_loop3A_138 : i32 to vector<16xi32>
        %parallel_loop3A_140 = arith.addi %parallel_loop3A_124, %parallel_loop3A_139 : vector<16xi32>
        %parallel_loop3A_141 = arith.select %parallel_loop3A_137, %parallel_loop3A_140, %parallel_loop3A_124 : vector<16xi1>, vector<16xi32>
        %parallel_loop3A_142 = vector.shape_cast %parallel_loop3A_141 : vector<16xi32> to vector<16x1xi32>
        %parallel_loop3A_143 = vector.shape_cast %parallel_loop3A_142 : vector<16x1xi32> to vector<16xi32>
        %parallel_loop3A_144 = tpu.dynamic_gather %parallel_loop3A_77[%parallel_loop3A_143] in [0] : vector<16xf32>, vector<16xi32> -> vector<16xf32>
        %parallel_loop3A_145 = arith.constant 16 : i32
        %parallel_loop3A_146 = vector.broadcast %parallel_loop3A_145 : i32 to vector<16xi32>
        %parallel_loop3A_147 = arith.muli %parallel_loop3A_134, %parallel_loop3A_146 : vector<16xi32>
        %parallel_loop3A_148 = arith.addi %parallel_loop3A_147, %iota3A : vector<16xi32>
        %parallel_loop3A_149 = tpu.vector_load_idx %arg9[%parallel_loop3A_148] : memref<48xf32, #tpu.memory_space<vmem>>[vector<16xi32>], vector<16xf32>,
        %parallel_loop3A_150 = arith.constant 2 : i32
        %parallel_loop3A_151 = arith.muli %parallel_loop3A_150, %parallel_loop3A_68 : i32
        %parallel_loop3A_152 = arith.constant 0 : i32
        %parallel_loop3A_153 = arith.addi %parallel_loop3A_151, %parallel_loop3A_152 : i32
        %parallel_loop3A_154 = arith.constant 1 : i32
        %parallel_loop3A_155 = arith.index_cast %rem3A_43 : i32 to index
        %parallel_loop3A_156 = arith.index_cast %parallel_loop3A_153 : i32 to index
        %parallel_loop3A_157 = arith.index_cast %parallel_loop3A_154 : i32 to index
        %parallel_loop3A_158 = arith.constant 0 : index
        %parallel_loop3A_159 = tpu.vector_load %arg11[%parallel_loop3A_155, %parallel_loop3A_156, %parallel_loop3A_157, %parallel_loop3A_158] {strides = array<i32>} : memref<2x50x8x32xf32, #tpu.memory_space<vmem>>, vector<16xf32>,
        tpu.vector_store %arg11[%parallel_loop3A_155, %parallel_loop3A_156, %parallel_loop3A_157, %parallel_loop3A_158], %parallel_loop3A_149 {strides = array<i32>} : memref<2x50x8x32xf32, #tpu.memory_space<vmem>>, vector<16xf32>,
        %parallel_loop3A_160 = arith.mulf %parallel_loop3A_144, %get3A_9 : vector<16xf32>
        %parallel_loop3A_161 = arith.addf %parallel_loop3A_160, %get3A_11 : vector<16xf32>
        %parallel_loop3A_162 = arith.constant 1 : i32
        %parallel_loop3A_163 = arith.index_cast %rem3A_43 : i32 to index
        %parallel_loop3A_164 = arith.index_cast %parallel_loop3A_153 : i32 to index
        %parallel_loop3A_165 = arith.index_cast %parallel_loop3A_162 : i32 to index
        %parallel_loop3A_166 = arith.constant 16 : index
        %parallel_loop3A_167 = tpu.vector_load %arg11[%parallel_loop3A_163, %parallel_loop3A_164, %parallel_loop3A_165, %parallel_loop3A_166] {strides = array<i32>} : memref<2x50x8x32xf32, #tpu.memory_space<vmem>>, vector<16xf32>,
        tpu.vector_store %arg11[%parallel_loop3A_163, %parallel_loop3A_164, %parallel_loop3A_165, %parallel_loop3A_166], %parallel_loop3A_161 {strides = array<i32>} : memref<2x50x8x32xf32, #tpu.memory_space<vmem>>, vector<16xf32>,
        %parallel_loop3A_168 = arith.constant 2 : i32
        %parallel_loop3A_169 = vector.broadcast %parallel_loop3A_168 : i32 to vector<16xi32>
        %parallel_loop3A_170 = arith.constant 0 : i32
        %parallel_loop3A_171 = vector.broadcast %parallel_loop3A_170 : i32 to vector<16xi32>
        %parallel_loop3A_172 = arith.cmpi slt, %parallel_loop3A_169, %parallel_loop3A_171 : vector<16xi32>
        %parallel_loop3A_173 = arith.constant 16 : i32
        %parallel_loop3A_174 = vector.broadcast %parallel_loop3A_173 : i32 to vector<16xi32>
        %parallel_loop3A_175 = arith.addi %parallel_loop3A_169, %parallel_loop3A_174 : vector<16xi32>
        %parallel_loop3A_176 = arith.select %parallel_loop3A_172, %parallel_loop3A_175, %parallel_loop3A_169 : vector<16xi1>, vector<16xi32>
        %parallel_loop3A_177 = vector.shape_cast %parallel_loop3A_176 : vector<16xi32> to vector<16x1xi32>
        %parallel_loop3A_178 = vector.shape_cast %parallel_loop3A_177 : vector<16x1xi32> to vector<16xi32>
        %parallel_loop3A_179 = tpu.dynamic_gather %parallel_loop3A_75[%parallel_loop3A_178] in [0] : vector<16xi32>, vector<16xi32> -> vector<16xi32>
        %parallel_loop3A_180 = arith.constant 0 : i32
        %parallel_loop3A_181 = vector.broadcast %parallel_loop3A_180 : i32 to vector<16xi32>
        %parallel_loop3A_182 = arith.cmpi slt, %parallel_loop3A_169, %parallel_loop3A_181 : vector<16xi32>
        %parallel_loop3A_183 = arith.constant 16 : i32
        %parallel_loop3A_184 = vector.broadcast %parallel_loop3A_183 : i32 to vector<16xi32>
        %parallel_loop3A_185 = arith.addi %parallel_loop3A_169, %parallel_loop3A_184 : vector<16xi32>
        %parallel_loop3A_186 = arith.select %parallel_loop3A_182, %parallel_loop3A_185, %parallel_loop3A_169 : vector<16xi1>, vector<16xi32>
        %parallel_loop3A_187 = vector.shape_cast %parallel_loop3A_186 : vector<16xi32> to vector<16x1xi32>
        %parallel_loop3A_188 = vector.shape_cast %parallel_loop3A_187 : vector<16x1xi32> to vector<16xi32>
        %parallel_loop3A_189 = tpu.dynamic_gather %parallel_loop3A_77[%parallel_loop3A_188] in [0] : vector<16xf32>, vector<16xi32> -> vector<16xf32>
        %parallel_loop3A_190 = arith.constant 16 : i32
        %parallel_loop3A_191 = vector.broadcast %parallel_loop3A_190 : i32 to vector<16xi32>
        %parallel_loop3A_192 = arith.muli %parallel_loop3A_179, %parallel_loop3A_191 : vector<16xi32>
        %parallel_loop3A_193 = arith.addi %parallel_loop3A_192, %iota3A : vector<16xi32>
        %parallel_loop3A_194 = tpu.vector_load_idx %arg9[%parallel_loop3A_193] : memref<48xf32, #tpu.memory_space<vmem>>[vector<16xi32>], vector<16xf32>,
        %parallel_loop3A_195 = arith.constant 2 : i32
        %parallel_loop3A_196 = arith.muli %parallel_loop3A_195, %parallel_loop3A_68 : i32
        %parallel_loop3A_197 = arith.constant 0 : i32
        %parallel_loop3A_198 = arith.addi %parallel_loop3A_196, %parallel_loop3A_197 : i32
        %parallel_loop3A_199 = arith.constant 2 : i32
        %parallel_loop3A_200 = arith.index_cast %rem3A_43 : i32 to index
        %parallel_loop3A_201 = arith.index_cast %parallel_loop3A_198 : i32 to index
        %parallel_loop3A_202 = arith.index_cast %parallel_loop3A_199 : i32 to index
        %parallel_loop3A_203 = arith.constant 0 : index
        %parallel_loop3A_204 = tpu.vector_load %arg11[%parallel_loop3A_200, %parallel_loop3A_201, %parallel_loop3A_202, %parallel_loop3A_203] {strides = array<i32>} : memref<2x50x8x32xf32, #tpu.memory_space<vmem>>, vector<16xf32>,
        tpu.vector_store %arg11[%parallel_loop3A_200, %parallel_loop3A_201, %parallel_loop3A_202, %parallel_loop3A_203], %parallel_loop3A_194 {strides = array<i32>} : memref<2x50x8x32xf32, #tpu.memory_space<vmem>>, vector<16xf32>,
        %parallel_loop3A_205 = arith.mulf %parallel_loop3A_189, %get3A_9 : vector<16xf32>
        %parallel_loop3A_206 = arith.addf %parallel_loop3A_205, %get3A_11 : vector<16xf32>
        %parallel_loop3A_207 = arith.constant 2 : i32
        %parallel_loop3A_208 = arith.index_cast %rem3A_43 : i32 to index
        %parallel_loop3A_209 = arith.index_cast %parallel_loop3A_198 : i32 to index
        %parallel_loop3A_210 = arith.index_cast %parallel_loop3A_207 : i32 to index
        %parallel_loop3A_211 = arith.constant 16 : index
        %parallel_loop3A_212 = tpu.vector_load %arg11[%parallel_loop3A_208, %parallel_loop3A_209, %parallel_loop3A_210, %parallel_loop3A_211] {strides = array<i32>} : memref<2x50x8x32xf32, #tpu.memory_space<vmem>>, vector<16xf32>,
        tpu.vector_store %arg11[%parallel_loop3A_208, %parallel_loop3A_209, %parallel_loop3A_210, %parallel_loop3A_211], %parallel_loop3A_206 {strides = array<i32>} : memref<2x50x8x32xf32, #tpu.memory_space<vmem>>, vector<16xf32>,
        %parallel_loop3A_213 = arith.constant 3 : i32
        %parallel_loop3A_214 = vector.broadcast %parallel_loop3A_213 : i32 to vector<16xi32>
        %parallel_loop3A_215 = arith.constant 0 : i32
        %parallel_loop3A_216 = vector.broadcast %parallel_loop3A_215 : i32 to vector<16xi32>
        %parallel_loop3A_217 = arith.cmpi slt, %parallel_loop3A_214, %parallel_loop3A_216 : vector<16xi32>
        %parallel_loop3A_218 = arith.constant 16 : i32
        %parallel_loop3A_219 = vector.broadcast %parallel_loop3A_218 : i32 to vector<16xi32>
        %parallel_loop3A_220 = arith.addi %parallel_loop3A_214, %parallel_loop3A_219 : vector<16xi32>
        %parallel_loop3A_221 = arith.select %parallel_loop3A_217, %parallel_loop3A_220, %parallel_loop3A_214 : vector<16xi1>, vector<16xi32>
        %parallel_loop3A_222 = vector.shape_cast %parallel_loop3A_221 : vector<16xi32> to vector<16x1xi32>
        %parallel_loop3A_223 = vector.shape_cast %parallel_loop3A_222 : vector<16x1xi32> to vector<16xi32>
        %parallel_loop3A_224 = tpu.dynamic_gather %parallel_loop3A_75[%parallel_loop3A_223] in [0] : vector<16xi32>, vector<16xi32> -> vector<16xi32>
        %parallel_loop3A_225 = arith.constant 0 : i32
        %parallel_loop3A_226 = vector.broadcast %parallel_loop3A_225 : i32 to vector<16xi32>
        %parallel_loop3A_227 = arith.cmpi slt, %parallel_loop3A_214, %parallel_loop3A_226 : vector<16xi32>
        %parallel_loop3A_228 = arith.constant 16 : i32
        %parallel_loop3A_229 = vector.broadcast %parallel_loop3A_228 : i32 to vector<16xi32>
        %parallel_loop3A_230 = arith.addi %parallel_loop3A_214, %parallel_loop3A_229 : vector<16xi32>
        %parallel_loop3A_231 = arith.select %parallel_loop3A_227, %parallel_loop3A_230, %parallel_loop3A_214 : vector<16xi1>, vector<16xi32>
        %parallel_loop3A_232 = vector.shape_cast %parallel_loop3A_231 : vector<16xi32> to vector<16x1xi32>
        %parallel_loop3A_233 = vector.shape_cast %parallel_loop3A_232 : vector<16x1xi32> to vector<16xi32>
        %parallel_loop3A_234 = tpu.dynamic_gather %parallel_loop3A_77[%parallel_loop3A_233] in [0] : vector<16xf32>, vector<16xi32> -> vector<16xf32>
        %parallel_loop3A_235 = arith.constant 16 : i32
        %parallel_loop3A_236 = vector.broadcast %parallel_loop3A_235 : i32 to vector<16xi32>
        %parallel_loop3A_237 = arith.muli %parallel_loop3A_224, %parallel_loop3A_236 : vector<16xi32>
        %parallel_loop3A_238 = arith.addi %parallel_loop3A_237, %iota3A : vector<16xi32>
        %parallel_loop3A_239 = tpu.vector_load_idx %arg9[%parallel_loop3A_238] : memref<48xf32, #tpu.memory_space<vmem>>[vector<16xi32>], vector<16xf32>,
        %parallel_loop3A_240 = arith.constant 2 : i32
        %parallel_loop3A_241 = arith.muli %parallel_loop3A_240, %parallel_loop3A_68 : i32
        %parallel_loop3A_242 = arith.constant 0 : i32
        %parallel_loop3A_243 = arith.addi %parallel_loop3A_241, %parallel_loop3A_242 : i32
        %parallel_loop3A_244 = arith.constant 3 : i32
        %parallel_loop3A_245 = arith.index_cast %rem3A_43 : i32 to index
        %parallel_loop3A_246 = arith.index_cast %parallel_loop3A_243 : i32 to index
        %parallel_loop3A_247 = arith.index_cast %parallel_loop3A_244 : i32 to index
        %parallel_loop3A_248 = arith.constant 0 : index
        %parallel_loop3A_249 = tpu.vector_load %arg11[%parallel_loop3A_245, %parallel_loop3A_246, %parallel_loop3A_247, %parallel_loop3A_248] {strides = array<i32>} : memref<2x50x8x32xf32, #tpu.memory_space<vmem>>, vector<16xf32>,
        tpu.vector_store %arg11[%parallel_loop3A_245, %parallel_loop3A_246, %parallel_loop3A_247, %parallel_loop3A_248], %parallel_loop3A_239 {strides = array<i32>} : memref<2x50x8x32xf32, #tpu.memory_space<vmem>>, vector<16xf32>,
        %parallel_loop3A_250 = arith.mulf %parallel_loop3A_234, %get3A_9 : vector<16xf32>
        %parallel_loop3A_251 = arith.addf %parallel_loop3A_250, %get3A_11 : vector<16xf32>
        %parallel_loop3A_252 = arith.constant 3 : i32
        %parallel_loop3A_253 = arith.index_cast %rem3A_43 : i32 to index
        %parallel_loop3A_254 = arith.index_cast %parallel_loop3A_243 : i32 to index
        %parallel_loop3A_255 = arith.index_cast %parallel_loop3A_252 : i32 to index
        %parallel_loop3A_256 = arith.constant 16 : index
        %parallel_loop3A_257 = tpu.vector_load %arg11[%parallel_loop3A_253, %parallel_loop3A_254, %parallel_loop3A_255, %parallel_loop3A_256] {strides = array<i32>} : memref<2x50x8x32xf32, #tpu.memory_space<vmem>>, vector<16xf32>,
        tpu.vector_store %arg11[%parallel_loop3A_253, %parallel_loop3A_254, %parallel_loop3A_255, %parallel_loop3A_256], %parallel_loop3A_251 {strides = array<i32>} : memref<2x50x8x32xf32, #tpu.memory_space<vmem>>, vector<16xf32>,
        %parallel_loop3A_258 = arith.constant 4 : i32
        %parallel_loop3A_259 = vector.broadcast %parallel_loop3A_258 : i32 to vector<16xi32>
        %parallel_loop3A_260 = arith.constant 0 : i32
        %parallel_loop3A_261 = vector.broadcast %parallel_loop3A_260 : i32 to vector<16xi32>
        %parallel_loop3A_262 = arith.cmpi slt, %parallel_loop3A_259, %parallel_loop3A_261 : vector<16xi32>
        %parallel_loop3A_263 = arith.constant 16 : i32
        %parallel_loop3A_264 = vector.broadcast %parallel_loop3A_263 : i32 to vector<16xi32>
        %parallel_loop3A_265 = arith.addi %parallel_loop3A_259, %parallel_loop3A_264 : vector<16xi32>
        %parallel_loop3A_266 = arith.select %parallel_loop3A_262, %parallel_loop3A_265, %parallel_loop3A_259 : vector<16xi1>, vector<16xi32>
        %parallel_loop3A_267 = vector.shape_cast %parallel_loop3A_266 : vector<16xi32> to vector<16x1xi32>
        %parallel_loop3A_268 = vector.shape_cast %parallel_loop3A_267 : vector<16x1xi32> to vector<16xi32>
        %parallel_loop3A_269 = tpu.dynamic_gather %parallel_loop3A_75[%parallel_loop3A_268] in [0] : vector<16xi32>, vector<16xi32> -> vector<16xi32>
        %parallel_loop3A_270 = arith.constant 0 : i32
        %parallel_loop3A_271 = vector.broadcast %parallel_loop3A_270 : i32 to vector<16xi32>
        %parallel_loop3A_272 = arith.cmpi slt, %parallel_loop3A_259, %parallel_loop3A_271 : vector<16xi32>
        %parallel_loop3A_273 = arith.constant 16 : i32
        %parallel_loop3A_274 = vector.broadcast %parallel_loop3A_273 : i32 to vector<16xi32>
        %parallel_loop3A_275 = arith.addi %parallel_loop3A_259, %parallel_loop3A_274 : vector<16xi32>
        %parallel_loop3A_276 = arith.select %parallel_loop3A_272, %parallel_loop3A_275, %parallel_loop3A_259 : vector<16xi1>, vector<16xi32>
        %parallel_loop3A_277 = vector.shape_cast %parallel_loop3A_276 : vector<16xi32> to vector<16x1xi32>
        %parallel_loop3A_278 = vector.shape_cast %parallel_loop3A_277 : vector<16x1xi32> to vector<16xi32>
        %parallel_loop3A_279 = tpu.dynamic_gather %parallel_loop3A_77[%parallel_loop3A_278] in [0] : vector<16xf32>, vector<16xi32> -> vector<16xf32>
        %parallel_loop3A_280 = arith.constant 16 : i32
        %parallel_loop3A_281 = vector.broadcast %parallel_loop3A_280 : i32 to vector<16xi32>
        %parallel_loop3A_282 = arith.muli %parallel_loop3A_269, %parallel_loop3A_281 : vector<16xi32>
        %parallel_loop3A_283 = arith.addi %parallel_loop3A_282, %iota3A : vector<16xi32>
        %parallel_loop3A_284 = tpu.vector_load_idx %arg9[%parallel_loop3A_283] : memref<48xf32, #tpu.memory_space<vmem>>[vector<16xi32>], vector<16xf32>,
        %parallel_loop3A_285 = arith.constant 2 : i32
        %parallel_loop3A_286 = arith.muli %parallel_loop3A_285, %parallel_loop3A_68 : i32
        %parallel_loop3A_287 = arith.constant 0 : i32
        %parallel_loop3A_288 = arith.addi %parallel_loop3A_286, %parallel_loop3A_287 : i32
        %parallel_loop3A_289 = arith.constant 4 : i32
        %parallel_loop3A_290 = arith.index_cast %rem3A_43 : i32 to index
        %parallel_loop3A_291 = arith.index_cast %parallel_loop3A_288 : i32 to index
        %parallel_loop3A_292 = arith.index_cast %parallel_loop3A_289 : i32 to index
        %parallel_loop3A_293 = arith.constant 0 : index
        %parallel_loop3A_294 = tpu.vector_load %arg11[%parallel_loop3A_290, %parallel_loop3A_291, %parallel_loop3A_292, %parallel_loop3A_293] {strides = array<i32>} : memref<2x50x8x32xf32, #tpu.memory_space<vmem>>, vector<16xf32>,
        tpu.vector_store %arg11[%parallel_loop3A_290, %parallel_loop3A_291, %parallel_loop3A_292, %parallel_loop3A_293], %parallel_loop3A_284 {strides = array<i32>} : memref<2x50x8x32xf32, #tpu.memory_space<vmem>>, vector<16xf32>,
        %parallel_loop3A_295 = arith.mulf %parallel_loop3A_279, %get3A_9 : vector<16xf32>
        %parallel_loop3A_296 = arith.addf %parallel_loop3A_295, %get3A_11 : vector<16xf32>
        %parallel_loop3A_297 = arith.constant 4 : i32
        %parallel_loop3A_298 = arith.index_cast %rem3A_43 : i32 to index
        %parallel_loop3A_299 = arith.index_cast %parallel_loop3A_288 : i32 to index
        %parallel_loop3A_300 = arith.index_cast %parallel_loop3A_297 : i32 to index
        %parallel_loop3A_301 = arith.constant 16 : index
        %parallel_loop3A_302 = tpu.vector_load %arg11[%parallel_loop3A_298, %parallel_loop3A_299, %parallel_loop3A_300, %parallel_loop3A_301] {strides = array<i32>} : memref<2x50x8x32xf32, #tpu.memory_space<vmem>>, vector<16xf32>,
        tpu.vector_store %arg11[%parallel_loop3A_298, %parallel_loop3A_299, %parallel_loop3A_300, %parallel_loop3A_301], %parallel_loop3A_296 {strides = array<i32>} : memref<2x50x8x32xf32, #tpu.memory_space<vmem>>, vector<16xf32>,
        %parallel_loop3A_303 = arith.constant 5 : i32
        %parallel_loop3A_304 = vector.broadcast %parallel_loop3A_303 : i32 to vector<16xi32>
        %parallel_loop3A_305 = arith.constant 0 : i32
        %parallel_loop3A_306 = vector.broadcast %parallel_loop3A_305 : i32 to vector<16xi32>
        %parallel_loop3A_307 = arith.cmpi slt, %parallel_loop3A_304, %parallel_loop3A_306 : vector<16xi32>
        %parallel_loop3A_308 = arith.constant 16 : i32
        %parallel_loop3A_309 = vector.broadcast %parallel_loop3A_308 : i32 to vector<16xi32>
        %parallel_loop3A_310 = arith.addi %parallel_loop3A_304, %parallel_loop3A_309 : vector<16xi32>
        %parallel_loop3A_311 = arith.select %parallel_loop3A_307, %parallel_loop3A_310, %parallel_loop3A_304 : vector<16xi1>, vector<16xi32>
        %parallel_loop3A_312 = vector.shape_cast %parallel_loop3A_311 : vector<16xi32> to vector<16x1xi32>
        %parallel_loop3A_313 = vector.shape_cast %parallel_loop3A_312 : vector<16x1xi32> to vector<16xi32>
        %parallel_loop3A_314 = tpu.dynamic_gather %parallel_loop3A_75[%parallel_loop3A_313] in [0] : vector<16xi32>, vector<16xi32> -> vector<16xi32>
        %parallel_loop3A_315 = arith.constant 0 : i32
        %parallel_loop3A_316 = vector.broadcast %parallel_loop3A_315 : i32 to vector<16xi32>
        %parallel_loop3A_317 = arith.cmpi slt, %parallel_loop3A_304, %parallel_loop3A_316 : vector<16xi32>
        %parallel_loop3A_318 = arith.constant 16 : i32
        %parallel_loop3A_319 = vector.broadcast %parallel_loop3A_318 : i32 to vector<16xi32>
        %parallel_loop3A_320 = arith.addi %parallel_loop3A_304, %parallel_loop3A_319 : vector<16xi32>
        %parallel_loop3A_321 = arith.select %parallel_loop3A_317, %parallel_loop3A_320, %parallel_loop3A_304 : vector<16xi1>, vector<16xi32>
        %parallel_loop3A_322 = vector.shape_cast %parallel_loop3A_321 : vector<16xi32> to vector<16x1xi32>
        %parallel_loop3A_323 = vector.shape_cast %parallel_loop3A_322 : vector<16x1xi32> to vector<16xi32>
        %parallel_loop3A_324 = tpu.dynamic_gather %parallel_loop3A_77[%parallel_loop3A_323] in [0] : vector<16xf32>, vector<16xi32> -> vector<16xf32>
        %parallel_loop3A_325 = arith.constant 16 : i32
        %parallel_loop3A_326 = vector.broadcast %parallel_loop3A_325 : i32 to vector<16xi32>
        %parallel_loop3A_327 = arith.muli %parallel_loop3A_314, %parallel_loop3A_326 : vector<16xi32>
        %parallel_loop3A_328 = arith.addi %parallel_loop3A_327, %iota3A : vector<16xi32>
        %parallel_loop3A_329 = tpu.vector_load_idx %arg9[%parallel_loop3A_328] : memref<48xf32, #tpu.memory_space<vmem>>[vector<16xi32>], vector<16xf32>,
        %parallel_loop3A_330 = arith.constant 2 : i32
        %parallel_loop3A_331 = arith.muli %parallel_loop3A_330, %parallel_loop3A_68 : i32
        %parallel_loop3A_332 = arith.constant 0 : i32
        %parallel_loop3A_333 = arith.addi %parallel_loop3A_331, %parallel_loop3A_332 : i32
        %parallel_loop3A_334 = arith.constant 5 : i32
        %parallel_loop3A_335 = arith.index_cast %rem3A_43 : i32 to index
        %parallel_loop3A_336 = arith.index_cast %parallel_loop3A_333 : i32 to index
        %parallel_loop3A_337 = arith.index_cast %parallel_loop3A_334 : i32 to index
        %parallel_loop3A_338 = arith.constant 0 : index
        %parallel_loop3A_339 = tpu.vector_load %arg11[%parallel_loop3A_335, %parallel_loop3A_336, %parallel_loop3A_337, %parallel_loop3A_338] {strides = array<i32>} : memref<2x50x8x32xf32, #tpu.memory_space<vmem>>, vector<16xf32>,
        tpu.vector_store %arg11[%parallel_loop3A_335, %parallel_loop3A_336, %parallel_loop3A_337, %parallel_loop3A_338], %parallel_loop3A_329 {strides = array<i32>} : memref<2x50x8x32xf32, #tpu.memory_space<vmem>>, vector<16xf32>,
        %parallel_loop3A_340 = arith.mulf %parallel_loop3A_324, %get3A_9 : vector<16xf32>
        %parallel_loop3A_341 = arith.addf %parallel_loop3A_340, %get3A_11 : vector<16xf32>
        %parallel_loop3A_342 = arith.constant 5 : i32
        %parallel_loop3A_343 = arith.index_cast %rem3A_43 : i32 to index
        %parallel_loop3A_344 = arith.index_cast %parallel_loop3A_333 : i32 to index
        %parallel_loop3A_345 = arith.index_cast %parallel_loop3A_342 : i32 to index
        %parallel_loop3A_346 = arith.constant 16 : index
        %parallel_loop3A_347 = tpu.vector_load %arg11[%parallel_loop3A_343, %parallel_loop3A_344, %parallel_loop3A_345, %parallel_loop3A_346] {strides = array<i32>} : memref<2x50x8x32xf32, #tpu.memory_space<vmem>>, vector<16xf32>,
        tpu.vector_store %arg11[%parallel_loop3A_343, %parallel_loop3A_344, %parallel_loop3A_345, %parallel_loop3A_346], %parallel_loop3A_341 {strides = array<i32>} : memref<2x50x8x32xf32, #tpu.memory_space<vmem>>, vector<16xf32>,
        %parallel_loop3A_348 = arith.constant 6 : i32
        %parallel_loop3A_349 = vector.broadcast %parallel_loop3A_348 : i32 to vector<16xi32>
        %parallel_loop3A_350 = arith.constant 0 : i32
        %parallel_loop3A_351 = vector.broadcast %parallel_loop3A_350 : i32 to vector<16xi32>
        %parallel_loop3A_352 = arith.cmpi slt, %parallel_loop3A_349, %parallel_loop3A_351 : vector<16xi32>
        %parallel_loop3A_353 = arith.constant 16 : i32
        %parallel_loop3A_354 = vector.broadcast %parallel_loop3A_353 : i32 to vector<16xi32>
        %parallel_loop3A_355 = arith.addi %parallel_loop3A_349, %parallel_loop3A_354 : vector<16xi32>
        %parallel_loop3A_356 = arith.select %parallel_loop3A_352, %parallel_loop3A_355, %parallel_loop3A_349 : vector<16xi1>, vector<16xi32>
        %parallel_loop3A_357 = vector.shape_cast %parallel_loop3A_356 : vector<16xi32> to vector<16x1xi32>
        %parallel_loop3A_358 = vector.shape_cast %parallel_loop3A_357 : vector<16x1xi32> to vector<16xi32>
        %parallel_loop3A_359 = tpu.dynamic_gather %parallel_loop3A_75[%parallel_loop3A_358] in [0] : vector<16xi32>, vector<16xi32> -> vector<16xi32>
        %parallel_loop3A_360 = arith.constant 0 : i32
        %parallel_loop3A_361 = vector.broadcast %parallel_loop3A_360 : i32 to vector<16xi32>
        %parallel_loop3A_362 = arith.cmpi slt, %parallel_loop3A_349, %parallel_loop3A_361 : vector<16xi32>
        %parallel_loop3A_363 = arith.constant 16 : i32
        %parallel_loop3A_364 = vector.broadcast %parallel_loop3A_363 : i32 to vector<16xi32>
        %parallel_loop3A_365 = arith.addi %parallel_loop3A_349, %parallel_loop3A_364 : vector<16xi32>
        %parallel_loop3A_366 = arith.select %parallel_loop3A_362, %parallel_loop3A_365, %parallel_loop3A_349 : vector<16xi1>, vector<16xi32>
        %parallel_loop3A_367 = vector.shape_cast %parallel_loop3A_366 : vector<16xi32> to vector<16x1xi32>
        %parallel_loop3A_368 = vector.shape_cast %parallel_loop3A_367 : vector<16x1xi32> to vector<16xi32>
        %parallel_loop3A_369 = tpu.dynamic_gather %parallel_loop3A_77[%parallel_loop3A_368] in [0] : vector<16xf32>, vector<16xi32> -> vector<16xf32>
        %parallel_loop3A_370 = arith.constant 16 : i32
        %parallel_loop3A_371 = vector.broadcast %parallel_loop3A_370 : i32 to vector<16xi32>
        %parallel_loop3A_372 = arith.muli %parallel_loop3A_359, %parallel_loop3A_371 : vector<16xi32>
        %parallel_loop3A_373 = arith.addi %parallel_loop3A_372, %iota3A : vector<16xi32>
        %parallel_loop3A_374 = tpu.vector_load_idx %arg9[%parallel_loop3A_373] : memref<48xf32, #tpu.memory_space<vmem>>[vector<16xi32>], vector<16xf32>,
        %parallel_loop3A_375 = arith.constant 2 : i32
        %parallel_loop3A_376 = arith.muli %parallel_loop3A_375, %parallel_loop3A_68 : i32
        %parallel_loop3A_377 = arith.constant 0 : i32
        %parallel_loop3A_378 = arith.addi %parallel_loop3A_376, %parallel_loop3A_377 : i32
        %parallel_loop3A_379 = arith.constant 6 : i32
        %parallel_loop3A_380 = arith.index_cast %rem3A_43 : i32 to index
        %parallel_loop3A_381 = arith.index_cast %parallel_loop3A_378 : i32 to index
        %parallel_loop3A_382 = arith.index_cast %parallel_loop3A_379 : i32 to index
        %parallel_loop3A_383 = arith.constant 0 : index
        %parallel_loop3A_384 = tpu.vector_load %arg11[%parallel_loop3A_380, %parallel_loop3A_381, %parallel_loop3A_382, %parallel_loop3A_383] {strides = array<i32>} : memref<2x50x8x32xf32, #tpu.memory_space<vmem>>, vector<16xf32>,
        tpu.vector_store %arg11[%parallel_loop3A_380, %parallel_loop3A_381, %parallel_loop3A_382, %parallel_loop3A_383], %parallel_loop3A_374 {strides = array<i32>} : memref<2x50x8x32xf32, #tpu.memory_space<vmem>>, vector<16xf32>,
        %parallel_loop3A_385 = arith.mulf %parallel_loop3A_369, %get3A_9 : vector<16xf32>
        %parallel_loop3A_386 = arith.addf %parallel_loop3A_385, %get3A_11 : vector<16xf32>
        %parallel_loop3A_387 = arith.constant 6 : i32
        %parallel_loop3A_388 = arith.index_cast %rem3A_43 : i32 to index
        %parallel_loop3A_389 = arith.index_cast %parallel_loop3A_378 : i32 to index
        %parallel_loop3A_390 = arith.index_cast %parallel_loop3A_387 : i32 to index
        %parallel_loop3A_391 = arith.constant 16 : index
        %parallel_loop3A_392 = tpu.vector_load %arg11[%parallel_loop3A_388, %parallel_loop3A_389, %parallel_loop3A_390, %parallel_loop3A_391] {strides = array<i32>} : memref<2x50x8x32xf32, #tpu.memory_space<vmem>>, vector<16xf32>,
        tpu.vector_store %arg11[%parallel_loop3A_388, %parallel_loop3A_389, %parallel_loop3A_390, %parallel_loop3A_391], %parallel_loop3A_386 {strides = array<i32>} : memref<2x50x8x32xf32, #tpu.memory_space<vmem>>, vector<16xf32>,
        %parallel_loop3A_393 = arith.constant 7 : i32
        %parallel_loop3A_394 = vector.broadcast %parallel_loop3A_393 : i32 to vector<16xi32>
        %parallel_loop3A_395 = arith.constant 0 : i32
        %parallel_loop3A_396 = vector.broadcast %parallel_loop3A_395 : i32 to vector<16xi32>
        %parallel_loop3A_397 = arith.cmpi slt, %parallel_loop3A_394, %parallel_loop3A_396 : vector<16xi32>
        %parallel_loop3A_398 = arith.constant 16 : i32
        %parallel_loop3A_399 = vector.broadcast %parallel_loop3A_398 : i32 to vector<16xi32>
        %parallel_loop3A_400 = arith.addi %parallel_loop3A_394, %parallel_loop3A_399 : vector<16xi32>
        %parallel_loop3A_401 = arith.select %parallel_loop3A_397, %parallel_loop3A_400, %parallel_loop3A_394 : vector<16xi1>, vector<16xi32>
        %parallel_loop3A_402 = vector.shape_cast %parallel_loop3A_401 : vector<16xi32> to vector<16x1xi32>
        %parallel_loop3A_403 = vector.shape_cast %parallel_loop3A_402 : vector<16x1xi32> to vector<16xi32>
        %parallel_loop3A_404 = tpu.dynamic_gather %parallel_loop3A_75[%parallel_loop3A_403] in [0] : vector<16xi32>, vector<16xi32> -> vector<16xi32>
        %parallel_loop3A_405 = arith.constant 0 : i32
        %parallel_loop3A_406 = vector.broadcast %parallel_loop3A_405 : i32 to vector<16xi32>
        %parallel_loop3A_407 = arith.cmpi slt, %parallel_loop3A_394, %parallel_loop3A_406 : vector<16xi32>
        %parallel_loop3A_408 = arith.constant 16 : i32
        %parallel_loop3A_409 = vector.broadcast %parallel_loop3A_408 : i32 to vector<16xi32>
        %parallel_loop3A_410 = arith.addi %parallel_loop3A_394, %parallel_loop3A_409 : vector<16xi32>
        %parallel_loop3A_411 = arith.select %parallel_loop3A_407, %parallel_loop3A_410, %parallel_loop3A_394 : vector<16xi1>, vector<16xi32>
        %parallel_loop3A_412 = vector.shape_cast %parallel_loop3A_411 : vector<16xi32> to vector<16x1xi32>
        %parallel_loop3A_413 = vector.shape_cast %parallel_loop3A_412 : vector<16x1xi32> to vector<16xi32>
        %parallel_loop3A_414 = tpu.dynamic_gather %parallel_loop3A_77[%parallel_loop3A_413] in [0] : vector<16xf32>, vector<16xi32> -> vector<16xf32>
        %parallel_loop3A_415 = arith.constant 16 : i32
        %parallel_loop3A_416 = vector.broadcast %parallel_loop3A_415 : i32 to vector<16xi32>
        %parallel_loop3A_417 = arith.muli %parallel_loop3A_404, %parallel_loop3A_416 : vector<16xi32>
        %parallel_loop3A_418 = arith.addi %parallel_loop3A_417, %iota3A : vector<16xi32>
        %parallel_loop3A_419 = tpu.vector_load_idx %arg9[%parallel_loop3A_418] : memref<48xf32, #tpu.memory_space<vmem>>[vector<16xi32>], vector<16xf32>,
        %parallel_loop3A_420 = arith.constant 2 : i32
        %parallel_loop3A_421 = arith.muli %parallel_loop3A_420, %parallel_loop3A_68 : i32
        %parallel_loop3A_422 = arith.constant 0 : i32
        %parallel_loop3A_423 = arith.addi %parallel_loop3A_421, %parallel_loop3A_422 : i32
        %parallel_loop3A_424 = arith.constant 7 : i32
        %parallel_loop3A_425 = arith.index_cast %rem3A_43 : i32 to index
        %parallel_loop3A_426 = arith.index_cast %parallel_loop3A_423 : i32 to index
        %parallel_loop3A_427 = arith.index_cast %parallel_loop3A_424 : i32 to index
        %parallel_loop3A_428 = arith.constant 0 : index
        %parallel_loop3A_429 = tpu.vector_load %arg11[%parallel_loop3A_425, %parallel_loop3A_426, %parallel_loop3A_427, %parallel_loop3A_428] {strides = array<i32>} : memref<2x50x8x32xf32, #tpu.memory_space<vmem>>, vector<16xf32>,
        tpu.vector_store %arg11[%parallel_loop3A_425, %parallel_loop3A_426, %parallel_loop3A_427, %parallel_loop3A_428], %parallel_loop3A_419 {strides = array<i32>} : memref<2x50x8x32xf32, #tpu.memory_space<vmem>>, vector<16xf32>,
        %parallel_loop3A_430 = arith.mulf %parallel_loop3A_414, %get3A_9 : vector<16xf32>
        %parallel_loop3A_431 = arith.addf %parallel_loop3A_430, %get3A_11 : vector<16xf32>
        %parallel_loop3A_432 = arith.constant 7 : i32
        %parallel_loop3A_433 = arith.index_cast %rem3A_43 : i32 to index
        %parallel_loop3A_434 = arith.index_cast %parallel_loop3A_423 : i32 to index
        %parallel_loop3A_435 = arith.index_cast %parallel_loop3A_432 : i32 to index
        %parallel_loop3A_436 = arith.constant 16 : index
        %parallel_loop3A_437 = tpu.vector_load %arg11[%parallel_loop3A_433, %parallel_loop3A_434, %parallel_loop3A_435, %parallel_loop3A_436] {strides = array<i32>} : memref<2x50x8x32xf32, #tpu.memory_space<vmem>>, vector<16xf32>,
        tpu.vector_store %arg11[%parallel_loop3A_433, %parallel_loop3A_434, %parallel_loop3A_435, %parallel_loop3A_436], %parallel_loop3A_431 {strides = array<i32>} : memref<2x50x8x32xf32, #tpu.memory_space<vmem>>, vector<16xf32>,
        %parallel_loop3A_438 = arith.constant 8 : i32
        %parallel_loop3A_439 = vector.broadcast %parallel_loop3A_438 : i32 to vector<16xi32>
        %parallel_loop3A_440 = arith.constant 0 : i32
        %parallel_loop3A_441 = vector.broadcast %parallel_loop3A_440 : i32 to vector<16xi32>
        %parallel_loop3A_442 = arith.cmpi slt, %parallel_loop3A_439, %parallel_loop3A_441 : vector<16xi32>
        %parallel_loop3A_443 = arith.constant 16 : i32
        %parallel_loop3A_444 = vector.broadcast %parallel_loop3A_443 : i32 to vector<16xi32>
        %parallel_loop3A_445 = arith.addi %parallel_loop3A_439, %parallel_loop3A_444 : vector<16xi32>
        %parallel_loop3A_446 = arith.select %parallel_loop3A_442, %parallel_loop3A_445, %parallel_loop3A_439 : vector<16xi1>, vector<16xi32>
        %parallel_loop3A_447 = vector.shape_cast %parallel_loop3A_446 : vector<16xi32> to vector<16x1xi32>
        %parallel_loop3A_448 = vector.shape_cast %parallel_loop3A_447 : vector<16x1xi32> to vector<16xi32>
        %parallel_loop3A_449 = tpu.dynamic_gather %parallel_loop3A_75[%parallel_loop3A_448] in [0] : vector<16xi32>, vector<16xi32> -> vector<16xi32>
        %parallel_loop3A_450 = arith.constant 0 : i32
        %parallel_loop3A_451 = vector.broadcast %parallel_loop3A_450 : i32 to vector<16xi32>
        %parallel_loop3A_452 = arith.cmpi slt, %parallel_loop3A_439, %parallel_loop3A_451 : vector<16xi32>
        %parallel_loop3A_453 = arith.constant 16 : i32
        %parallel_loop3A_454 = vector.broadcast %parallel_loop3A_453 : i32 to vector<16xi32>
        %parallel_loop3A_455 = arith.addi %parallel_loop3A_439, %parallel_loop3A_454 : vector<16xi32>
        %parallel_loop3A_456 = arith.select %parallel_loop3A_452, %parallel_loop3A_455, %parallel_loop3A_439 : vector<16xi1>, vector<16xi32>
        %parallel_loop3A_457 = vector.shape_cast %parallel_loop3A_456 : vector<16xi32> to vector<16x1xi32>
        %parallel_loop3A_458 = vector.shape_cast %parallel_loop3A_457 : vector<16x1xi32> to vector<16xi32>
        %parallel_loop3A_459 = tpu.dynamic_gather %parallel_loop3A_77[%parallel_loop3A_458] in [0] : vector<16xf32>, vector<16xi32> -> vector<16xf32>
        %parallel_loop3A_460 = arith.constant 16 : i32
        %parallel_loop3A_461 = vector.broadcast %parallel_loop3A_460 : i32 to vector<16xi32>
        %parallel_loop3A_462 = arith.muli %parallel_loop3A_449, %parallel_loop3A_461 : vector<16xi32>
        %parallel_loop3A_463 = arith.addi %parallel_loop3A_462, %iota3A : vector<16xi32>
        %parallel_loop3A_464 = tpu.vector_load_idx %arg9[%parallel_loop3A_463] : memref<48xf32, #tpu.memory_space<vmem>>[vector<16xi32>], vector<16xf32>,
        %parallel_loop3A_465 = arith.constant 2 : i32
        %parallel_loop3A_466 = arith.muli %parallel_loop3A_465, %parallel_loop3A_68 : i32
        %parallel_loop3A_467 = arith.constant 1 : i32
        %parallel_loop3A_468 = arith.addi %parallel_loop3A_466, %parallel_loop3A_467 : i32
        %parallel_loop3A_469 = arith.constant 0 : i32
        %parallel_loop3A_470 = arith.index_cast %rem3A_43 : i32 to index
        %parallel_loop3A_471 = arith.index_cast %parallel_loop3A_468 : i32 to index
        %parallel_loop3A_472 = arith.index_cast %parallel_loop3A_469 : i32 to index
        %parallel_loop3A_473 = arith.constant 0 : index
        %parallel_loop3A_474 = tpu.vector_load %arg11[%parallel_loop3A_470, %parallel_loop3A_471, %parallel_loop3A_472, %parallel_loop3A_473] {strides = array<i32>} : memref<2x50x8x32xf32, #tpu.memory_space<vmem>>, vector<16xf32>,
        tpu.vector_store %arg11[%parallel_loop3A_470, %parallel_loop3A_471, %parallel_loop3A_472, %parallel_loop3A_473], %parallel_loop3A_464 {strides = array<i32>} : memref<2x50x8x32xf32, #tpu.memory_space<vmem>>, vector<16xf32>,
        %parallel_loop3A_475 = arith.mulf %parallel_loop3A_459, %get3A_9 : vector<16xf32>
        %parallel_loop3A_476 = arith.addf %parallel_loop3A_475, %get3A_11 : vector<16xf32>
        %parallel_loop3A_477 = arith.constant 0 : i32
        %parallel_loop3A_478 = arith.index_cast %rem3A_43 : i32 to index
        %parallel_loop3A_479 = arith.index_cast %parallel_loop3A_468 : i32 to index
        %parallel_loop3A_480 = arith.index_cast %parallel_loop3A_477 : i32 to index
        %parallel_loop3A_481 = arith.constant 16 : index
        %parallel_loop3A_482 = tpu.vector_load %arg11[%parallel_loop3A_478, %parallel_loop3A_479, %parallel_loop3A_480, %parallel_loop3A_481] {strides = array<i32>} : memref<2x50x8x32xf32, #tpu.memory_space<vmem>>, vector<16xf32>,
        tpu.vector_store %arg11[%parallel_loop3A_478, %parallel_loop3A_479, %parallel_loop3A_480, %parallel_loop3A_481], %parallel_loop3A_476 {strides = array<i32>} : memref<2x50x8x32xf32, #tpu.memory_space<vmem>>, vector<16xf32>,
        %parallel_loop3A_483 = arith.constant 9 : i32
        %parallel_loop3A_484 = vector.broadcast %parallel_loop3A_483 : i32 to vector<16xi32>
        %parallel_loop3A_485 = arith.constant 0 : i32
        %parallel_loop3A_486 = vector.broadcast %parallel_loop3A_485 : i32 to vector<16xi32>
        %parallel_loop3A_487 = arith.cmpi slt, %parallel_loop3A_484, %parallel_loop3A_486 : vector<16xi32>
        %parallel_loop3A_488 = arith.constant 16 : i32
        %parallel_loop3A_489 = vector.broadcast %parallel_loop3A_488 : i32 to vector<16xi32>
        %parallel_loop3A_490 = arith.addi %parallel_loop3A_484, %parallel_loop3A_489 : vector<16xi32>
        %parallel_loop3A_491 = arith.select %parallel_loop3A_487, %parallel_loop3A_490, %parallel_loop3A_484 : vector<16xi1>, vector<16xi32>
        %parallel_loop3A_492 = vector.shape_cast %parallel_loop3A_491 : vector<16xi32> to vector<16x1xi32>
        %parallel_loop3A_493 = vector.shape_cast %parallel_loop3A_492 : vector<16x1xi32> to vector<16xi32>
        %parallel_loop3A_494 = tpu.dynamic_gather %parallel_loop3A_75[%parallel_loop3A_493] in [0] : vector<16xi32>, vector<16xi32> -> vector<16xi32>
        %parallel_loop3A_495 = arith.constant 0 : i32
        %parallel_loop3A_496 = vector.broadcast %parallel_loop3A_495 : i32 to vector<16xi32>
        %parallel_loop3A_497 = arith.cmpi slt, %parallel_loop3A_484, %parallel_loop3A_496 : vector<16xi32>
        %parallel_loop3A_498 = arith.constant 16 : i32
        %parallel_loop3A_499 = vector.broadcast %parallel_loop3A_498 : i32 to vector<16xi32>
        %parallel_loop3A_500 = arith.addi %parallel_loop3A_484, %parallel_loop3A_499 : vector<16xi32>
        %parallel_loop3A_501 = arith.select %parallel_loop3A_497, %parallel_loop3A_500, %parallel_loop3A_484 : vector<16xi1>, vector<16xi32>
        %parallel_loop3A_502 = vector.shape_cast %parallel_loop3A_501 : vector<16xi32> to vector<16x1xi32>
        %parallel_loop3A_503 = vector.shape_cast %parallel_loop3A_502 : vector<16x1xi32> to vector<16xi32>
        %parallel_loop3A_504 = tpu.dynamic_gather %parallel_loop3A_77[%parallel_loop3A_503] in [0] : vector<16xf32>, vector<16xi32> -> vector<16xf32>
        %parallel_loop3A_505 = arith.constant 16 : i32
        %parallel_loop3A_506 = vector.broadcast %parallel_loop3A_505 : i32 to vector<16xi32>
        %parallel_loop3A_507 = arith.muli %parallel_loop3A_494, %parallel_loop3A_506 : vector<16xi32>
        %parallel_loop3A_508 = arith.addi %parallel_loop3A_507, %iota3A : vector<16xi32>
        %parallel_loop3A_509 = tpu.vector_load_idx %arg9[%parallel_loop3A_508] : memref<48xf32, #tpu.memory_space<vmem>>[vector<16xi32>], vector<16xf32>,
        %parallel_loop3A_510 = arith.constant 2 : i32
        %parallel_loop3A_511 = arith.muli %parallel_loop3A_510, %parallel_loop3A_68 : i32
        %parallel_loop3A_512 = arith.constant 1 : i32
        %parallel_loop3A_513 = arith.addi %parallel_loop3A_511, %parallel_loop3A_512 : i32
        %parallel_loop3A_514 = arith.constant 1 : i32
        %parallel_loop3A_515 = arith.index_cast %rem3A_43 : i32 to index
        %parallel_loop3A_516 = arith.index_cast %parallel_loop3A_513 : i32 to index
        %parallel_loop3A_517 = arith.index_cast %parallel_loop3A_514 : i32 to index
        %parallel_loop3A_518 = arith.constant 0 : index
        %parallel_loop3A_519 = tpu.vector_load %arg11[%parallel_loop3A_515, %parallel_loop3A_516, %parallel_loop3A_517, %parallel_loop3A_518] {strides = array<i32>} : memref<2x50x8x32xf32, #tpu.memory_space<vmem>>, vector<16xf32>,
        tpu.vector_store %arg11[%parallel_loop3A_515, %parallel_loop3A_516, %parallel_loop3A_517, %parallel_loop3A_518], %parallel_loop3A_509 {strides = array<i32>} : memref<2x50x8x32xf32, #tpu.memory_space<vmem>>, vector<16xf32>,
        %parallel_loop3A_520 = arith.mulf %parallel_loop3A_504, %get3A_9 : vector<16xf32>
        %parallel_loop3A_521 = arith.addf %parallel_loop3A_520, %get3A_11 : vector<16xf32>
        %parallel_loop3A_522 = arith.constant 1 : i32
        %parallel_loop3A_523 = arith.index_cast %rem3A_43 : i32 to index
        %parallel_loop3A_524 = arith.index_cast %parallel_loop3A_513 : i32 to index
        %parallel_loop3A_525 = arith.index_cast %parallel_loop3A_522 : i32 to index
        %parallel_loop3A_526 = arith.constant 16 : index
        %parallel_loop3A_527 = tpu.vector_load %arg11[%parallel_loop3A_523, %parallel_loop3A_524, %parallel_loop3A_525, %parallel_loop3A_526] {strides = array<i32>} : memref<2x50x8x32xf32, #tpu.memory_space<vmem>>, vector<16xf32>,
        tpu.vector_store %arg11[%parallel_loop3A_523, %parallel_loop3A_524, %parallel_loop3A_525, %parallel_loop3A_526], %parallel_loop3A_521 {strides = array<i32>} : memref<2x50x8x32xf32, #tpu.memory_space<vmem>>, vector<16xf32>,
        %parallel_loop3A_528 = arith.constant 10 : i32
        %parallel_loop3A_529 = vector.broadcast %parallel_loop3A_528 : i32 to vector<16xi32>
        %parallel_loop3A_530 = arith.constant 0 : i32
        %parallel_loop3A_531 = vector.broadcast %parallel_loop3A_530 : i32 to vector<16xi32>
        %parallel_loop3A_532 = arith.cmpi slt, %parallel_loop3A_529, %parallel_loop3A_531 : vector<16xi32>
        %parallel_loop3A_533 = arith.constant 16 : i32
        %parallel_loop3A_534 = vector.broadcast %parallel_loop3A_533 : i32 to vector<16xi32>
        %parallel_loop3A_535 = arith.addi %parallel_loop3A_529, %parallel_loop3A_534 : vector<16xi32>
        %parallel_loop3A_536 = arith.select %parallel_loop3A_532, %parallel_loop3A_535, %parallel_loop3A_529 : vector<16xi1>, vector<16xi32>
        %parallel_loop3A_537 = vector.shape_cast %parallel_loop3A_536 : vector<16xi32> to vector<16x1xi32>
        %parallel_loop3A_538 = vector.shape_cast %parallel_loop3A_537 : vector<16x1xi32> to vector<16xi32>
        %parallel_loop3A_539 = tpu.dynamic_gather %parallel_loop3A_75[%parallel_loop3A_538] in [0] : vector<16xi32>, vector<16xi32> -> vector<16xi32>
        %parallel_loop3A_540 = arith.constant 0 : i32
        %parallel_loop3A_541 = vector.broadcast %parallel_loop3A_540 : i32 to vector<16xi32>
        %parallel_loop3A_542 = arith.cmpi slt, %parallel_loop3A_529, %parallel_loop3A_541 : vector<16xi32>
        %parallel_loop3A_543 = arith.constant 16 : i32
        %parallel_loop3A_544 = vector.broadcast %parallel_loop3A_543 : i32 to vector<16xi32>
        %parallel_loop3A_545 = arith.addi %parallel_loop3A_529, %parallel_loop3A_544 : vector<16xi32>
        %parallel_loop3A_546 = arith.select %parallel_loop3A_542, %parallel_loop3A_545, %parallel_loop3A_529 : vector<16xi1>, vector<16xi32>
        %parallel_loop3A_547 = vector.shape_cast %parallel_loop3A_546 : vector<16xi32> to vector<16x1xi32>
        %parallel_loop3A_548 = vector.shape_cast %parallel_loop3A_547 : vector<16x1xi32> to vector<16xi32>
        %parallel_loop3A_549 = tpu.dynamic_gather %parallel_loop3A_77[%parallel_loop3A_548] in [0] : vector<16xf32>, vector<16xi32> -> vector<16xf32>
        %parallel_loop3A_550 = arith.constant 16 : i32
        %parallel_loop3A_551 = vector.broadcast %parallel_loop3A_550 : i32 to vector<16xi32>
        %parallel_loop3A_552 = arith.muli %parallel_loop3A_539, %parallel_loop3A_551 : vector<16xi32>
        %parallel_loop3A_553 = arith.addi %parallel_loop3A_552, %iota3A : vector<16xi32>
        %parallel_loop3A_554 = tpu.vector_load_idx %arg9[%parallel_loop3A_553] : memref<48xf32, #tpu.memory_space<vmem>>[vector<16xi32>], vector<16xf32>,
        %parallel_loop3A_555 = arith.constant 2 : i32
        %parallel_loop3A_556 = arith.muli %parallel_loop3A_555, %parallel_loop3A_68 : i32
        %parallel_loop3A_557 = arith.constant 1 : i32
        %parallel_loop3A_558 = arith.addi %parallel_loop3A_556, %parallel_loop3A_557 : i32
        %parallel_loop3A_559 = arith.constant 2 : i32
        %parallel_loop3A_560 = arith.index_cast %rem3A_43 : i32 to index
        %parallel_loop3A_561 = arith.index_cast %parallel_loop3A_558 : i32 to index
        %parallel_loop3A_562 = arith.index_cast %parallel_loop3A_559 : i32 to index
        %parallel_loop3A_563 = arith.constant 0 : index
        %parallel_loop3A_564 = tpu.vector_load %arg11[%parallel_loop3A_560, %parallel_loop3A_561, %parallel_loop3A_562, %parallel_loop3A_563] {strides = array<i32>} : memref<2x50x8x32xf32, #tpu.memory_space<vmem>>, vector<16xf32>,
        tpu.vector_store %arg11[%parallel_loop3A_560, %parallel_loop3A_561, %parallel_loop3A_562, %parallel_loop3A_563], %parallel_loop3A_554 {strides = array<i32>} : memref<2x50x8x32xf32, #tpu.memory_space<vmem>>, vector<16xf32>,
        %parallel_loop3A_565 = arith.mulf %parallel_loop3A_549, %get3A_9 : vector<16xf32>
        %parallel_loop3A_566 = arith.addf %parallel_loop3A_565, %get3A_11 : vector<16xf32>
        %parallel_loop3A_567 = arith.constant 2 : i32
        %parallel_loop3A_568 = arith.index_cast %rem3A_43 : i32 to index
        %parallel_loop3A_569 = arith.index_cast %parallel_loop3A_558 : i32 to index
        %parallel_loop3A_570 = arith.index_cast %parallel_loop3A_567 : i32 to index
        %parallel_loop3A_571 = arith.constant 16 : index
        %parallel_loop3A_572 = tpu.vector_load %arg11[%parallel_loop3A_568, %parallel_loop3A_569, %parallel_loop3A_570, %parallel_loop3A_571] {strides = array<i32>} : memref<2x50x8x32xf32, #tpu.memory_space<vmem>>, vector<16xf32>,
        tpu.vector_store %arg11[%parallel_loop3A_568, %parallel_loop3A_569, %parallel_loop3A_570, %parallel_loop3A_571], %parallel_loop3A_566 {strides = array<i32>} : memref<2x50x8x32xf32, #tpu.memory_space<vmem>>, vector<16xf32>,
        %parallel_loop3A_573 = arith.constant 11 : i32
        %parallel_loop3A_574 = vector.broadcast %parallel_loop3A_573 : i32 to vector<16xi32>
        %parallel_loop3A_575 = arith.constant 0 : i32
        %parallel_loop3A_576 = vector.broadcast %parallel_loop3A_575 : i32 to vector<16xi32>
        %parallel_loop3A_577 = arith.cmpi slt, %parallel_loop3A_574, %parallel_loop3A_576 : vector<16xi32>
        %parallel_loop3A_578 = arith.constant 16 : i32
        %parallel_loop3A_579 = vector.broadcast %parallel_loop3A_578 : i32 to vector<16xi32>
        %parallel_loop3A_580 = arith.addi %parallel_loop3A_574, %parallel_loop3A_579 : vector<16xi32>
        %parallel_loop3A_581 = arith.select %parallel_loop3A_577, %parallel_loop3A_580, %parallel_loop3A_574 : vector<16xi1>, vector<16xi32>
        %parallel_loop3A_582 = vector.shape_cast %parallel_loop3A_581 : vector<16xi32> to vector<16x1xi32>
        %parallel_loop3A_583 = vector.shape_cast %parallel_loop3A_582 : vector<16x1xi32> to vector<16xi32>
        %parallel_loop3A_584 = tpu.dynamic_gather %parallel_loop3A_75[%parallel_loop3A_583] in [0] : vector<16xi32>, vector<16xi32> -> vector<16xi32>
        %parallel_loop3A_585 = arith.constant 0 : i32
        %parallel_loop3A_586 = vector.broadcast %parallel_loop3A_585 : i32 to vector<16xi32>
        %parallel_loop3A_587 = arith.cmpi slt, %parallel_loop3A_574, %parallel_loop3A_586 : vector<16xi32>
        %parallel_loop3A_588 = arith.constant 16 : i32
        %parallel_loop3A_589 = vector.broadcast %parallel_loop3A_588 : i32 to vector<16xi32>
        %parallel_loop3A_590 = arith.addi %parallel_loop3A_574, %parallel_loop3A_589 : vector<16xi32>
        %parallel_loop3A_591 = arith.select %parallel_loop3A_587, %parallel_loop3A_590, %parallel_loop3A_574 : vector<16xi1>, vector<16xi32>
        %parallel_loop3A_592 = vector.shape_cast %parallel_loop3A_591 : vector<16xi32> to vector<16x1xi32>
        %parallel_loop3A_593 = vector.shape_cast %parallel_loop3A_592 : vector<16x1xi32> to vector<16xi32>
        %parallel_loop3A_594 = tpu.dynamic_gather %parallel_loop3A_77[%parallel_loop3A_593] in [0] : vector<16xf32>, vector<16xi32> -> vector<16xf32>
        %parallel_loop3A_595 = arith.constant 16 : i32
        %parallel_loop3A_596 = vector.broadcast %parallel_loop3A_595 : i32 to vector<16xi32>
        %parallel_loop3A_597 = arith.muli %parallel_loop3A_584, %parallel_loop3A_596 : vector<16xi32>
        %parallel_loop3A_598 = arith.addi %parallel_loop3A_597, %iota3A : vector<16xi32>
        %parallel_loop3A_599 = tpu.vector_load_idx %arg9[%parallel_loop3A_598] : memref<48xf32, #tpu.memory_space<vmem>>[vector<16xi32>], vector<16xf32>,
        %parallel_loop3A_600 = arith.constant 2 : i32
        %parallel_loop3A_601 = arith.muli %parallel_loop3A_600, %parallel_loop3A_68 : i32
        %parallel_loop3A_602 = arith.constant 1 : i32
        %parallel_loop3A_603 = arith.addi %parallel_loop3A_601, %parallel_loop3A_602 : i32
        %parallel_loop3A_604 = arith.constant 3 : i32
        %parallel_loop3A_605 = arith.index_cast %rem3A_43 : i32 to index
        %parallel_loop3A_606 = arith.index_cast %parallel_loop3A_603 : i32 to index
        %parallel_loop3A_607 = arith.index_cast %parallel_loop3A_604 : i32 to index
        %parallel_loop3A_608 = arith.constant 0 : index
        %parallel_loop3A_609 = tpu.vector_load %arg11[%parallel_loop3A_605, %parallel_loop3A_606, %parallel_loop3A_607, %parallel_loop3A_608] {strides = array<i32>} : memref<2x50x8x32xf32, #tpu.memory_space<vmem>>, vector<16xf32>,
        tpu.vector_store %arg11[%parallel_loop3A_605, %parallel_loop3A_606, %parallel_loop3A_607, %parallel_loop3A_608], %parallel_loop3A_599 {strides = array<i32>} : memref<2x50x8x32xf32, #tpu.memory_space<vmem>>, vector<16xf32>,
        %parallel_loop3A_610 = arith.mulf %parallel_loop3A_594, %get3A_9 : vector<16xf32>
        %parallel_loop3A_611 = arith.addf %parallel_loop3A_610, %get3A_11 : vector<16xf32>
        %parallel_loop3A_612 = arith.constant 3 : i32
        %parallel_loop3A_613 = arith.index_cast %rem3A_43 : i32 to index
        %parallel_loop3A_614 = arith.index_cast %parallel_loop3A_603 : i32 to index
        %parallel_loop3A_615 = arith.index_cast %parallel_loop3A_612 : i32 to index
        %parallel_loop3A_616 = arith.constant 16 : index
        %parallel_loop3A_617 = tpu.vector_load %arg11[%parallel_loop3A_613, %parallel_loop3A_614, %parallel_loop3A_615, %parallel_loop3A_616] {strides = array<i32>} : memref<2x50x8x32xf32, #tpu.memory_space<vmem>>, vector<16xf32>,
        tpu.vector_store %arg11[%parallel_loop3A_613, %parallel_loop3A_614, %parallel_loop3A_615, %parallel_loop3A_616], %parallel_loop3A_611 {strides = array<i32>} : memref<2x50x8x32xf32, #tpu.memory_space<vmem>>, vector<16xf32>,
        %parallel_loop3A_618 = arith.constant 12 : i32
        %parallel_loop3A_619 = vector.broadcast %parallel_loop3A_618 : i32 to vector<16xi32>
        %parallel_loop3A_620 = arith.constant 0 : i32
        %parallel_loop3A_621 = vector.broadcast %parallel_loop3A_620 : i32 to vector<16xi32>
        %parallel_loop3A_622 = arith.cmpi slt, %parallel_loop3A_619, %parallel_loop3A_621 : vector<16xi32>
        %parallel_loop3A_623 = arith.constant 16 : i32
        %parallel_loop3A_624 = vector.broadcast %parallel_loop3A_623 : i32 to vector<16xi32>
        %parallel_loop3A_625 = arith.addi %parallel_loop3A_619, %parallel_loop3A_624 : vector<16xi32>
        %parallel_loop3A_626 = arith.select %parallel_loop3A_622, %parallel_loop3A_625, %parallel_loop3A_619 : vector<16xi1>, vector<16xi32>
        %parallel_loop3A_627 = vector.shape_cast %parallel_loop3A_626 : vector<16xi32> to vector<16x1xi32>
        %parallel_loop3A_628 = vector.shape_cast %parallel_loop3A_627 : vector<16x1xi32> to vector<16xi32>
        %parallel_loop3A_629 = tpu.dynamic_gather %parallel_loop3A_75[%parallel_loop3A_628] in [0] : vector<16xi32>, vector<16xi32> -> vector<16xi32>
        %parallel_loop3A_630 = arith.constant 0 : i32
        %parallel_loop3A_631 = vector.broadcast %parallel_loop3A_630 : i32 to vector<16xi32>
        %parallel_loop3A_632 = arith.cmpi slt, %parallel_loop3A_619, %parallel_loop3A_631 : vector<16xi32>
        %parallel_loop3A_633 = arith.constant 16 : i32
        %parallel_loop3A_634 = vector.broadcast %parallel_loop3A_633 : i32 to vector<16xi32>
        %parallel_loop3A_635 = arith.addi %parallel_loop3A_619, %parallel_loop3A_634 : vector<16xi32>
        %parallel_loop3A_636 = arith.select %parallel_loop3A_632, %parallel_loop3A_635, %parallel_loop3A_619 : vector<16xi1>, vector<16xi32>
        %parallel_loop3A_637 = vector.shape_cast %parallel_loop3A_636 : vector<16xi32> to vector<16x1xi32>
        %parallel_loop3A_638 = vector.shape_cast %parallel_loop3A_637 : vector<16x1xi32> to vector<16xi32>
        %parallel_loop3A_639 = tpu.dynamic_gather %parallel_loop3A_77[%parallel_loop3A_638] in [0] : vector<16xf32>, vector<16xi32> -> vector<16xf32>
        %parallel_loop3A_640 = arith.constant 16 : i32
        %parallel_loop3A_641 = vector.broadcast %parallel_loop3A_640 : i32 to vector<16xi32>
        %parallel_loop3A_642 = arith.muli %parallel_loop3A_629, %parallel_loop3A_641 : vector<16xi32>
        %parallel_loop3A_643 = arith.addi %parallel_loop3A_642, %iota3A : vector<16xi32>
        %parallel_loop3A_644 = tpu.vector_load_idx %arg9[%parallel_loop3A_643] : memref<48xf32, #tpu.memory_space<vmem>>[vector<16xi32>], vector<16xf32>,
        %parallel_loop3A_645 = arith.constant 2 : i32
        %parallel_loop3A_646 = arith.muli %parallel_loop3A_645, %parallel_loop3A_68 : i32
        %parallel_loop3A_647 = arith.constant 1 : i32
        %parallel_loop3A_648 = arith.addi %parallel_loop3A_646, %parallel_loop3A_647 : i32
        %parallel_loop3A_649 = arith.constant 4 : i32
        %parallel_loop3A_650 = arith.index_cast %rem3A_43 : i32 to index
        %parallel_loop3A_651 = arith.index_cast %parallel_loop3A_648 : i32 to index
        %parallel_loop3A_652 = arith.index_cast %parallel_loop3A_649 : i32 to index
        %parallel_loop3A_653 = arith.constant 0 : index
        %parallel_loop3A_654 = tpu.vector_load %arg11[%parallel_loop3A_650, %parallel_loop3A_651, %parallel_loop3A_652, %parallel_loop3A_653] {strides = array<i32>} : memref<2x50x8x32xf32, #tpu.memory_space<vmem>>, vector<16xf32>,
        tpu.vector_store %arg11[%parallel_loop3A_650, %parallel_loop3A_651, %parallel_loop3A_652, %parallel_loop3A_653], %parallel_loop3A_644 {strides = array<i32>} : memref<2x50x8x32xf32, #tpu.memory_space<vmem>>, vector<16xf32>,
        %parallel_loop3A_655 = arith.mulf %parallel_loop3A_639, %get3A_9 : vector<16xf32>
        %parallel_loop3A_656 = arith.addf %parallel_loop3A_655, %get3A_11 : vector<16xf32>
        %parallel_loop3A_657 = arith.constant 4 : i32
        %parallel_loop3A_658 = arith.index_cast %rem3A_43 : i32 to index
        %parallel_loop3A_659 = arith.index_cast %parallel_loop3A_648 : i32 to index
        %parallel_loop3A_660 = arith.index_cast %parallel_loop3A_657 : i32 to index
        %parallel_loop3A_661 = arith.constant 16 : index
        %parallel_loop3A_662 = tpu.vector_load %arg11[%parallel_loop3A_658, %parallel_loop3A_659, %parallel_loop3A_660, %parallel_loop3A_661] {strides = array<i32>} : memref<2x50x8x32xf32, #tpu.memory_space<vmem>>, vector<16xf32>,
        tpu.vector_store %arg11[%parallel_loop3A_658, %parallel_loop3A_659, %parallel_loop3A_660, %parallel_loop3A_661], %parallel_loop3A_656 {strides = array<i32>} : memref<2x50x8x32xf32, #tpu.memory_space<vmem>>, vector<16xf32>,
        %parallel_loop3A_663 = arith.constant 13 : i32
        %parallel_loop3A_664 = vector.broadcast %parallel_loop3A_663 : i32 to vector<16xi32>
        %parallel_loop3A_665 = arith.constant 0 : i32
        %parallel_loop3A_666 = vector.broadcast %parallel_loop3A_665 : i32 to vector<16xi32>
        %parallel_loop3A_667 = arith.cmpi slt, %parallel_loop3A_664, %parallel_loop3A_666 : vector<16xi32>
        %parallel_loop3A_668 = arith.constant 16 : i32
        %parallel_loop3A_669 = vector.broadcast %parallel_loop3A_668 : i32 to vector<16xi32>
        %parallel_loop3A_670 = arith.addi %parallel_loop3A_664, %parallel_loop3A_669 : vector<16xi32>
        %parallel_loop3A_671 = arith.select %parallel_loop3A_667, %parallel_loop3A_670, %parallel_loop3A_664 : vector<16xi1>, vector<16xi32>
        %parallel_loop3A_672 = vector.shape_cast %parallel_loop3A_671 : vector<16xi32> to vector<16x1xi32>
        %parallel_loop3A_673 = vector.shape_cast %parallel_loop3A_672 : vector<16x1xi32> to vector<16xi32>
        %parallel_loop3A_674 = tpu.dynamic_gather %parallel_loop3A_75[%parallel_loop3A_673] in [0] : vector<16xi32>, vector<16xi32> -> vector<16xi32>
        %parallel_loop3A_675 = arith.constant 0 : i32
        %parallel_loop3A_676 = vector.broadcast %parallel_loop3A_675 : i32 to vector<16xi32>
        %parallel_loop3A_677 = arith.cmpi slt, %parallel_loop3A_664, %parallel_loop3A_676 : vector<16xi32>
        %parallel_loop3A_678 = arith.constant 16 : i32
        %parallel_loop3A_679 = vector.broadcast %parallel_loop3A_678 : i32 to vector<16xi32>
        %parallel_loop3A_680 = arith.addi %parallel_loop3A_664, %parallel_loop3A_679 : vector<16xi32>
        %parallel_loop3A_681 = arith.select %parallel_loop3A_677, %parallel_loop3A_680, %parallel_loop3A_664 : vector<16xi1>, vector<16xi32>
        %parallel_loop3A_682 = vector.shape_cast %parallel_loop3A_681 : vector<16xi32> to vector<16x1xi32>
        %parallel_loop3A_683 = vector.shape_cast %parallel_loop3A_682 : vector<16x1xi32> to vector<16xi32>
        %parallel_loop3A_684 = tpu.dynamic_gather %parallel_loop3A_77[%parallel_loop3A_683] in [0] : vector<16xf32>, vector<16xi32> -> vector<16xf32>
        %parallel_loop3A_685 = arith.constant 16 : i32
        %parallel_loop3A_686 = vector.broadcast %parallel_loop3A_685 : i32 to vector<16xi32>
        %parallel_loop3A_687 = arith.muli %parallel_loop3A_674, %parallel_loop3A_686 : vector<16xi32>
        %parallel_loop3A_688 = arith.addi %parallel_loop3A_687, %iota3A : vector<16xi32>
        %parallel_loop3A_689 = tpu.vector_load_idx %arg9[%parallel_loop3A_688] : memref<48xf32, #tpu.memory_space<vmem>>[vector<16xi32>], vector<16xf32>,
        %parallel_loop3A_690 = arith.constant 2 : i32
        %parallel_loop3A_691 = arith.muli %parallel_loop3A_690, %parallel_loop3A_68 : i32
        %parallel_loop3A_692 = arith.constant 1 : i32
        %parallel_loop3A_693 = arith.addi %parallel_loop3A_691, %parallel_loop3A_692 : i32
        %parallel_loop3A_694 = arith.constant 5 : i32
        %parallel_loop3A_695 = arith.index_cast %rem3A_43 : i32 to index
        %parallel_loop3A_696 = arith.index_cast %parallel_loop3A_693 : i32 to index
        %parallel_loop3A_697 = arith.index_cast %parallel_loop3A_694 : i32 to index
        %parallel_loop3A_698 = arith.constant 0 : index
        %parallel_loop3A_699 = tpu.vector_load %arg11[%parallel_loop3A_695, %parallel_loop3A_696, %parallel_loop3A_697, %parallel_loop3A_698] {strides = array<i32>} : memref<2x50x8x32xf32, #tpu.memory_space<vmem>>, vector<16xf32>,
        tpu.vector_store %arg11[%parallel_loop3A_695, %parallel_loop3A_696, %parallel_loop3A_697, %parallel_loop3A_698], %parallel_loop3A_689 {strides = array<i32>} : memref<2x50x8x32xf32, #tpu.memory_space<vmem>>, vector<16xf32>,
        %parallel_loop3A_700 = arith.mulf %parallel_loop3A_684, %get3A_9 : vector<16xf32>
        %parallel_loop3A_701 = arith.addf %parallel_loop3A_700, %get3A_11 : vector<16xf32>
        %parallel_loop3A_702 = arith.constant 5 : i32
        %parallel_loop3A_703 = arith.index_cast %rem3A_43 : i32 to index
        %parallel_loop3A_704 = arith.index_cast %parallel_loop3A_693 : i32 to index
        %parallel_loop3A_705 = arith.index_cast %parallel_loop3A_702 : i32 to index
        %parallel_loop3A_706 = arith.constant 16 : index
        %parallel_loop3A_707 = tpu.vector_load %arg11[%parallel_loop3A_703, %parallel_loop3A_704, %parallel_loop3A_705, %parallel_loop3A_706] {strides = array<i32>} : memref<2x50x8x32xf32, #tpu.memory_space<vmem>>, vector<16xf32>,
        tpu.vector_store %arg11[%parallel_loop3A_703, %parallel_loop3A_704, %parallel_loop3A_705, %parallel_loop3A_706], %parallel_loop3A_701 {strides = array<i32>} : memref<2x50x8x32xf32, #tpu.memory_space<vmem>>, vector<16xf32>,
        %parallel_loop3A_708 = arith.constant 14 : i32
        %parallel_loop3A_709 = vector.broadcast %parallel_loop3A_708 : i32 to vector<16xi32>
        %parallel_loop3A_710 = arith.constant 0 : i32
        %parallel_loop3A_711 = vector.broadcast %parallel_loop3A_710 : i32 to vector<16xi32>
        %parallel_loop3A_712 = arith.cmpi slt, %parallel_loop3A_709, %parallel_loop3A_711 : vector<16xi32>
        %parallel_loop3A_713 = arith.constant 16 : i32
        %parallel_loop3A_714 = vector.broadcast %parallel_loop3A_713 : i32 to vector<16xi32>
        %parallel_loop3A_715 = arith.addi %parallel_loop3A_709, %parallel_loop3A_714 : vector<16xi32>
        %parallel_loop3A_716 = arith.select %parallel_loop3A_712, %parallel_loop3A_715, %parallel_loop3A_709 : vector<16xi1>, vector<16xi32>
        %parallel_loop3A_717 = vector.shape_cast %parallel_loop3A_716 : vector<16xi32> to vector<16x1xi32>
        %parallel_loop3A_718 = vector.shape_cast %parallel_loop3A_717 : vector<16x1xi32> to vector<16xi32>
        %parallel_loop3A_719 = tpu.dynamic_gather %parallel_loop3A_75[%parallel_loop3A_718] in [0] : vector<16xi32>, vector<16xi32> -> vector<16xi32>
        %parallel_loop3A_720 = arith.constant 0 : i32
        %parallel_loop3A_721 = vector.broadcast %parallel_loop3A_720 : i32 to vector<16xi32>
        %parallel_loop3A_722 = arith.cmpi slt, %parallel_loop3A_709, %parallel_loop3A_721 : vector<16xi32>
        %parallel_loop3A_723 = arith.constant 16 : i32
        %parallel_loop3A_724 = vector.broadcast %parallel_loop3A_723 : i32 to vector<16xi32>
        %parallel_loop3A_725 = arith.addi %parallel_loop3A_709, %parallel_loop3A_724 : vector<16xi32>
        %parallel_loop3A_726 = arith.select %parallel_loop3A_722, %parallel_loop3A_725, %parallel_loop3A_709 : vector<16xi1>, vector<16xi32>
        %parallel_loop3A_727 = vector.shape_cast %parallel_loop3A_726 : vector<16xi32> to vector<16x1xi32>
        %parallel_loop3A_728 = vector.shape_cast %parallel_loop3A_727 : vector<16x1xi32> to vector<16xi32>
        %parallel_loop3A_729 = tpu.dynamic_gather %parallel_loop3A_77[%parallel_loop3A_728] in [0] : vector<16xf32>, vector<16xi32> -> vector<16xf32>
        %parallel_loop3A_730 = arith.constant 16 : i32
        %parallel_loop3A_731 = vector.broadcast %parallel_loop3A_730 : i32 to vector<16xi32>
        %parallel_loop3A_732 = arith.muli %parallel_loop3A_719, %parallel_loop3A_731 : vector<16xi32>
        %parallel_loop3A_733 = arith.addi %parallel_loop3A_732, %iota3A : vector<16xi32>
        %parallel_loop3A_734 = tpu.vector_load_idx %arg9[%parallel_loop3A_733] : memref<48xf32, #tpu.memory_space<vmem>>[vector<16xi32>], vector<16xf32>,
        %parallel_loop3A_735 = arith.constant 2 : i32
        %parallel_loop3A_736 = arith.muli %parallel_loop3A_735, %parallel_loop3A_68 : i32
        %parallel_loop3A_737 = arith.constant 1 : i32
        %parallel_loop3A_738 = arith.addi %parallel_loop3A_736, %parallel_loop3A_737 : i32
        %parallel_loop3A_739 = arith.constant 6 : i32
        %parallel_loop3A_740 = arith.index_cast %rem3A_43 : i32 to index
        %parallel_loop3A_741 = arith.index_cast %parallel_loop3A_738 : i32 to index
        %parallel_loop3A_742 = arith.index_cast %parallel_loop3A_739 : i32 to index
        %parallel_loop3A_743 = arith.constant 0 : index
        %parallel_loop3A_744 = tpu.vector_load %arg11[%parallel_loop3A_740, %parallel_loop3A_741, %parallel_loop3A_742, %parallel_loop3A_743] {strides = array<i32>} : memref<2x50x8x32xf32, #tpu.memory_space<vmem>>, vector<16xf32>,
        tpu.vector_store %arg11[%parallel_loop3A_740, %parallel_loop3A_741, %parallel_loop3A_742, %parallel_loop3A_743], %parallel_loop3A_734 {strides = array<i32>} : memref<2x50x8x32xf32, #tpu.memory_space<vmem>>, vector<16xf32>,
        %parallel_loop3A_745 = arith.mulf %parallel_loop3A_729, %get3A_9 : vector<16xf32>
        %parallel_loop3A_746 = arith.addf %parallel_loop3A_745, %get3A_11 : vector<16xf32>
        %parallel_loop3A_747 = arith.constant 6 : i32
        %parallel_loop3A_748 = arith.index_cast %rem3A_43 : i32 to index
        %parallel_loop3A_749 = arith.index_cast %parallel_loop3A_738 : i32 to index
        %parallel_loop3A_750 = arith.index_cast %parallel_loop3A_747 : i32 to index
        %parallel_loop3A_751 = arith.constant 16 : index
        %parallel_loop3A_752 = tpu.vector_load %arg11[%parallel_loop3A_748, %parallel_loop3A_749, %parallel_loop3A_750, %parallel_loop3A_751] {strides = array<i32>} : memref<2x50x8x32xf32, #tpu.memory_space<vmem>>, vector<16xf32>,
        tpu.vector_store %arg11[%parallel_loop3A_748, %parallel_loop3A_749, %parallel_loop3A_750, %parallel_loop3A_751], %parallel_loop3A_746 {strides = array<i32>} : memref<2x50x8x32xf32, #tpu.memory_space<vmem>>, vector<16xf32>,
        %parallel_loop3A_753 = arith.constant 15 : i32
        %parallel_loop3A_754 = vector.broadcast %parallel_loop3A_753 : i32 to vector<16xi32>
        %parallel_loop3A_755 = arith.constant 0 : i32
        %parallel_loop3A_756 = vector.broadcast %parallel_loop3A_755 : i32 to vector<16xi32>
        %parallel_loop3A_757 = arith.cmpi slt, %parallel_loop3A_754, %parallel_loop3A_756 : vector<16xi32>
        %parallel_loop3A_758 = arith.constant 16 : i32
        %parallel_loop3A_759 = vector.broadcast %parallel_loop3A_758 : i32 to vector<16xi32>
        %parallel_loop3A_760 = arith.addi %parallel_loop3A_754, %parallel_loop3A_759 : vector<16xi32>
        %parallel_loop3A_761 = arith.select %parallel_loop3A_757, %parallel_loop3A_760, %parallel_loop3A_754 : vector<16xi1>, vector<16xi32>
        %parallel_loop3A_762 = vector.shape_cast %parallel_loop3A_761 : vector<16xi32> to vector<16x1xi32>
        %parallel_loop3A_763 = vector.shape_cast %parallel_loop3A_762 : vector<16x1xi32> to vector<16xi32>
        %parallel_loop3A_764 = tpu.dynamic_gather %parallel_loop3A_75[%parallel_loop3A_763] in [0] : vector<16xi32>, vector<16xi32> -> vector<16xi32>
        %parallel_loop3A_765 = arith.constant 0 : i32
        %parallel_loop3A_766 = vector.broadcast %parallel_loop3A_765 : i32 to vector<16xi32>
        %parallel_loop3A_767 = arith.cmpi slt, %parallel_loop3A_754, %parallel_loop3A_766 : vector<16xi32>
        %parallel_loop3A_768 = arith.constant 16 : i32
        %parallel_loop3A_769 = vector.broadcast %parallel_loop3A_768 : i32 to vector<16xi32>
        %parallel_loop3A_770 = arith.addi %parallel_loop3A_754, %parallel_loop3A_769 : vector<16xi32>
        %parallel_loop3A_771 = arith.select %parallel_loop3A_767, %parallel_loop3A_770, %parallel_loop3A_754 : vector<16xi1>, vector<16xi32>
        %parallel_loop3A_772 = vector.shape_cast %parallel_loop3A_771 : vector<16xi32> to vector<16x1xi32>
        %parallel_loop3A_773 = vector.shape_cast %parallel_loop3A_772 : vector<16x1xi32> to vector<16xi32>
        %parallel_loop3A_774 = tpu.dynamic_gather %parallel_loop3A_77[%parallel_loop3A_773] in [0] : vector<16xf32>, vector<16xi32> -> vector<16xf32>
        %parallel_loop3A_775 = arith.constant 16 : i32
        %parallel_loop3A_776 = vector.broadcast %parallel_loop3A_775 : i32 to vector<16xi32>
        %parallel_loop3A_777 = arith.muli %parallel_loop3A_764, %parallel_loop3A_776 : vector<16xi32>
        %parallel_loop3A_778 = arith.addi %parallel_loop3A_777, %iota3A : vector<16xi32>
        %parallel_loop3A_779 = tpu.vector_load_idx %arg9[%parallel_loop3A_778] : memref<48xf32, #tpu.memory_space<vmem>>[vector<16xi32>], vector<16xf32>,
        %parallel_loop3A_780 = arith.constant 2 : i32
        %parallel_loop3A_781 = arith.muli %parallel_loop3A_780, %parallel_loop3A_68 : i32
        %parallel_loop3A_782 = arith.constant 1 : i32
        %parallel_loop3A_783 = arith.addi %parallel_loop3A_781, %parallel_loop3A_782 : i32
        %parallel_loop3A_784 = arith.constant 7 : i32
        %parallel_loop3A_785 = arith.index_cast %rem3A_43 : i32 to index
        %parallel_loop3A_786 = arith.index_cast %parallel_loop3A_783 : i32 to index
        %parallel_loop3A_787 = arith.index_cast %parallel_loop3A_784 : i32 to index
        %parallel_loop3A_788 = arith.constant 0 : index
        %parallel_loop3A_789 = tpu.vector_load %arg11[%parallel_loop3A_785, %parallel_loop3A_786, %parallel_loop3A_787, %parallel_loop3A_788] {strides = array<i32>} : memref<2x50x8x32xf32, #tpu.memory_space<vmem>>, vector<16xf32>,
        tpu.vector_store %arg11[%parallel_loop3A_785, %parallel_loop3A_786, %parallel_loop3A_787, %parallel_loop3A_788], %parallel_loop3A_779 {strides = array<i32>} : memref<2x50x8x32xf32, #tpu.memory_space<vmem>>, vector<16xf32>,
        %parallel_loop3A_790 = arith.mulf %parallel_loop3A_774, %get3A_9 : vector<16xf32>
        %parallel_loop3A_791 = arith.addf %parallel_loop3A_790, %get3A_11 : vector<16xf32>
        %parallel_loop3A_792 = arith.constant 7 : i32
        %parallel_loop3A_793 = arith.index_cast %rem3A_43 : i32 to index
        %parallel_loop3A_794 = arith.index_cast %parallel_loop3A_783 : i32 to index
        %parallel_loop3A_795 = arith.index_cast %parallel_loop3A_792 : i32 to index
        %parallel_loop3A_796 = arith.constant 16 : index
        %parallel_loop3A_797 = tpu.vector_load %arg11[%parallel_loop3A_793, %parallel_loop3A_794, %parallel_loop3A_795, %parallel_loop3A_796] {strides = array<i32>} : memref<2x50x8x32xf32, #tpu.memory_space<vmem>>, vector<16xf32>,
        tpu.vector_store %arg11[%parallel_loop3A_793, %parallel_loop3A_794, %parallel_loop3A_795, %parallel_loop3A_796], %parallel_loop3A_791 {strides = array<i32>} : memref<2x50x8x32xf32, #tpu.memory_space<vmem>>, vector<16xf32>,
      } {sc.loop_unroll_factor = 1 : i64, sc.parallel_access}
      %gt3A = arith.constant 0 : i32
      %gt3A_46 = arith.cmpi sgt, %while3A_42, %gt3A : i32
      %convert_element_type3A_47 = arith.extui %gt3A_46 : i1 to i32
      %cond3A_48 = arith.constant 0 : i32
      %cond3A_49 = arith.cmpi ne, %convert_element_type3A_47, %cond3A_48 : i32
      scf.if %cond3A_49 {
        %mul3A_68 = arith.constant 50 : i32
        %mul3A_69 = arith.muli %while3A_42, %mul3A_68 : i32
        %add3A_70 = arith.addi %mul3A_13, %mul3A_69 : i32
        %dma_wait3A_71 = arith.constant 0 : i32
        %dma_wait3A_72 = arith.constant 0 : i32
        %dma_wait3A_73 = arith.constant 0 : i32
        %dma_wait3A_74 = tpu.memref_slice %arg11[%rem3A_43, %dma_wait3A_71, %dma_wait3A_72, %dma_wait3A_73] : memref<2x50x8x32xf32, #tpu.memory_space<vmem>> -> memref<1x50x8x32xf32, #tpu.memory_space<vmem>>
        %dma_wait3A_75 = tpu.memref_squeeze %dma_wait3A_74 : memref<1x50x8x32xf32, #tpu.memory_space<vmem>> -> memref<50x8x32xf32, #tpu.memory_space<vmem>>
        %dma_wait3A_76 = arith.constant 0 : i32
        %dma_wait3A_77 = arith.constant 0 : i32
        %dma_wait3A_78 = tpu.memref_slice %arg6[%add3A_70, %dma_wait3A_76, %dma_wait3A_77] : memref<12500x8x32xf32, #tpu.memory_space<hbm>> -> memref<50x8x32xf32, #tpu.memory_space<hbm>>
        %dma_wait3A_79 = arith.constant 0 : i32
        %dma_wait3A_80 = arith.constant 0 : i32
        %dma_wait3A_81 = tpu.memref_slice %arg6[%add3A_70, %dma_wait3A_79, %dma_wait3A_80] : memref<12500x8x32xf32, #tpu.memory_space<hbm>> -> memref<50x8x32xf32, #tpu.memory_space<hbm>>
        %dma_wait3A_82 = arith.constant 0 : i32
        %dma_wait3A_83 = arith.constant 0 : i32
        %dma_wait3A_84 = arith.constant 0 : i32
        %dma_wait3A_85 = tpu.memref_slice %arg11[%rem3A_43, %dma_wait3A_82, %dma_wait3A_83, %dma_wait3A_84] : memref<2x50x8x32xf32, #tpu.memory_space<vmem>> -> memref<1x50x8x32xf32, #tpu.memory_space<vmem>>
        %dma_wait3A_86 = tpu.memref_squeeze %dma_wait3A_85 : memref<1x50x8x32xf32, #tpu.memory_space<vmem>> -> memref<50x8x32xf32, #tpu.memory_space<vmem>>
        tpu.wait_dma2 semaphore(%arg12 : memref<!tpu.dma_semaphore, #tpu.memory_space<semaphore_mem>>) src(%dma_wait3A_86 : memref<50x8x32xf32, #tpu.memory_space<vmem>>) dst(%dma_wait3A_81 : memref<50x8x32xf32, #tpu.memory_space<hbm>>)
      } else {
      }
      %mul3A_50 = arith.constant 50 : i32
      %mul3A_51 = arith.muli %while3A_42, %mul3A_50 : i32
      %add3A_52 = arith.addi %mul3A_13, %mul3A_51 : i32
      %dma_start3A = arith.constant 0 : i32
      %dma_start3A_53 = arith.constant 0 : i32
      %dma_start3A_54 = arith.constant 0 : i32
      %dma_start3A_55 = tpu.memref_slice %arg11[%rem3A_43, %dma_start3A, %dma_start3A_53, %dma_start3A_54] : memref<2x50x8x32xf32, #tpu.memory_space<vmem>> -> memref<1x50x8x32xf32, #tpu.memory_space<vmem>>
      %dma_start3A_56 = tpu.memref_squeeze %dma_start3A_55 : memref<1x50x8x32xf32, #tpu.memory_space<vmem>> -> memref<50x8x32xf32, #tpu.memory_space<vmem>>
      %dma_start3A_57 = arith.constant 0 : i32
      %dma_start3A_58 = arith.constant 0 : i32
      %dma_start3A_59 = tpu.memref_slice %arg6[%add3A_52, %dma_start3A_57, %dma_start3A_58] : memref<12500x8x32xf32, #tpu.memory_space<hbm>> -> memref<50x8x32xf32, #tpu.memory_space<hbm>>
      %dma_start3A_60 = arith.constant 0 : i32
      %dma_start3A_61 = arith.constant 0 : i32
      %dma_start3A_62 = tpu.memref_slice %arg6[%add3A_52, %dma_start3A_60, %dma_start3A_61] : memref<12500x8x32xf32, #tpu.memory_space<hbm>> -> memref<50x8x32xf32, #tpu.memory_space<hbm>>
      %dma_start3A_63 = arith.constant 0 : i32
      %dma_start3A_64 = arith.constant 0 : i32
      %dma_start3A_65 = arith.constant 0 : i32
      %dma_start3A_66 = tpu.memref_slice %arg11[%rem3A_43, %dma_start3A_63, %dma_start3A_64, %dma_start3A_65] : memref<2x50x8x32xf32, #tpu.memory_space<vmem>> -> memref<1x50x8x32xf32, #tpu.memory_space<vmem>>
      %dma_start3A_67 = tpu.memref_squeeze %dma_start3A_66 : memref<1x50x8x32xf32, #tpu.memory_space<vmem>> -> memref<50x8x32xf32, #tpu.memory_space<vmem>>
      tpu.enqueue_dma source(%dma_start3A_67 : memref<50x8x32xf32, #tpu.memory_space<vmem>>) target(%dma_start3A_62 : memref<50x8x32xf32, #tpu.memory_space<hbm>>) target_semaphore(%arg12 : memref<!tpu.dma_semaphore, #tpu.memory_space<semaphore_mem>>)
    }
    %add3A_24 = arith.constant 0 : i32
    %add3A_25 = arith.addi %mul3A_13, %add3A_24 : i32
    %dma_wait3A = arith.constant 0 : i32
    %dma_wait3A_26 = arith.constant 0 : i32
    %dma_wait3A_27 = arith.constant 0 : i32
    %dma_wait3A_28 = arith.constant 0 : i32
    %dma_wait3A_29 = tpu.memref_slice %arg11[%dma_wait3A, %dma_wait3A_26, %dma_wait3A_27, %dma_wait3A_28] : memref<2x50x8x32xf32, #tpu.memory_space<vmem>> -> memref<1x50x8x32xf32, #tpu.memory_space<vmem>>
    %dma_wait3A_30 = tpu.memref_squeeze %dma_wait3A_29 : memref<1x50x8x32xf32, #tpu.memory_space<vmem>> -> memref<50x8x32xf32, #tpu.memory_space<vmem>>
    %dma_wait3A_31 = arith.constant 0 : i32
    %dma_wait3A_32 = arith.constant 0 : i32
    %dma_wait3A_33 = tpu.memref_slice %arg6[%add3A_25, %dma_wait3A_31, %dma_wait3A_32] : memref<12500x8x32xf32, #tpu.memory_space<hbm>> -> memref<50x8x32xf32, #tpu.memory_space<hbm>>
    %dma_wait3A_34 = arith.constant 0 : i32
    %dma_wait3A_35 = arith.constant 0 : i32
    %dma_wait3A_36 = tpu.memref_slice %arg6[%add3A_25, %dma_wait3A_34, %dma_wait3A_35] : memref<12500x8x32xf32, #tpu.memory_space<hbm>> -> memref<50x8x32xf32, #tpu.memory_space<hbm>>
    %dma_wait3A_37 = arith.constant 0 : i32
    %dma_wait3A_38 = arith.constant 0 : i32
    %dma_wait3A_39 = arith.constant 0 : i32
    %dma_wait3A_40 = tpu.memref_slice %arg11[%dma_wait3A, %dma_wait3A_37, %dma_wait3A_38, %dma_wait3A_39] : memref<2x50x8x32xf32, #tpu.memory_space<vmem>> -> memref<1x50x8x32xf32, #tpu.memory_space<vmem>>
    %dma_wait3A_41 = tpu.memref_squeeze %dma_wait3A_40 : memref<1x50x8x32xf32, #tpu.memory_space<vmem>> -> memref<50x8x32xf32, #tpu.memory_space<vmem>>
    tpu.wait_dma2 semaphore(%arg12 : memref<!tpu.dma_semaphore, #tpu.memory_space<semaphore_mem>>) src(%dma_wait3A_41 : memref<50x8x32xf32, #tpu.memory_space<vmem>>) dst(%dma_wait3A_36 : memref<50x8x32xf32, #tpu.memory_space<hbm>>)
    return
  }
}

</mosaic_0001>

<sc_bundles>
// kernel: _sc_call.3.cloned.1.call-start
scs
__scs_entry_jumppad:
0x0: {  	(pc) =	sbr.rel $0x88, $3  }
0x1: {  	(tag) =	ssettag $0x0;
	lr =	simm.s32 $0x1  }
0x2: {  	[smem:$0x3F9D] =	sst lr;
	_ =	strace $0xD0000000  }
0x3: {  	_ = 	snop  }
0x4: {  	_ = 	snop  }
0x5: {  	_ = 	snop  }
0x6: {  	_ = 	snop  }
0x7: {  	_ = 	snop  }
__scs_overlays_trampoline_lowered:
0x8: {  	[smem:$0x3FAC] =	sst s0  }
0x9: {  	[smem:$0x3FAD] =	sst s1  }
0xa: {  	[smem:$0x3FAE] =	sst s2  }
0xb: {  	[smem:$0x3FAF] =	sst s3  }
0xc: {  	[smem:$0x3FB0] =	sst s4  }
0xd: {  	[smem:$0x3FB1] =	sst s5  }
0xe: {  	[smem:$0x3FB2] =	sst s6  }
0xf: {  	[smem:$0x3FB3] =	sst s7  }
0x10: {  	[smem:$0x3FB4] =	sst s8  }
0x11: {  	[smem:$0x3FB5] =	sst s9;
	s0 =	simm.s32 @!p0 $0x0  }
0x12: {  	s1 =	sld [smem:$0x3F9B];
	s0 =	simm.s32 @p0 $0x1  }
0x13: {  	[smem:$0x3FB6] =	sst s0;
	s0 =	simm.s32 @!p1 $0x0  }
0x14: {  	s2 =	sld [smem:$0x3F9A];
	s0 =	simm.s32 @p1 $0x1  }
0x15: {  	[smem:$0x3FB7] =	sst s0;
	s0 =	simm.s32 @!p2 $0x0  }
0x16: {  	s3 =	sld [smem:$0x3FDB];
	s0 =	simm.s32 @p2 $0x1  }
0x17: {  	s4 =	simm.s32 $0x1BF5;
	[smem:$0x3FB9] =	sst s0  }
0x18: {  	s0 =	sld [smem:$0x3F9C];
	_ =	swait.ge [sflag:s4], $0x0  }
0x19: {  	s7 =	sld [smem:$0x3F9D]  }
0x1a: {  	s8 =	sadd.s32 $0xFFFFE003, lr  }
0x1b: {  	s9 =	sadd.s32 $0xFFFFFEF7, lr;
	s5 =	simm.s32 $0xFFFFFFFF;
	p2 =	slt.u32 s8, $0xFFFFF086  }
0x1c: {  	p1 =	slt.u32 s9, $0xF7A;
	s5 =	simm.s32 @!p2 $0x0  }
0x1d: {  	s5 =	simm.s32 @p1 $0x1;
	p0 =	seq.s32 s7, s2  }
0x1e: {  	s7 =	smul.u32 @!p0 $0xF7A, s2;
	p2 =	seq.s32 @!p0 s5, $0x0  }
0x1f: {  	s9 =	smul.u32 $0xF7A, s1;
	s8 =	simm.s32 @!p0 $0x1BF5;
	p2 =	por !p2, p0  }
0x20: {  	[sflag:s8] =	ssyncset.s32 @!p0 $0xFFFFF086;
	s6 =	sadd.s32 @!p0 s3, s7;
	s7 =	simm.s32 @!p0 $0x108  }
0x21: {  	s3 =	sadd.s32 s3, s9;
	s6 =	sadd.s32 @!p0 $0x88, s6;
	s7 =	simm.s32 @p2 $0x1082  }
0x22: {  	[simem:s7], [sflag:s8] =	dma.local @!p0 [hbm:s6], $0xF7A  }
0x23: {  	s9 =	sor.u32 $0xD0000000, s2;
	s6 =	simm.s32 $0x108;
	_ =	swait.ge @!p0 [sflag:s8], $0x0  }
0x24: {  	s3 =	sadd.s32 $0x88, s3;
	s6 =	simm.s32 @!p1 $0x1082;
	[sflag:s4] =	ssyncset.s32 $0xFFFFF086  }
0x25: {  	[simem:s6], [sflag:s4] =	dma.local [hbm:s3], $0xF7A  }
0x26: {  	[smem:$0x3F9D] =	sst s1;
	(tag) =	ssettag s2;
	_ =	strace s9  }
0x27: {  	s1 =	sld [smem:$0x3FAD]  }
0x28: {  	s2 =	sld [smem:$0x3FAE]  }
0x29: {  	s4 =	sld [smem:$0x3FB0]  }
0x2a: {  	p0 =	seq.s32 s5, $0x0;
	s5 =	sld [smem:$0x3FB1]  }
0x2b: {  	s6 =	sld [smem:$0x3FB2]  }
0x2c: {  	s7 =	sld [smem:$0x3FB3]  }
0x2d: {  	s3 =	simm.s32 $0x108;
	s8 =	sld [smem:$0x3FB4]  }
0x2e: {  	s3 =	simm.s32 @!p0 $0x1082;
	s9 =	sld [smem:$0x3FB5]  }
0x2f: {  	lr =	sadd.s32 s0, s3;
	s0 =	sld [smem:$0x3FAC]  }
0x30: {  	s3 =	sld [smem:$0x3FAF]  }
0x31: {  	[smem:$0x3FB8] =	sst s10  }
0x32: {  	s10 =	sld [smem:$0x3FB6];
	_ =	sdelay $0x3  }
0x33: {  	p0 =	seq.s32 s10, $0x1;
	s10 =	sld [smem:$0x3FB8];
	_ =	sdelay $0x3  }
0x34: {  	[smem:$0x3FB8] =	sst s10  }
0x35: {  	s10 =	sld [smem:$0x3FB7];
	_ =	sdelay $0x3  }
0x36: {  	p1 =	seq.s32 s10, $0x1;
	s10 =	sld [smem:$0x3FB8];
	_ =	sdelay $0x3  }
0x37: {  	[smem:$0x3FB8] =	sst s10  }
0x38: {  	s10 =	sld [smem:$0x3FB9]  }
0x39: {  	_ = 	snop;
	(pc) =	sbr.ind lr, $3  }
0x3a: {  	_ = 	snop  }
0x3b: {  	_ = 	snop  }
0x3c: {  	p2 =	seq.s32 s10, $0x1;
	s10 =	sld [smem:$0x3FB8]  }
0x3d: {  	_ =	shalt  }
0x3e: {  	_ =	shalt  }
0x3f: {  	_ =	shalt  }
0x40: {  	_ =	shalt  }
0x41: {  	_ =	shalt  }
0x42: {  	_ =	shalt  }
0x43: {  	_ =	shalt  }
0x44: {  	_ =	shalt  }
0x45: {  	_ =	shalt  }
0x46: {  	_ =	shalt  }
0x47: {  	_ =	shalt  }
0x48: {  	_ =	shalt  }
0x49: {  	_ =	shalt  }
0x4a: {  	_ =	shalt  }
0x4b: {  	_ =	shalt  }
0x4c: {  	_ =	shalt  }
0x4d: {  	_ =	shalt  }
0x4e: {  	_ =	shalt  }
0x4f: {  	_ =	shalt  }
0x50: {  	_ =	shalt  }
0x51: {  	_ =	shalt  }
0x52: {  	_ =	shalt  }
0x53: {  	_ =	shalt  }
0x54: {  	_ =	shalt  }
0x55: {  	_ =	shalt  }
0x56: {  	_ =	shalt  }
0x57: {  	_ =	shalt  }
0x58: {  	_ =	shalt  }
0x59: {  	_ =	shalt  }
0x5a: {  	_ =	shalt  }
0x5b: {  	_ =	shalt  }
0x5c: {  	_ =	shalt  }
0x5d: {  	_ =	shalt  }
0x5e: {  	_ =	shalt  }
0x5f: {  	_ =	shalt  }
0x60: {  	_ =	shalt  }
0x61: {  	_ =	shalt  }
0x62: {  	_ =	shalt  }
0x63: {  	_ =	shalt  }
0x64: {  	_ =	shalt  }
0x65: {  	_ =	shalt  }
0x66: {  	_ =	shalt  }
0x67: {  	_ =	shalt  }
0x68: {  	_ =	shalt  }
0x69: {  	_ =	shalt  }
0x6a: {  	_ =	shalt  }
0x6b: {  	_ =	shalt  }
0x6c: {  	_ =	shalt  }
0x6d: {  	_ =	shalt  }
0x6e: {  	_ =	shalt  }
0x6f: {  	_ =	shalt  }
0x70: {  	_ =	shalt  }
0x71: {  	_ =	shalt  }
0x72: {  	_ =	shalt  }
0x73: {  	_ =	shalt  }
0x74: {  	_ =	shalt  }
0x75: {  	_ =	shalt  }
0x76: {  	_ =	shalt  }
0x77: {  	_ =	shalt  }
0x78: {  	_ =	shalt  }
0x79: {  	_ =	shalt  }
0x7a: {  	_ =	shalt  }
0x7b: {  	_ =	shalt  }
0x7c: {  	_ =	shalt  }
0x7d: {  	_ =	shalt  }
0x7e: {  	_ =	shalt  }
0x7f: {  	_ =	shalt  }
0x80: {  	_ =	shalt  }
0x81: {  	_ =	shalt  }
0x82: {  	_ =	shalt  }
0x83: {  	_ =	shalt  }
0x84: {  	_ =	shalt  }
0x85: {  	_ =	shalt  }
0x86: {  	_ =	shalt  }
0x87: {  	_ =	shalt  }
.Lfunc_end0:
.L_simem_size_0:
called_computation_lowered:
.L_overlay_start_0:
0x88: {  	s2 =	sld [smem:$0x3FD9]  }
0x89: {  	s3 =	sld [smem:$0x3FFE];
	_ =	sdelay $0x1  }
0x8a: {  	s1 =	srdreg.scid  }
0x8b: {  	s0 =	sand.u32 $0x1, s1  }
0x8c: {  	s17 =	sshll.u32 s0, $0xA;
	s2 =	sadd.s32 s3, s2  }
0x8d: {  	s2 =	sadd.s32 s2, s17  }
0x8e: {  	[smem:$0x3FC4] =	sst s2  }
0x8f: {  	_ = 	snop  }
0x90: {  	s2 =	sld [smem:$0x3FC9]  }
0x91: {  	s18 =	sld [smem:$0x3FC8]  }
0x92: {  	s4 =	sld [smem:$0x3FC7]  }
0x93: {  	s5 =	sld [smem:$0x3FC6];
	(tm) =	ssettm $0x1  }
0x94: {  	s6 =	sld [smem:$0x3FFB];
	_ =	sdelay $0x3  }
0x95: {  	_ =	strace s6  }
0x96: {  	s6 =	sld [smem:$0x3FFC];
	_ =	sdelay $0x3  }
0x97: {  	_ =	strace s6  }
0x98: {  	s6 =	sld [smem:$0x3FFD];
	_ =	sdelay $0x3  }
0x99: {  	_ =	strace s6  }
0x9a: {  	_ =	strace $0x8FFFFFFF  }
0x9b: {  	s19 =	sld [smem:$0x3FDB];
	_ =	sdelay $0x1  }
0x9c: {  	s7 =	simm.s32 $_scs_section_size  }
0x9d: {  	s8 =	simm.s32 $_size__tile_overlayer_lowered;
	s9 =	simm.s32 $_tile_overlayer_lowered  }
0x9e: {  	s22 =	simm.s32 $0x1BFF;
	s21 =	sshll.u32 s9, $0x1;
	s6 =	sadd.s32 s7, s19  }
0x9f: {  	s10 =	simm.s32 $0x0;
	s20 =	sshll.u32 s8, $0x1;
	s8 =	sadd.s32 s21, s6  }
0xa0: {  	[timem:s10], [sflag:s22] =	dma.local [hbm:s8], s20  }
0xa1: {  	_ =	swait.ge [sflag:s22], s20  }
0xa2: {  	s7 =	ssub.s32 $0x0, s20;
	[sflag:s22] =	ssyncset.done $0x0  }
0xa3: {  	[sflag:s22] =	ssyncadd.s32 s7;
	_ =	sdelay $0x1  }
0xa4: {  	s23 =	simm.s32 $0x1B8B  }
0xa5: {  	_ =	swait.ge [sflag:s23], $0x1  }
0xa6: {  	[sflag:s23] =	ssyncset.done $0x0  }
0xa7: {  	s25 =	simm.s32 $0x1B8E;
	s24 =	sld [smem:$0x3FFE];
	[sflag:s23] =	ssyncadd.s32 $0xFFFFFFFF  }
0xa8: {  	s26 =	simm.s32 $execute0_lowered;
	[smem:$0x3FD2] =	sst s25  }
0xa9: {  	s8 =	sshll.u32 s26, $0x1;
	_ =	strace $0x80000046;
	[dreg:$0x1] =	wrdreg $0xFFFFFFFF  }
0xaa: {  	s28 =	simm.s32 $_size_execute0_lowered;
	s6 =	sadd.s32 s6, s8;
	[dreg:$0x0] =	wrdreg $0x0  }
0xab: {  	s8 =	sshll.u32 s28, $0x1;
	[dreg:$0x2] =	wrdreg s6  }
0xac: {  	[dreg:$0x3] =	wrdreg s8  }
0xad: {  	[dreg:$0x4] =	wrdreg $0xC0  }
0xae: {  	_ =	task [dreg:s10], $0x5FFFF  }
0xaf: {  	[dreg:$0x1] =	wrdreg $0xFFFFFFFF  }
0xb0: {  	[dreg:$0x0] =	wrdreg $0x60  }
0xb1: {  	[dreg:$0x2] =	wrdreg s2  }
0xb2: {  	[dreg:$0x3] =	wrdreg s18  }
0xb3: {  	[dreg:$0x4] =	wrdreg s4  }
0xb4: {  	[dreg:$0x5] =	wrdreg s5  }
0xb5: {  	[dreg:$0x6] =	wrdreg s24  }
0xb6: {  	[dreg:$0x7] =	wrdreg $0x9  }
0xb7: {  	_ =	task.clear_ibuf [dreg:s10], $0x8FFFF;
	_ =	strace $0x90000046  }
0xb8: {  	s29 =	simm.s32 $0x9;
	_ =	strace $0x80000048  }
0xb9: {  	_ =	swait.ge [sflag:s29], $0x1  }
0xba: {  	[sflag:s29] =	ssyncadd.s32 $0xFFFFFFFF  }
0xbb: {  	_ =	strace $0x90000048  }
0xbc: {  	_ =	sfence  }
0xbd: {  	s30 =	sld [smem:$0x0];
	_ =	sdelay $0x2  }
0xbe: {  	s31 =	sshll.u32 s1, $0xD;
	s1 =	sshrl.u32 s1, $0x2  }
0xbf: {  	s3 =	sand.u32 $0x4000, s31;
	s1 =	sadd.s32 s1, s30  }
0xc0: {  	s0 =	sor.u32 s3, s0;
	s1 =	sshll.u32 s1, $0x11  }
0xc1: {  	s0 =	sor.u32 s1, s0  }
0xc2: {  	s0 =	sadd.s32 $0x8F2B, s0  }
0xc3: {  	[sflag:s0] =	ssyncadd.remote.s32 $0x1  }
0xc4: {  	_ =	sfence.sel $0xFFFF  }
0xc5: {  	[dreg:$0x0] =	wrdreg $0xFFFFFFFF;
	(pc) =	sbr.abs _section_cstart, $3  }
0xc6: {  	[dreg:$0x1] =	wrdreg $0xFFFFFFFF  }
0xc7: {  	_ =	task.clear_ibuf [dreg:s10], $0x2FFFF;
	_ =	strace $0x9FFFFFFF  }
0xc8: {  	(tm) =	ssettm $0x7FFFFFFF  }
0xc9: {  	_ =	shalt  }
tec
execute0_lowered:
.L_overlay_start_1:
0x0: {  	(tag) =	ssettag $0x1  }
0x1: {  	s9 =	rddreg [dreg:$0x0]  }
0x2: {  	s10 =	rddreg [dreg:$0x1]  }
0x3: {  	s1 =	rddreg [dreg:$0x2]  }
0x4: {  	s3 =	rddreg [dreg:$0x3]  }
0x5: {  	s2 =	srdreg.scid;
	s0 =	stileid.u32  }
0x6: {  	s6 =	rddreg [dreg:$0x4];
	s4 =	simm.s32 $0x0;
	s13 =	simm.s32 $0x2  }
0x7: {  	s14 =	simm.s32 $0x1980;
	s15 =	simm.s32 $0x1;
	s16 =	simm.s32 $0x0  }
0x8: {  	v0 =	vimm.s32 $0x0;
	v1 =	vimm.s32 $0x4;
	s5 =	sand.u32 $0x1, s2;
	s7 =	sshll.u32 s0, $0x1;
	s2 =	rddreg [dreg:$0x5]  }
0x9: {  	v2 =	vlaneseq.u32;
	v3 =	vimm.s32 $0x1;
	v4 =	vimm.s32 $0x2;
	[smem:$0x7FF] =	sst s4;
	s6 =	sadd.s32 $0x400, s6;
	s12 =	sor.u32 s5, s7  }
0xa: {  	v5 =	vimm.s32 $0x3;
	v6 =	vimm.s32 $0x5;
	v7 =	vimm.s32 $0x6;
	s31 =	ssub.s32 $0x2, s5;
	_ =	strace $0x80000047;
	s5 =	smul.u32 $0x190, s12  }
0xb: {  	v8 =	vimm.s32 $0x7;
	v9 =	vimm.s32 $0x8;
	v10 =	vimm.s32 $0x9;
	s8 =	sshrl.u32 s31, $0x1;
	p0 =	seq.s32 s12, $0x1F;
	s12 =	simm.s32 $0x1900  }
0xc: {  	v11 =	vimm.s32 $0xA;
	v12 =	vimm.s32 $0xB;
	v13 =	vimm.s32 $0xC;
	s11 =	ssub.s32 s31, s8;
	s7 =	sadd.s32 s9, s5;
	s8 =	sadd.s32 s10, s5  }
0xd: {  	v14 =	vimm.s32 $0xD;
	v15 =	vimm.s32 $0xE;
	v16 =	vimm.s32 $0xF;
	s9 =	sadd.s32 $0x3070, s9;
	s10 =	sadd.s32 $0x3070, s10;
	s11 =	smax.u32 s11, $0x1  }
.LBB2_1:
0xe: {  	[tilespmem:s12], [sflag:$0x2] =	stream.linear.gather [hbm4b:s1+s4], $0x80, $0x38;
	[tilespmem:$0x1AA00] =	vst v63  }
0xf: {  	_ =	swait.ge [sflag:s13], $0x80  }
0x10: {  	[sflag:s13] =	ssyncset.done $0x0  }
0x11: {  	[sflag:s13] =	ssyncadd.s32 $0xFFFFFF80  }
0x12: {  	[tilespmem:s14], [sflag:$0x2] =	stream.linear.gather [hbm4b:s3+s4], $0x80, $0x38;
	[tilespmem:$0x1AA00] =	vst v63  }
0x13: {  	_ =	swait.ge [sflag:s13], $0x80  }
0x14: {  	[sflag:s13] =	ssyncset.done $0x0  }
0x15: {  	s17 =	simm.s32 @p0 $0x0;
	s18 =	simm.s32 @p0 $0x2;
	[sflag:s13] =	ssyncadd.s32 $0xFFFFFF80  }
0x16: {  	[tilespmem:s17], [sflag:$0x2] =	stream.linear.gather @p0 [hbm4b:s9+s17], $0x320, $0x38;
	[tilespmem:$0x1AA00] =	vst v63  }
0x17: {  	_ =	swait.ge @p0 [sflag:s18], $0x320  }
0x18: {  	[sflag:s18] =	ssyncset.done @p0 $0x0  }
0x19: {  	s19 =	simm.s32 @p0 $0xC80;
	[sflag:s18] =	ssyncadd.s32 @p0 $0xFFFFFCE0  }
0x1a: {  	[tilespmem:s19], [sflag:$0x2] =	stream.linear.gather @p0 [hbm4b:s10+s17], $0x320, $0x38;
	[tilespmem:$0x1AA00] =	vst v63  }
0x1b: {  	_ =	swait.ge @p0 [sflag:s18], $0x320  }
0x1c: {  	[sflag:s18] =	ssyncset.done @p0 $0x0  }
0x1d: {  	s17 =	simm.s32 @!p0 $0x0;
	[sflag:s18] =	ssyncadd.s32 @p0 $0xFFFFFCE0;
	s18 =	simm.s32 @!p0 $0x2  }
0x1e: {  	[tilespmem:s17], [sflag:$0x2] =	stream.linear.gather @!p0 [hbm4b:s7+s17], $0xC80, $0x38;
	[tilespmem:$0x1AA00] =	vst v63  }
0x1f: {  	_ =	swait.ge @!p0 [sflag:s18], $0xC80  }
0x20: {  	[sflag:s18] =	ssyncset.done @!p0 $0x0  }
0x21: {  	s19 =	simm.s32 @!p0 $0xC80;
	[sflag:s18] =	ssyncadd.s32 @!p0 $0xFFFFF380  }
0x22: {  	[tilespmem:s19], [sflag:$0x2] =	stream.linear.gather @!p0 [hbm4b:s8+s17], $0xC80, $0x38;
	[tilespmem:$0x1AA00] =	vst v63  }
0x23: {  	_ =	swait.ge @!p0 [sflag:s18], $0xC80  }
0x24: {  	[sflag:s18] =	ssyncset.done @!p0 $0x0  }
0x25: {  	[sflag:s18] =	ssyncadd.s32 @!p0 $0xFFFFF380  }
0x26: {  	v17 =	vld [tilespmem:$0x1980]  }
0x27: {  	v18 =	vld [tilespmem:$0x1990];
	_ =	sdelay $0x1  }
0x28: {  	s20 =	simm.s32 $0x0;
	s17 =	simm.s32 @!p0 $0x8  }
0x29: {  	s19 =	simm.s32 $0x0;
	s17 =	simm.s32 @p0 $0x2;
	s18 =	simm.s32 $0xC80  }
.LBB2_2:
0x2a: {  	v25 =	vmov s19;
	_ =	sdelay $0x3  }
0x2b: {  	s21 =	simm.s32 $0x0  }
0x2c: {  	v27 =	vld.idx.msk [tilespmem:v25+s21+$0x0 ss:$0x1], $0xffff  }
0x2d: {  	v26 =	vmov s18;
	_ =	sdelay $0x3  }
0x2e: {  	v19 =	vperm.xlane v27, v0  }
0x2f: {  	v28 =	vld.idx.msk [tilespmem:v26+s21+$0x0 ss:$0x1], $0xffff  }
0x30: {  	v19 =	vshll.u32 v19, $0x4  }
0x31: {  	v19 =	vor.u32 v2, v19;
	_ =	sdelay $0x2  }
0x32: {  	v20 =	vperm.xlane v28, v0;
	v21 =	vperm.xlane v27, v3;
	_ =	sdelay $0x1  }
0x33: {  	s30 =	sand.u32 $0x1, s20;
	v20 =	vmul.f32 v20, v17;
	v21 =	vshll.u32 v21, $0x4;
	v19 =	vld.idx.msk [tilespmem:v19+s12+$0x0], $0xffff  }
0x34: {  	s25 =	simm.s32 $0xC800;
	p1 =	seq.s32 s30, $0x1;
	v21 =	vor.u32 v2, v21  }
0x35: {  	s25 =	simm.s32 @!p1 $0x0;
	v20 =	vadd.f32 v20, v18  }
0x36: {  	s23 =	sadd.s32 $0x1E00, s25  }
0x37: {  	v22 =	vperm.xlane v27, v4;
	[tilespmem:s23+$0xFFFFFC10] =	vst v20;
	v20 =	vperm.xlane v28, v3  }
0x38: {  	[tilespmem:s23+$0xFFFFFC00] =	vst v19  }
0x39: {  	v20 =	vmul.f32 v20, v17;
	v19 =	vld.idx.msk [tilespmem:v21+s12+$0x0], $0xffff;
	v21 =	vshll.u32 v22, $0x4  }
0x3a: {  	v21 =	vor.u32 v2, v21  }
0x3b: {  	v20 =	vadd.f32 v20, v18;
	_ =	sdelay $0x1  }
0x3c: {  	[tilespmem:s23+$0xFFFFFC90] =	vst v20;
	v20 =	vperm.xlane v28, v4;
	v22 =	vperm.xlane v27, v5  }
0x3d: {  	[tilespmem:s23+$0xFFFFFC80] =	vst v19  }
0x3e: {  	v20 =	vmul.f32 v20, v17;
	v19 =	vld.idx.msk [tilespmem:v21+s12+$0x0], $0xffff;
	v21 =	vshll.u32 v22, $0x4  }
0x3f: {  	v21 =	vor.u32 v2, v21  }
0x40: {  	s31 =	simm.s32 $0x10;
	v20 =	vadd.f32 v20, v18  }
0x41: {  	v22 =	vld.idx.msk [tilespmem:v25+s31+$0x0 ss:$0x1], $0xffff  }
0x42: {  	v23 =	vperm.xlane v27, v1;
	[tilespmem:s23+$0xFFFFFD10] =	vst v20;
	v20 =	vperm.xlane v28, v5  }
0x43: {  	[tilespmem:s23+$0xFFFFFD00] =	vst v19  }
0x44: {  	v20 =	vmul.f32 v20, v17;
	v19 =	vld.idx.msk [tilespmem:v21+s12+$0x0], $0xffff;
	v21 =	vshll.u32 v23, $0x4  }
0x45: {  	v21 =	vor.u32 v2, v21  }
0x46: {  	v20 =	vadd.f32 v20, v18;
	v23 =	vperm.xlane v22, v0  }
0x47: {  	v24 =	vld.idx.msk [tilespmem:v26+s31+$0x0 ss:$0x1], $0xffff  }
0x48: {  	v29 =	vperm.xlane v27, v6;
	[tilespmem:s23+$0xFFFFFD90] =	vst v20;
	v20 =	vperm.xlane v28, v1;
	v23 =	vshll.u32 v23, $0x4  }
0x49: {  	[tilespmem:s23+$0xFFFFFD80] =	vst v19;
	v19 =	vor.u32 v2, v23  }
0x4a: {  	v20 =	vmul.f32 v20, v17;
	v23 =	vshll.u32 v29, $0x4;
	v21 =	vld.idx.msk [tilespmem:v21+s12+$0x0], $0xffff  }
0x4b: {  	v23 =	vor.u32 v2, v23  }
0x4c: {  	v30 =	vperm.xlane v22, v3;
	v20 =	vadd.f32 v20, v18;
	v29 =	vperm.xlane v24, v0  }
0x4d: {  	v31 =	vperm.xlane v27, v7  }
0x4e: {  	v30 =	vshll.u32 v30, $0x4;
	[tilespmem:s23+$0xFFFFFE10] =	vst v20;
	v20 =	vperm.xlane v28, v6;
	v29 =	vmul.f32 v29, v17;
	v19 =	vld.idx.msk [tilespmem:v19+s12+$0x0], $0xffff  }
0x4f: {  	[tilespmem:s23+$0xFFFFFE00] =	vst v21;
	v21 =	vor.u32 v2, v30  }
0x50: {  	v20 =	vmul.f32 v20, v17;
	v29 =	vadd.f32 v29, v18;
	v30 =	vshll.u32 v31, $0x4;
	v23 =	vld.idx.msk [tilespmem:v23+s12+$0x0], $0xffff  }
0x51: {  	s21 =	sadd.s32 $0x800, s23;
	v30 =	vor.u32 v2, v30  }
0x52: {  	v20 =	vadd.f32 v20, v18;
	[tilespmem:s21+$0xFFFFFC10] =	vst v29;
	v29 =	vperm.xlane v24, v3;
	v31 =	vperm.xlane v22, v4  }
0x53: {  	[tilespmem:s21+$0xFFFFFC00] =	vst v19;
	v19 =	vperm.xlane v28, v7  }
0x54: {  	[tilespmem:s23+$0xFFFFFE90] =	vst v20;
	v20 =	vld.idx.msk [tilespmem:v21+s12+$0x0], $0xffff;
	v21 =	vmul.f32 v29, v17;
	v29 =	vshll.u32 v31, $0x4;
	v31 =	vperm.xlane v27, v8  }
0x55: {  	[tilespmem:s23+$0xFFFFFE80] =	vst v23;
	v23 =	vor.u32 v2, v29  }
0x56: {  	v19 =	vmul.f32 v19, v17;
	v29 =	vld.idx.msk [tilespmem:v30+s12+$0x0], $0xffff;
	v21 =	vadd.f32 v21, v18;
	v30 =	vshll.u32 v31, $0x4  }
0x57: {  	v32 =	vperm.xlane v24, v5;
	v53 =	vperm.xlane v27, v10;
	v30 =	vor.u32 v2, v30  }
0x58: {  	v31 =	vperm.xlane v22, v5;
	v19 =	vadd.f32 v19, v18;
	[tilespmem:s21+$0xFFFFFC90] =	vst v21;
	v21 =	vperm.xlane v24, v4  }
0x59: {  	v34 =	vperm.xlane v24, v1;
	[tilespmem:s21+$0xFFFFFC80] =	vst v20;
	v20 =	vperm.xlane v28, v8  }
0x5a: {  	[tilespmem:s23+$0xFFFFFF10] =	vst v19;
	v23 =	vld.idx.msk [tilespmem:v23+s12+$0x0], $0xffff;
	v19 =	vmul.f32 v21, v17;
	v21 =	vshll.u32 v31, $0x4;
	v31 =	vperm.xlane v27, v9  }
0x5b: {  	v56 =	vperm.xlane v28, v10;
	v57 =	vperm.xlane v27, v11;
	[tilespmem:s23+$0xFFFFFF00] =	vst v29;
	v21 =	vor.u32 v2, v21  }
0x5c: {  	v20 =	vmul.f32 v20, v17;
	v29 =	vld.idx.msk [tilespmem:v30+s12+$0x0], $0xffff;
	v30 =	vadd.f32 v19, v18;
	v19 =	vshll.u32 v31, $0x4  }
0x5d: {  	s22 =	simm.s32 $0x20;
	v36 =	vperm.xlane v24, v6;
	v61 =	vperm.xlane v27, v12;
	v31 =	vor.u32 v2, v19  }
0x5e: {  	v19 =	vld.idx.msk [tilespmem:v25+s22+$0x0 ss:$0x1], $0xffff;
	v20 =	vadd.f32 v20, v18;
	[tilespmem:s21+$0xFFFFFD10] =	vst v30;
	v30 =	vperm.xlane v22, v1  }
0x5f: {  	v40 =	vperm.xlane v24, v7;
	v37 =	vperm.xlane v27, v13;
	[tilespmem:s21+$0xFFFFFD00] =	vst v23  }
0x60: {  	v45 =	vperm.xlane v28, v16;
	v23 =	vmul.f32 v32, v17;
	[tilespmem:s23+$0xFFFFFF90] =	vst v20;
	v21 =	vld.idx.msk [tilespmem:v21+s12+$0x0], $0xffff;
	v30 =	vshll.u32 v30, $0x4  }
0x61: {  	v49 =	vperm.xlane v28, v13;
	v20 =	vperm.xlane v28, v9;
	[tilespmem:s23+$0xFFFFFF80] =	vst v29;
	v29 =	vor.u32 v2, v30  }
0x62: {  	v39 =	vperm.xlane v28, v14;
	v36 =	vmul.f32 v36, v17;
	v23 =	vadd.f32 v23, v18  }
0x63: {  	v30 =	vld.idx.msk [tilespmem:v31+s12+$0x0], $0xffff;
	v31 =	vmul.f32 v20, v17;
	v20 =	vshll.u32 v53, $0x4;
	v54 =	vperm.xlane v19, v0  }
0x64: {  	v50 =	vmul.f32 v49, v17;
	v33 =	vor.u32 v2, v20;
	v20 =	vld.idx.msk [tilespmem:v26+s22+$0x0 ss:$0x1], $0xffff;
	[tilespmem:s21+$0xFFFFFD90] =	vst v23  }
0x65: {  	v55 =	vperm.xlane v22, v6;
	v23 =	vadd.f32 v31, v18;
	v31 =	vshll.u32 v54, $0x4;
	[tilespmem:s21+$0xFFFFFD80] =	vst v21  }
0x66: {  	v62 =	vadd.f32 v36, v18;
	v21 =	vor.u32 v2, v31;
	v31 =	vmul.f32 v34, v17;
	v29 =	vld.idx.msk [tilespmem:v29+s12+$0x0], $0xffff  }
0x67: {  	v60 =	vperm.xlane v22, v7;
	v43 =	vperm.xlane v22, v8;
	[tilespmem:s23+$0x10] =	vst v23;
	v23 =	vshll.u32 v55, $0x4  }
0x68: {  	[tilespmem:s23+$0x0] =	vst v30;
	v30 =	vadd.f32 v31, v18;
	v23 =	vor.u32 v2, v23;
	v31 =	vmul.f32 v56, v17  }
0x69: {  	v32 =	vshll.u32 v57, $0x4;
	v35 =	vperm.xlane v19, v3;
	v33 =	vld.idx.msk [tilespmem:v33+s12+$0x0], $0xffff;
	v58 =	vperm.xlane v20, v0  }
0x6a: {  	v44 =	vshll.u32 v43, $0x4;
	v32 =	vor.u32 v2, v32;
	v31 =	vadd.f32 v31, v18;
	[tilespmem:s21+$0xFFFFFE10] =	vst v30  }
0x6b: {  	v46 =	vor.u32 v2, v44;
	v59 =	vshll.u32 v35, $0x4;
	v21 =	vld.idx.msk [tilespmem:v21+s12+$0x0], $0xffff;
	v30 =	vmul.f32 v58, v17;
	[tilespmem:s21+$0xFFFFFE00] =	vst v29  }
0x6c: {  	v63 =	vperm.xlane v19, v4;
	v48 =	vperm.xlane v19, v5;
	v34 =	vor.u32 v2, v59;
	[tilespmem:s23+$0x90] =	vst v31  }
0x6d: {  	v29 =	vperm.xlane v28, v11;
	v31 =	vshll.u32 v60, $0x4;
	v23 =	vld.idx.msk [tilespmem:v23+s12+$0x0], $0xffff;
	v30 =	vadd.f32 v30, v18;
	[tilespmem:s21+$0xFFFFFE90] =	vst v62  }
0x6e: {  	v52 =	vperm.xlane v19, v1;
	v53 =	vperm.xlane v22, v10;
	s22 =	sadd.s32 $0x800, s21;
	v31 =	vor.u32 v2, v31;
	[tilespmem:s23+$0x80] =	vst v33  }
0x6f: {  	v35 =	vshll.u32 v61, $0x4;
	v29 =	vmul.f32 v29, v17;
	v32 =	vld.idx.msk [tilespmem:v32+s12+$0x0], $0xffff;
	[tilespmem:s22+$0xFFFFFC10] =	vst v30;
	v30 =	vperm.xlane v20, v3  }
0x70: {  	v42 =	vshll.u32 v63, $0x4;
	v54 =	vperm.xlane v27, v15;
	v61 =	vperm.xlane v24, v10;
	[tilespmem:s22+$0xFFFFFC00] =	vst v21  }
0x71: {  	v21 =	vadd.f32 v29, v18;
	v29 =	vor.u32 v2, v35;
	v41 =	vld.idx.msk [tilespmem:v34+s12+$0x0], $0xffff;
	v30 =	vmul.f32 v30, v17  }
0x72: {  	v63 =	vperm.xlane v22, v11;
	v34 =	vor.u32 v2, v42;
	[tilespmem:s21+$0xFFFFFE80] =	vst v23;
	v23 =	vperm.xlane v28, v12  }
0x73: {  	[tilespmem:s23+$0x110] =	vst v21;
	v21 =	vld.idx.msk [tilespmem:v31+s12+$0x0], $0xffff;
	v30 =	vadd.f32 v30, v18;
	v31 =	vmul.f32 v40, v17  }
0x74: {  	v36 =	vshll.u32 v52, $0x4;
	v52 =	vperm.xlane v22, v12;
	v59 =	vperm.xlane v19, v6;
	[tilespmem:s23+$0x100] =	vst v32  }
0x75: {  	v47 =	vperm.xlane v20, v4;
	v23 =	vmul.f32 v23, v17;
	[tilespmem:s22+$0xFFFFFC90] =	vst v30;
	v30 =	vadd.f32 v31, v18  }
0x76: {  	v56 =	vmul.f32 v39, v17;
	v51 =	vperm.xlane v20, v5;
	v29 =	vld.idx.msk [tilespmem:v29+s12+$0x0], $0xffff;
	v31 =	vshll.u32 v37, $0x4;
	[tilespmem:s22+$0xFFFFFC80] =	vst v41  }
0x77: {  	v33 =	vmul.f32 v47, v17;
	v37 =	vor.u32 v2, v31;
	v23 =	vadd.f32 v23, v18;
	[tilespmem:s21+$0xFFFFFF10] =	vst v30  }
0x78: {  	v35 =	vshll.u32 v48, $0x4;
	v30 =	vperm.xlane v24, v8;
	v34 =	vld.idx.msk [tilespmem:v34+s12+$0x0], $0xffff;
	[tilespmem:s21+$0xFFFFFF00] =	vst v21;
	v21 =	vperm.xlane v22, v9  }
0x79: {  	v55 =	vperm.xlane v20, v16;
	v33 =	vadd.f32 v33, v18;
	v35 =	vor.u32 v2, v35  }
0x7a: {  	[tilespmem:s23+$0x190] =	vst v23;
	v23 =	vperm.xlane v27, v14;
	v32 =	vld.idx.msk [tilespmem:v46+s12+$0x0], $0xffff;
	v30 =	vmul.f32 v30, v17;
	v21 =	vshll.u32 v21, $0x4  }
0x7b: {  	v57 =	vperm.xlane v20, v1;
	v49 =	vperm.xlane v20, v6;
	[tilespmem:s23+$0x180] =	vst v29;
	v38 =	vor.u32 v2, v21  }
0x7c: {  	s24 =	simm.s32 $0x30;
	v43 =	vperm.xlane v20, v9;
	[tilespmem:s22+$0xFFFFFD10] =	vst v33;
	v23 =	vshll.u32 v23, $0x4;
	v37 =	vld.idx.msk [tilespmem:v37+s12+$0x0], $0xffff;
	v30 =	vadd.f32 v30, v18  }
0x7d: {  	v33 =	vadd.f32 v50, v18;
	v21 =	vld.idx.msk [tilespmem:v25+s24+$0x0 ss:$0x1], $0xffff;
	v23 =	vor.u32 v2, v23;
	[tilespmem:s22+$0xFFFFFD00] =	vst v34  }
0x7e: {  	v34 =	vmul.f32 v51, v17;
	[tilespmem:s21+$0xFFFFFF90] =	vst v30;
	v30 =	vperm.xlane v24, v9;
	v35 =	vld.idx.msk [tilespmem:v35+s12+$0x0], $0xffff  }
0x7f: {  	v36 =	vor.u32 v2, v36;
	v39 =	vmul.f32 v49, v17;
	v49 =	vperm.xlane v20, v8;
	[tilespmem:s21+$0xFFFFFF80] =	vst v32  }
0x80: {  	v62 =	vshll.u32 v59, $0x4;
	[tilespmem:s23+$0x210] =	vst v33;
	v34 =	vadd.f32 v34, v18;
	v30 =	vmul.f32 v30, v17;
	v38 =	vld.idx.msk [tilespmem:v38+s12+$0x0], $0xffff  }
0x81: {  	v44 =	vor.u32 v2, v62;
	v28 =	vperm.xlane v28, v15;
	v33 =	vshll.u32 v54, $0x4;
	[tilespmem:s23+$0x200] =	vst v37  }
0x82: {  	v32 =	vshll.u32 v53, $0x4;
	v40 =	vperm.xlane v21, v0;
	[tilespmem:s22+$0xFFFFFD90] =	vst v34;
	v41 =	vld.idx.msk [tilespmem:v23+s12+$0x0], $0xffff;
	v30 =	vadd.f32 v30, v18  }
0x83: {  	v33 =	vor.u32 v2, v33;
	v32 =	vor.u32 v2, v32;
	v23 =	vld.idx.msk [tilespmem:v26+s24+$0x0 ss:$0x1], $0xffff;
	[tilespmem:s22+$0xFFFFFD80] =	vst v35  }
0x84: {  	v58 =	vshll.u32 v40, $0x4;
	v35 =	vmul.f32 v57, v17;
	[tilespmem:s21+$0x10] =	vst v30;
	v30 =	vadd.f32 v56, v18  }
0x85: {  	v28 =	vmul.f32 v28, v17;
	v31 =	vmul.f32 v45, v17;
	v60 =	vor.u32 v2, v58;
	[tilespmem:s21+$0x0] =	vst v38  }
0x86: {  	v36 =	vld.idx.msk [tilespmem:v36+s12+$0x0], $0xffff;
	[tilespmem:s23+$0x290] =	vst v30;
	v30 =	vadd.f32 v35, v18;
	v38 =	vmul.f32 v61, v17  }
0x87: {  	v28 =	vadd.f32 v28, v18;
	v27 =	vperm.xlane v27, v16;
	v47 =	vperm.xlane v21, v3;
	[tilespmem:s23+$0x280] =	vst v41  }
0x88: {  	v40 =	vshll.u32 v63, $0x4;
	v32 =	vld.idx.msk [tilespmem:v32+s12+$0x0], $0xffff;
	v45 =	vperm.xlane v23, v0;
	[tilespmem:s22+$0xFFFFFE10] =	vst v30;
	v30 =	vadd.f32 v38, v18  }
0x89: {  	v50 =	vperm.xlane v19, v7;
	v27 =	vshll.u32 v27, $0x4;
	v46 =	vor.u32 v2, v40;
	v33 =	vld.idx.msk [tilespmem:v33+s12+$0x0], $0xffff;
	[tilespmem:s23+$0x310] =	vst v28  }
0x8a: {  	v53 =	vadd.f32 v39, v18;
	v34 =	vld.idx.msk [tilespmem:v60+s12+$0x0], $0xffff;
	v48 =	vmul.f32 v45, v17;
	[tilespmem:s21+$0x90] =	vst v30;
	v30 =	vshll.u32 v47, $0x4  }
0x8b: {  	v29 =	vperm.xlane v24, v16;
	v27 =	vor.u32 v2, v27;
	[tilespmem:s22+$0xFFFFFE00] =	vst v36;
	v30 =	vor.u32 v2, v30  }
0x8c: {  	v51 =	vperm.xlane v24, v11;
	v35 =	vld.idx.msk [tilespmem:v44+s12+$0x0], $0xffff;
	[tilespmem:s22+$0xFFFFFE90] =	vst v53;
	v36 =	vadd.f32 v48, v18  }
0x8d: {  	v29 =	vmul.f32 v29, v17;
	v37 =	vmul.f32 v55, v17;
	v55 =	vshll.u32 v52, $0x4;
	s24 =	sadd.s32 $0x800, s22;
	[tilespmem:s21+$0x80] =	vst v32  }
0x8e: {  	v58 =	vperm.xlane v20, v7;
	v28 =	vshll.u32 v50, $0x4;
	v32 =	vmul.f32 v51, v17;
	v38 =	vld.idx.msk [tilespmem:v46+s12+$0x0], $0xffff;
	[tilespmem:s24+$0xFFFFFC10] =	vst v36  }
0x8f: {  	v57 =	vor.u32 v2, v55;
	v56 =	vperm.xlane v21, v4;
	v28 =	vor.u32 v2, v28;
	[tilespmem:s24+$0xFFFFFC00] =	vst v34  }
0x90: {  	[tilespmem:s23+$0x300] =	vst v33;
	v32 =	vadd.f32 v32, v18;
	v34 =	vmul.f32 v58, v17;
	v30 =	vld.idx.msk [tilespmem:v30+s12+$0x0], $0xffff  }
0x91: {  	v52 =	vperm.xlane v19, v9;
	v59 =	vshll.u32 v56, $0x4;
	v61 =	vperm.xlane v24, v12;
	v54 =	vld.idx.msk [tilespmem:v27+s12+$0x0], $0xffff;
	[tilespmem:s22+$0xFFFFFE80] =	vst v35  }
0x92: {  	v60 =	vperm.xlane v19, v8;
	v27 =	vperm.xlane v23, v3;
	[tilespmem:s21+$0x110] =	vst v32;
	v34 =	vadd.f32 v34, v18  }
0x93: {  	v63 =	vperm.xlane v22, v13;
	v62 =	vor.u32 v2, v59;
	v46 =	vmul.f32 v61, v17;
	[tilespmem:s21+$0x100] =	vst v38  }
0x94: {  	v59 =	vperm.xlane v23, v5;
	v39 =	vshll.u32 v60, $0x4;
	v27 =	vmul.f32 v27, v17;
	v44 =	vld.idx.msk [tilespmem:v28+s12+$0x0], $0xffff;
	[tilespmem:s22+$0xFFFFFF10] =	vst v34  }
0x95: {  	v35 =	vshll.u32 v63, $0x4;
	v36 =	vadd.f32 v46, v18;
	v33 =	vld.idx.msk [tilespmem:v57+s12+$0x0], $0xffff;
	[tilespmem:s24+$0xFFFFFC80] =	vst v30;
	v30 =	vperm.xlane v23, v4  }
0x96: {  	v28 =	vadd.f32 v29, v18;
	v29 =	vor.u32 v2, v39;
	v45 =	vadd.f32 v27, v18;
	[tilespmem:s23+$0x380] =	vst v54  }
0x97: {  	v47 =	vperm.xlane v21, v5;
	v35 =	vor.u32 v2, v35;
	[tilespmem:s21+$0x190] =	vst v36;
	v30 =	vmul.f32 v30, v17  }
0x98: {  	v53 =	vperm.xlane v24, v13;
	v48 =	vperm.xlane v23, v16;
	[tilespmem:s24+$0xFFFFFC90] =	vst v45  }
0x99: {  	v51 =	vshll.u32 v47, $0x4;
	v34 =	vmul.f32 v49, v17;
	[tilespmem:s22+$0xFFFFFF00] =	vst v44;
	v50 =	vld.idx.msk [tilespmem:v62+s12+$0x0], $0xffff;
	v30 =	vadd.f32 v30, v18  }
0x9a: {  	v60 =	vperm.xlane v21, v1;
	v54 =	vor.u32 v2, v51;
	v57 =	vperm.xlane v22, v14;
	[tilespmem:s21+$0x180] =	vst v33  }
0x9b: {  	v56 =	vshll.u32 v52, $0x4;
	v58 =	vmul.f32 v53, v17;
	v55 =	vld.idx.msk [tilespmem:v29+s12+$0x0], $0xffff;
	[tilespmem:s24+$0xFFFFFD10] =	vst v30;
	v30 =	vadd.f32 v34, v18  }
0x9c: {  	s28 =	simm.s32 $0x40;
	v27 =	vadd.f32 v37, v18;
	v37 =	vor.u32 v2, v56;
	v33 =	vshll.u32 v57, $0x4;
	v42 =	vld.idx.msk [tilespmem:v35+s12+$0x0], $0xffff  }
0x9d: {  	v61 =	vadd.f32 v58, v18;
	v34 =	vor.u32 v2, v33;
	[tilespmem:s22+$0xFFFFFF90] =	vst v30;
	v30 =	vld.idx.msk [tilespmem:v25+s28+$0x0 ss:$0x1], $0xffff  }
0x9e: {  	v31 =	vadd.f32 v31, v18;
	v32 =	vperm.xlane v24, v14;
	v38 =	vmul.f32 v48, v17;
	[tilespmem:s24+$0xFFFFFD00] =	vst v50  }
0x9f: {  	v63 =	vshll.u32 v60, $0x4;
	v44 =	vperm.xlane v19, v10;
	v62 =	vmul.f32 v59, v17;
	[tilespmem:s21+$0x210] =	vst v61;
	v36 =	vld.idx.msk [tilespmem:v54+s12+$0x0], $0xffff  }
0xa0: {  	v39 =	vmul.f32 v43, v17;
	v29 =	vadd.f32 v38, v18;
	v38 =	vor.u32 v2, v63;
	[tilespmem:s22+$0xFFFFFF80] =	vst v55  }
0xa1: {  	s26 =	simm.s32 $0x140;
	s25 =	sadd.s32 $0x1A00, s25;
	v40 =	vadd.f32 v62, v18;
	v35 =	vperm.xlane v22, v15;
	v33 =	vld.idx.msk [tilespmem:v37+s12+$0x0], $0xffff;
	v37 =	vshll.u32 v44, $0x4;
	[tilespmem:s21+$0x200] =	vst v42  }
.LBB2_3:
0xa2: {  	p1 =	sne.s32 s26, $0x600;
	v41 =	vperm.xlane v30, v0;
	v37 =	vor.u32 v2, v37;
	v34 =	vld.idx.msk [tilespmem:v34+s12+$0x0], $0xffff;
	[tilespmem:s23+$0x390] =	vst v31;
	v31 =	vmov v28;
	s23 =	smov.u32 s21;
	s21 =	smov.u32 s22  }
0xa3: {  	v32 =	vmul.f32 v32, v17;
	v35 =	vshll.u32 v35, $0x4;
	s22 =	smov.u32 s24;
	v28 =	vld.idx.msk [tilespmem:v26+s28+$0x0 ss:$0x1], $0xffff;
	[tilespmem:s24+$0xFFFFFD90] =	vst v40;
	v39 =	vadd.f32 v39, v18  }
0xa4: {  	v24 =	vperm.xlane v24, v15;
	v35 =	vor.u32 v2, v35;
	[tilespmem:s24+$0xFFFFFD80] =	vst v36;
	v36 =	vperm.xlane v23, v1  }
0xa5: {  	v40 =	vshll.u32 v41, $0x4;
	v41 =	vperm.xlane v21, v6;
	v32 =	vadd.f32 v32, v18;
	v38 =	vld.idx.msk [tilespmem:v38+s12+$0x0], $0xffff;
	[tilespmem:s21+$0x10] =	vst v39  }
0xa6: {  	v39 =	vor.u32 v2, v40;
	v36 =	vmul.f32 v36, v17;
	[tilespmem:s21+$0x0] =	vst v33;
	v33 =	vperm.xlane v20, v10  }
0xa7: {  	v22 =	vperm.xlane v22, v16;
	v40 =	vshll.u32 v41, $0x4;
	v41 =	vperm.xlane v19, v11;
	v37 =	vld.idx.msk [tilespmem:v37+s12+$0x0], $0xffff;
	[tilespmem:s23+$0x290] =	vst v32  }
0xa8: {  	v32 =	vadd.f32 v36, v18;
	v36 =	vor.u32 v2, v40;
	v33 =	vmul.f32 v33, v17;
	[tilespmem:s23+$0x280] =	vst v34  }
0xa9: {  	v34 =	vperm.xlane v28, v0;
	v40 =	vshll.u32 v41, $0x4;
	v41 =	vmul.f32 v24, v17;
	v24 =	vmovc v20;
	v35 =	vld.idx.msk [tilespmem:v35+s12+$0x0], $0xffff  }
0xaa: {  	v22 =	vshll.u32 v22, $0x4;
	v20 =	vmovc v23;
	[tilespmem:s24+$0xFFFFFE10] =	vst v32;
	v32 =	vadd.f32 v33, v18;
	v33 =	vor.u32 v2, v40  }
0xab: {  	v22 =	vor.u32 v2, v22;
	v23 =	vmov v28;
	v40 =	vperm.xlane v30, v3;
	v39 =	vld.idx.msk [tilespmem:v39+s12+$0x0], $0xffff;
	[tilespmem:s24+$0xFFFFFE00] =	vst v38  }
0xac: {  	v28 =	vmul.f32 v34, v17;
	v34 =	vperm.xlane v20, v6;
	[tilespmem:s21+$0x90] =	vst v32;
	v32 =	vadd.f32 v41, v18  }
0xad: {  	v38 =	vshll.u32 v40, $0x4;
	v40 =	vperm.xlane v21, v7;
	v36 =	vld.idx.msk [tilespmem:v36+s12+$0x0], $0xffff;
	[tilespmem:s21+$0x80] =	vst v37;
	v37 =	vperm.xlane v24, v11  }
0xae: {  	v41 =	vadd.f32 v28, v18;
	v34 =	vmul.f32 v34, v17;
	v38 =	vor.u32 v2, v38;
	[tilespmem:s23+$0x310] =	vst v32  }
0xaf: {  	s24 =	sadd.s32 $0x800, s24;
	v32 =	vshll.u32 v40, $0x4;
	v40 =	vperm.xlane v19, v12;
	v33 =	vld.idx.msk [tilespmem:v33+s12+$0x0], $0xffff;
	v37 =	vmul.f32 v37, v17;
	[tilespmem:s23+$0x300] =	vst v35  }
0xb0: {  	v34 =	vadd.f32 v34, v18;
	v28 =	vmov v27;
	v32 =	vor.u32 v2, v32;
	[tilespmem:s24+$0xFFFFFC10] =	vst v41;
	v35 =	vld.idx.msk [tilespmem:v22+s12+$0x0], $0xffff  }
0xb1: {  	v27 =	vmovc v29;
	v41 =	vperm.xlane v23, v16;
	v42 =	vshll.u32 v40, $0x4;
	[tilespmem:s24+$0xFFFFFC00] =	vst v39;
	v39 =	vperm.xlane v23, v3  }
0xb2: {  	v29 =	vperm.xlane v30, v4;
	[tilespmem:s22+$0xFFFFFE90] =	vst v34;
	v34 =	vadd.f32 v37, v18;
	v37 =	vor.u32 v2, v42  }
0xb3: {  	v40 =	vperm.xlane v24, v12;
	v22 =	vmov v19;
	v38 =	vld.idx.msk [tilespmem:v38+s12+$0x0], $0xffff;
	[tilespmem:s22+$0xFFFFFE80] =	vst v36;
	v36 =	vperm.xlane v20, v7  }
0xb4: {  	v29 =	vshll.u32 v29, $0x4;
	v19 =	vmovc v21;
	v42 =	vperm.xlane v21, v8;
	v39 =	vmul.f32 v39, v17;
	[tilespmem:s21+$0x110] =	vst v34  }
0xb5: {  	v29 =	vor.u32 v2, v29;
	v21 =	vmov v30;
	v32 =	vld.idx.msk [tilespmem:v32+s12+$0x0], $0xffff;
	[tilespmem:s21+$0x100] =	vst v33;
	v33 =	vperm.xlane v22, v13  }
0xb6: {  	v30 =	vadd.f32 v39, v18;
	v34 =	vmul.f32 v36, v17;
	v36 =	vshll.u32 v42, $0x4;
	[tilespmem:s23+$0x380] =	vst v35  }
0xb7: {  	v39 =	vperm.xlane v24, v13;
	v35 =	vmul.f32 v41, v17;
	v36 =	vor.u32 v2, v36;
	v37 =	vld.idx.msk [tilespmem:v37+s12+$0x0], $0xffff  }
0xb8: {  	v33 =	vshll.u32 v33, $0x4;
	[tilespmem:s24+$0xFFFFFC90] =	vst v30;
	v30 =	vadd.f32 v34, v18;
	v34 =	vmul.f32 v40, v17  }
0xb9: {  	v40 =	vperm.xlane v21, v5;
	v33 =	vor.u32 v2, v33;
	[tilespmem:s24+$0xFFFFFC80] =	vst v38;
	v38 =	vperm.xlane v23, v4  }
0xba: {  	v41 =	vld.idx.msk [tilespmem:v29+s12+$0x0], $0xffff;
	[tilespmem:s22+$0xFFFFFF10] =	vst v30;
	v29 =	vperm.xlane v20, v8;
	v30 =	vadd.f32 v34, v18  }
0xbb: {  	v34 =	vmul.f32 v38, v17;
	v38 =	vshll.u32 v40, $0x4;
	[tilespmem:s22+$0xFFFFFF00] =	vst v32;
	v32 =	vperm.xlane v19, v9  }
0xbc: {  	v38 =	vor.u32 v2, v38;
	v40 =	vld.idx.msk [tilespmem:v36+s12+$0x0], $0xffff;
	[tilespmem:s21+$0x190] =	vst v30;
	v36 =	vperm.xlane v22, v14  }
0xbd: {  	v42 =	vmul.f32 v29, v17;
	v34 =	vadd.f32 v34, v18;
	v30 =	vshll.u32 v32, $0x4;
	[tilespmem:s21+$0x180] =	vst v37  }
0xbe: {  	s28 =	sshra.s32 s26, $0x2;
	v29 =	vadd.f32 v35, v18;
	v32 =	vperm.xlane v24, v14;
	v35 =	vor.u32 v2, v30;
	v43 =	vld.idx.msk [tilespmem:v33+s12+$0x0], $0xffff  }
0xbf: {  	v37 =	vmul.f32 v39, v17;
	v33 =	vadd.f32 v42, v18;
	v30 =	vld.idx.msk [tilespmem:v25+s28+$0x0 ss:$0x1], $0xffff;
	[tilespmem:s24+$0xFFFFFD10] =	vst v34;
	v34 =	vshll.u32 v36, $0x4  }
.Ltmp0:
0xc0: {  	v39 =	vperm.xlane v23, v5;
	[tilespmem:s24+$0xFFFFFD00] =	vst v41;
	v41 =	vperm.xlane v21, v1;
	v34 =	vor.u32 v2, v34;
	(pc) =	sbr.rel @p1 .LBB2_3-.Ltmp0, $4  }
0xc1: {  	v42 =	vperm.xlane v20, v9;
	v37 =	vadd.f32 v37, v18;
	v36 =	vld.idx.msk [tilespmem:v38+s12+$0x0], $0xffff;
	[tilespmem:s22+$0xFFFFFF90] =	vst v33  }
0xc2: {  	v39 =	vmul.f32 v39, v17;
	v33 =	vshll.u32 v41, $0x4;
	[tilespmem:s22+$0xFFFFFF80] =	vst v40;
	v41 =	vperm.xlane v19, v10  }
0xc3: {  	v38 =	vor.u32 v2, v33;
	v33 =	vld.idx.msk [tilespmem:v35+s12+$0x0], $0xffff;
	[tilespmem:s21+$0x210] =	vst v37;
	v35 =	vperm.xlane v22, v15  }
0xc4: {  	s26 =	sadd.s32 $0x40, s26;
	v40 =	vadd.f32 v39, v18;
	v39 =	vmul.f32 v42, v17;
	v37 =	vshll.u32 v41, $0x4;
	[tilespmem:s21+$0x200] =	vst v43  }
0xc5: {  	_ =	sdelay $0x2  }
0xc6: {  	v41 =	vperm.xlane v30, v0  }
0xc7: {  	v25 =	vld.idx.msk [tilespmem:v26+s28+$0x0 ss:$0x1], $0xffff  }
0xc8: {  	v47 =	vshll.u32 v41, $0x4  }
0xc9: {  	v26 =	vor.u32 v2, v47;
	_ =	sdelay $0x2  }
0xca: {  	v42 =	vperm.xlane v30, v3;
	v48 =	vperm.xlane v25, v0;
	_ =	sdelay $0x1  }
0xcb: {  	v42 =	vshll.u32 v42, $0x4;
	v41 =	vmul.f32 v48, v17;
	v26 =	vld.idx.msk [tilespmem:v26+s12+$0x0], $0xffff  }
0xcc: {  	v42 =	vor.u32 v2, v42  }
0xcd: {  	v41 =	vadd.f32 v41, v18  }
0xce: {  	s26 =	sadd.s32 $0x800, s24  }
0xcf: {  	v43 =	vperm.xlane v30, v4;
	v49 =	vperm.xlane v25, v3;
	[tilespmem:s26+$0xFFFFFC10] =	vst v41  }
0xd0: {  	[tilespmem:s26+$0xFFFFFC00] =	vst v26  }
0xd1: {  	v50 =	vshll.u32 v43, $0x4;
	v41 =	vmul.f32 v49, v17;
	v26 =	vld.idx.msk [tilespmem:v42+s12+$0x0], $0xffff  }
0xd2: {  	v42 =	vor.u32 v2, v50  }
0xd3: {  	v41 =	vadd.f32 v41, v18;
	_ =	sdelay $0x1  }
0xd4: {  	v52 =	vperm.xlane v30, v5;
	v51 =	vperm.xlane v25, v4;
	[tilespmem:s26+$0xFFFFFC90] =	vst v41  }
0xd5: {  	[tilespmem:s26+$0xFFFFFC80] =	vst v26  }
0xd6: {  	v53 =	vshll.u32 v52, $0x4;
	v41 =	vmul.f32 v51, v17;
	v26 =	vld.idx.msk [tilespmem:v42+s12+$0x0], $0xffff  }
0xd7: {  	v42 =	vor.u32 v2, v53  }
0xd8: {  	v41 =	vadd.f32 v41, v18;
	_ =	sdelay $0x1  }
0xd9: {  	v55 =	vperm.xlane v30, v1;
	v54 =	vperm.xlane v25, v5;
	[tilespmem:s26+$0xFFFFFD10] =	vst v41  }
0xda: {  	[tilespmem:s26+$0xFFFFFD00] =	vst v26  }
0xdb: {  	v56 =	vshll.u32 v55, $0x4;
	v41 =	vmul.f32 v54, v17;
	v26 =	vld.idx.msk [tilespmem:v42+s12+$0x0], $0xffff  }
0xdc: {  	v57 =	vperm.xlane v23, v1;
	v58 =	vperm.xlane v21, v6;
	[tilespmem:s24+$0xFFFFFD90] =	vst v40;
	v42 =	vor.u32 v2, v56  }
0xdd: {  	[tilespmem:s24+$0xFFFFFD80] =	vst v36;
	v41 =	vadd.f32 v41, v18  }
0xde: {  	v59 =	vmul.f32 v57, v17;
	v38 =	vld.idx.msk [tilespmem:v38+s12+$0x0], $0xffff;
	v40 =	vshll.u32 v58, $0x4  }
0xdf: {  	v61 =	vperm.xlane v30, v6;
	v62 =	vor.u32 v2, v40;
	v60 =	vperm.xlane v25, v1;
	[tilespmem:s26+$0xFFFFFD90] =	vst v41  }
0xe0: {  	v36 =	vadd.f32 v59, v18;
	[tilespmem:s26+$0xFFFFFD80] =	vst v26  }
0xe1: {  	v45 =	vshll.u32 v61, $0x4;
	v41 =	vmul.f32 v60, v17;
	v63 =	vld.idx.msk [tilespmem:v42+s12+$0x0], $0xffff  }
0xe2: {  	v46 =	vor.u32 v2, v45;
	v47 =	vperm.xlane v23, v6;
	[tilespmem:s24+$0xFFFFFE10] =	vst v36;
	v48 =	vperm.xlane v21, v7  }
0xe3: {  	[tilespmem:s24+$0xFFFFFE00] =	vst v38;
	v41 =	vadd.f32 v41, v18  }
0xe4: {  	[tilespmem:s23+$0x390] =	vst v31;
	v39 =	vadd.f32 v39, v18;
	v36 =	vmul.f32 v47, v17;
	v38 =	vshll.u32 v48, $0x4;
	v26 =	vld.idx.msk [tilespmem:v62+s12+$0x0], $0xffff  }
0xe5: {  	v38 =	vor.u32 v2, v38;
	v49 =	vperm.xlane v25, v6;
	v50 =	vperm.xlane v30, v7;
	[tilespmem:s26+$0xFFFFFE10] =	vst v41  }
0xe6: {  	v36 =	vadd.f32 v36, v18;
	[tilespmem:s26+$0xFFFFFE00] =	vst v63  }
0xe7: {  	v32 =	vmul.f32 v32, v17;
	[tilespmem:s22+$0x10] =	vst v39;
	v51 =	vshll.u32 v50, $0x4;
	v41 =	vmul.f32 v49, v17;
	v31 =	vld.idx.msk [tilespmem:v46+s12+$0x0], $0xffff  }
0xe8: {  	v52 =	vperm.xlane v23, v7;
	v39 =	vor.u32 v2, v51;
	v54 =	vperm.xlane v21, v8;
	[tilespmem:s24+$0xFFFFFE90] =	vst v36  }
0xe9: {  	v37 =	vor.u32 v2, v37;
	v35 =	vshll.u32 v35, $0x4;
	v34 =	vld.idx.msk [tilespmem:v34+s12+$0x0], $0xffff;
	v53 =	vadd.f32 v41, v18;
	[tilespmem:s24+$0xFFFFFE80] =	vst v26  }
0xea: {  	v32 =	vadd.f32 v32, v18;
	[tilespmem:s22+$0x0] =	vst v33;
	v36 =	vmul.f32 v52, v17;
	v26 =	vshll.u32 v54, $0x4;
	v38 =	vld.idx.msk [tilespmem:v38+s12+$0x0], $0xffff  }
0xeb: {  	v55 =	vperm.xlane v25, v7;
	v56 =	vperm.xlane v30, v8;
	v26 =	vor.u32 v2, v26;
	[tilespmem:s26+$0xFFFFFE90] =	vst v53  }
0xec: {  	v24 =	vperm.xlane v24, v15;
	v35 =	vor.u32 v2, v35;
	v57 =	vadd.f32 v36, v18;
	[tilespmem:s26+$0xFFFFFE80] =	vst v31  }
0xed: {  	v61 =	vperm.xlane v23, v8;
	[tilespmem:s21+$0x290] =	vst v32;
	v59 =	vshll.u32 v56, $0x4;
	v31 =	vmul.f32 v55, v17;
	v58 =	vld.idx.msk [tilespmem:v39+s12+$0x0], $0xffff  }
0xee: {  	v24 =	vmul.f32 v24, v17;
	v62 =	vperm.xlane v21, v9;
	[tilespmem:s24+$0xFFFFFF10] =	vst v57;
	v39 =	vor.u32 v2, v59  }
0xef: {  	v44 =	vperm.xlane v30, v9;
	v22 =	vperm.xlane v22, v16;
	[tilespmem:s24+$0xFFFFFF00] =	vst v38;
	v31 =	vadd.f32 v31, v18  }
0xf0: {  	v32 =	vmul.f32 v61, v17;
	v24 =	vadd.f32 v24, v18;
	[tilespmem:s21+$0x280] =	vst v34;
	v33 =	vshll.u32 v62, $0x4;
	v26 =	vld.idx.msk [tilespmem:v26+s12+$0x0], $0xffff  }
0xf1: {  	v35 =	vld.idx.msk [tilespmem:v35+s12+$0x0], $0xffff;
	v33 =	vor.u32 v2, v33;
	v63 =	vperm.xlane v25, v8;
	[tilespmem:s26+$0xFFFFFF10] =	vst v31  }
0xf2: {  	v22 =	vshll.u32 v22, $0x4;
	v45 =	vperm.xlane v19, v11;
	v37 =	vld.idx.msk [tilespmem:v37+s12+$0x0], $0xffff;
	v32 =	vadd.f32 v32, v18;
	[tilespmem:s26+$0xFFFFFF00] =	vst v58  }
0xf3: {  	v22 =	vor.u32 v2, v22;
	[tilespmem:s21+$0x310] =	vst v24;
	v38 =	vshll.u32 v44, $0x4;
	v31 =	vmul.f32 v63, v17;
	v46 =	vld.idx.msk [tilespmem:v39+s12+$0x0], $0xffff  }
0xf4: {  	v47 =	vperm.xlane v23, v9;
	v48 =	vperm.xlane v21, v10;
	v38 =	vor.u32 v2, v38;
	[tilespmem:s24+$0xFFFFFF90] =	vst v32  }
0xf5: {  	v50 =	vperm.xlane v25, v9;
	v60 =	vperm.xlane v20, v10;
	[tilespmem:s24+$0xFFFFFF80] =	vst v26;
	v31 =	vadd.f32 v31, v18  }
0xf6: {  	[tilespmem:s21+$0x300] =	vst v35;
	v51 =	vperm.xlane v30, v10;
	v49 =	vmul.f32 v47, v17;
	v32 =	vshll.u32 v48, $0x4;
	v33 =	vld.idx.msk [tilespmem:v33+s12+$0x0], $0xffff  }
0xf7: {  	v40 =	vmul.f32 v60, v17;
	v36 =	vshll.u32 v45, $0x4;
	v32 =	vor.u32 v2, v32;
	[tilespmem:s26+$0xFFFFFF90] =	vst v31  }
0xf8: {  	v22 =	vld.idx.msk [tilespmem:v22+s12+$0x0], $0xffff;
	v36 =	vor.u32 v2, v36;
	v26 =	vadd.f32 v49, v18;
	[tilespmem:s26+$0xFFFFFF80] =	vst v46  }
0xf9: {  	[tilespmem:s22+$0x80] =	vst v37;
	v40 =	vadd.f32 v40, v18;
	v52 =	vshll.u32 v51, $0x4;
	v31 =	vmul.f32 v50, v17;
	v34 =	vld.idx.msk [tilespmem:v38+s12+$0x0], $0xffff  }
0xfa: {  	v37 =	vor.u32 v2, v52;
	v54 =	vperm.xlane v23, v10;
	v55 =	vperm.xlane v21, v11;
	[tilespmem:s24+$0x10] =	vst v26  }
0xfb: {  	v43 =	vperm.xlane v20, v12;
	v61 =	vperm.xlane v21, v12;
	v31 =	vadd.f32 v31, v18;
	[tilespmem:s24+$0x0] =	vst v33  }
0xfc: {  	v56 =	vperm.xlane v25, v10;
	[tilespmem:s22+$0x90] =	vst v40;
	v24 =	vmul.f32 v54, v17;
	v26 =	vshll.u32 v55, $0x4;
	v32 =	vld.idx.msk [tilespmem:v32+s12+$0x0], $0xffff  }
0xfd: {  	v57 =	vperm.xlane v30, v11;
	v36 =	vld.idx.msk [tilespmem:v36+s12+$0x0], $0xffff;
	v26 =	vor.u32 v2, v26;
	[tilespmem:s26+$0x10] =	vst v31  }
0xfe: {  	v42 =	vperm.xlane v30, v12;
	v24 =	vadd.f32 v24, v18;
	v58 =	vperm.xlane v19, v12;
	[tilespmem:s26+$0x0] =	vst v34  }
0xff: {  	[tilespmem:s21+$0x380] =	vst v22;
	v53 =	vperm.xlane v20, v11;
	v33 =	vshll.u32 v57, $0x4;
	v31 =	vmul.f32 v56, v17;
	v34 =	vld.idx.msk [tilespmem:v37+s12+$0x0], $0xffff  }
0x100: {  	v59 =	vperm.xlane v23, v11;
	v60 =	vshll.u32 v58, $0x4;
	v33 =	vor.u32 v2, v33;
	[tilespmem:s24+$0x90] =	vst v24  }
0x101: {  	v38 =	vmul.f32 v53, v17;
	v31 =	vadd.f32 v31, v18;
	[tilespmem:s24+$0x80] =	vst v32;
	v37 =	vor.u32 v2, v60  }
0x102: {  	v47 =	vperm.xlane v23, v12;
	[tilespmem:s22+$0x100] =	vst v36;
	v62 =	vmul.f32 v59, v17;
	v24 =	vshll.u32 v61, $0x4;
	v26 =	vld.idx.msk [tilespmem:v26+s12+$0x0], $0xffff  }
0x103: {  	v63 =	vperm.xlane v25, v11;
	v24 =	vor.u32 v2, v24;
	v38 =	vadd.f32 v38, v18;
	[tilespmem:s26+$0x90] =	vst v31  }
0x104: {  	v44 =	vperm.xlane v19, v13;
	v46 =	vmul.f32 v43, v17;
	v32 =	vadd.f32 v62, v18;
	[tilespmem:s26+$0x80] =	vst v34  }
0x105: {  	v45 =	vshll.u32 v42, $0x4;
	v49 =	vperm.xlane v21, v13;
	[tilespmem:s22+$0x110] =	vst v38;
	v31 =	vmul.f32 v63, v17;
	v33 =	vld.idx.msk [tilespmem:v33+s12+$0x0], $0xffff  }
0x106: {  	v48 =	vshll.u32 v44, $0x4;
	v22 =	vadd.f32 v46, v18;
	[tilespmem:s24+$0x110] =	vst v32;
	v34 =	vor.u32 v2, v45;
	v36 =	vld.idx.msk [tilespmem:v37+s12+$0x0], $0xffff  }
0x107: {  	v51 =	vperm.xlane v25, v12;
	v31 =	vadd.f32 v31, v18;
	[tilespmem:s24+$0x100] =	vst v26;
	v37 =	vor.u32 v2, v48  }
0x108: {  	v52 =	vperm.xlane v30, v13;
	v50 =	vmul.f32 v47, v17;
	v32 =	vshll.u32 v49, $0x4;
	v24 =	vld.idx.msk [tilespmem:v24+s12+$0x0], $0xffff;
	[tilespmem:s22+$0x190] =	vst v22  }
0x109: {  	v54 =	vperm.xlane v19, v14;
	v53 =	vperm.xlane v20, v13;
	v32 =	vor.u32 v2, v32;
	[tilespmem:s26+$0x110] =	vst v31  }
0x10a: {  	v59 =	vperm.xlane v23, v13;
	v55 =	vadd.f32 v50, v18;
	v57 =	vmul.f32 v51, v17;
	[tilespmem:s26+$0x100] =	vst v33  }
0x10b: {  	v61 =	vperm.xlane v21, v14;
	v58 =	vmul.f32 v53, v17;
	v31 =	vshll.u32 v52, $0x4;
	[tilespmem:s22+$0x180] =	vst v36;
	v56 =	vld.idx.msk [tilespmem:v34+s12+$0x0], $0xffff  }
0x10c: {  	v60 =	vshll.u32 v54, $0x4;
	[tilespmem:s24+$0x190] =	vst v55;
	v31 =	vor.u32 v2, v31;
	v36 =	vld.idx.msk [tilespmem:v37+s12+$0x0], $0xffff;
	v33 =	vadd.f32 v57, v18  }
0x10d: {  	v42 =	vperm.xlane v30, v14;
	[tilespmem:s24+$0x180] =	vst v24;
	v37 =	vor.u32 v2, v60;
	v34 =	vadd.f32 v58, v18  }
0x10e: {  	v43 =	vperm.xlane v20, v14;
	v62 =	vmul.f32 v59, v17;
	v22 =	vshll.u32 v61, $0x4;
	v32 =	vld.idx.msk [tilespmem:v32+s12+$0x0], $0xffff;
	[tilespmem:s26+$0x190] =	vst v33  }
0x10f: {  	v44 =	vperm.xlane v19, v15;
	v63 =	vperm.xlane v25, v13;
	v22 =	vor.u32 v2, v22;
	[tilespmem:s22+$0x210] =	vst v34  }
0x110: {  	v19 =	vperm.xlane v19, v16;
	v46 =	vmul.f32 v43, v17;
	v24 =	vadd.f32 v62, v18;
	[tilespmem:s26+$0x180] =	vst v56  }
0x111: {  	v47 =	vperm.xlane v23, v14;
	v45 =	vmul.f32 v63, v17;
	v33 =	vshll.u32 v42, $0x4;
	[tilespmem:s22+$0x200] =	vst v36;
	v26 =	vld.idx.msk [tilespmem:v31+s12+$0x0], $0xffff  }
0x112: {  	v48 =	vshll.u32 v44, $0x4;
	[tilespmem:s24+$0x210] =	vst v24;
	v33 =	vor.u32 v2, v33;
	v34 =	vadd.f32 v46, v18;
	v36 =	vld.idx.msk [tilespmem:v37+s12+$0x0], $0xffff  }
0x113: {  	v49 =	vperm.xlane v21, v15;
	[tilespmem:s24+$0x200] =	vst v32;
	v37 =	vor.u32 v2, v48;
	v31 =	vadd.f32 v45, v18  }
0x114: {  	v19 =	vshll.u32 v19, $0x4;
	v50 =	vmul.f32 v47, v17;
	v20 =	vperm.xlane v20, v15;
	v22 =	vld.idx.msk [tilespmem:v22+s12+$0x0], $0xffff;
	[tilespmem:s22+$0x290] =	vst v34  }
0x115: {  	v51 =	vperm.xlane v25, v14;
	v52 =	vperm.xlane v30, v15;
	v24 =	vshll.u32 v49, $0x4;
	[tilespmem:s26+$0x210] =	vst v31  }
0x116: {  	v53 =	vadd.f32 v50, v18;
	v20 =	vmul.f32 v20, v17;
	v24 =	vor.u32 v2, v24;
	[tilespmem:s26+$0x200] =	vst v26  }
0x117: {  	v19 =	vor.u32 v2, v19;
	v55 =	vmul.f32 v51, v17;
	v31 =	vshll.u32 v52, $0x4;
	[tilespmem:s22+$0x280] =	vst v36;
	v54 =	vld.idx.msk [tilespmem:v33+s12+$0x0], $0xffff  }
0x118: {  	v20 =	vadd.f32 v20, v18;
	[tilespmem:s24+$0x290] =	vst v53;
	v31 =	vor.u32 v2, v31;
	v34 =	vld.idx.msk [tilespmem:v37+s12+$0x0], $0xffff  }
0x119: {  	v57 =	vperm.xlane v21, v16;
	v58 =	vadd.f32 v55, v18;
	v56 =	vperm.xlane v23, v15;
	[tilespmem:s24+$0x280] =	vst v22  }
0x11a: {  	v61 =	vperm.xlane v25, v15;
	[tilespmem:s22+$0x310] =	vst v20  }
0x11b: {  	v62 =	vperm.xlane v30, v16;
	v21 =	vshll.u32 v57, $0x4;
	v59 =	vmul.f32 v56, v17;
	v60 =	vld.idx.msk [tilespmem:v24+s12+$0x0], $0xffff;
	[tilespmem:s26+$0x290] =	vst v58  }
0x11c: {  	v21 =	vor.u32 v2, v21;
	[tilespmem:s26+$0x280] =	vst v54  }
0x11d: {  	v20 =	vadd.f32 v59, v18;
	v24 =	vmul.f32 v61, v17;
	v26 =	vshll.u32 v62, $0x4;
	[tilespmem:s22+$0x300] =	vst v34;
	v63 =	vld.idx.msk [tilespmem:v31+s12+$0x0], $0xffff  }
0x11e: {  	[tilespmem:s21+$0x390] =	vst v28;
	v26 =	vor.u32 v2, v26;
	v19 =	vld.idx.msk [tilespmem:v19+s12+$0x0], $0xffff  }
0x11f: {  	[tilespmem:s24+$0x310] =	vst v20;
	v20 =	vadd.f32 v24, v18  }
0x120: {  	[tilespmem:s24+$0x300] =	vst v60  }
0x121: {  	v21 =	vld.idx.msk [tilespmem:v21+s12+$0x0], $0xffff;
	[tilespmem:s26+$0x310] =	vst v20;
	v20 =	vperm.xlane v25, v16  }
0x122: {  	[tilespmem:s26+$0x300] =	vst v63  }
0x123: {  	[tilespmem:s22+$0x380] =	vst v19;
	v19 =	vmul.f32 v20, v17;
	v22 =	vld.idx.msk [tilespmem:v26+s12+$0x0], $0xffff  }
0x124: {  	[tilespmem:s22+$0x390] =	vst v27  }
0x125: {  	[tilespmem:s24+$0x390] =	vst v29;
	v19 =	vadd.f32 v19, v18  }
0x126: {  	[tilespmem:s24+$0x380] =	vst v21  }
0x127: {  	p1 =	seq.s32 s20, $0x0;
	[tilespmem:s26+$0x390] =	vst v19  }
0x128: {  	s22 =	simm.s32 @!p1 $0x1;
	[tilespmem:s26+$0x380] =	vst v22  }
0x129: {  	_ =	swait.ge @!p1 [sflag:s22], $0xC800  }
0x12a: {  	s31 =	smul.u32 $0x32, s20;
	s20 =	sadd.s32 $0x1, s20;
	[sflag:s22] =	ssyncset.done @!p1 $0x0  }
0x12b: {  	[sflag:s22] =	ssyncadd.s32 @!p1 $0xFFFF3800;
	p1 =	sne.s32 s20, s17  }
.Ltmp1:
0x12c: {  	_ = 	snop;
	(pc) =	sbr.rel @p1 .LBB2_2-.Ltmp1, $4  }
0x12d: {  	s21 =	sadd.s32 s5, s31  }
0x12e: {  	s21 =	sshll.u32 s21, $0x7  }
0x12f: {  	s18 =	sadd.s32 $0x190, s18;
	s19 =	sadd.s32 $0x190, s19;
	s21 =	sadd.s32 s6, s21  }
0x130: {  	[hbm4b:s21+s4] =	stream.linear.scatter [tilespmem:s25], [sflag:$0x1], $0xC800, $0x38;
	[tilespmem:$0x1AA00] =	vst v63  }
0x131: {  	s16 =	sadd.s32 $0x1, s16  }
0x132: {  	p1 =	sne.s32 s16, s11  }
.Ltmp2:
0x133: {  	_ = 	snop;
	(pc) =	sbr.rel @p1 .LBB2_1-.Ltmp2, $4  }
0x134: {  	_ = 	snop  }
0x135: {  	_ =	swait.ge [sflag:s15], $0xC800  }
0x136: {  	[sflag:s15] =	ssyncset.done $0x0  }
0x137: {  	[sflag:s15] =	ssyncadd.s32 $0xFFFF3800  }
0x138: {  	_ =	sfence.sel $0x180000  }
0x139: {  	[bflag:$0x0] =	sbarrier.arrive $0xFFFF  }
0x13a: {  	p0 =	sne.s32 s0, $0x0;
	_ =	strace $0x90000047  }
0x13b: {  	s0 =	sadd.s32 @!p0 $0x100000, s2;
	[bflag:$0x2] =	sbarrier.arrive $0xFFFF  }
0x13c: {  	[sflag:s0] =	ssyncadd.tile.s32 @!p0 $0x1;
	_ =	shalt  }
.Lfunc_end2:
_tile_overlayer_lowered:
.L_overlay_start_2:
0x13d: {  	(tag) =	ssettag $0x2  }
0x13e: {  	s0 =	rddreg [dreg:$0x0];
	s2 =	stileid.u32  }
0x13f: {  	s1 =	rddreg [dreg:$0x1];
	p0 =	sne.s32 s2, $0x0  }
0x140: {  	s3 =	rddreg [dreg:$0x2];
	[bflag:$0x3] =	sbarrier.arrive $0xFFFF;
	s2 =	simm.s32 @!p0 $0x1C02  }
0x141: {  	[timem:s3], [sflag:s2] =	dma.local @!p0 [hbm:s0], s1  }
0x142: {  	s0 =	simm.s32 @!p0 $0x2  }
0x143: {  	_ =	swait.ge @!p0 [sflag:s0], s1  }
0x144: {  	s1 =	ssub.s32 @!p0 $0x0, s1;
	[sflag:s0] =	ssyncset.done @!p0 $0x0  }
0x145: {  	[sflag:s0] =	ssyncadd.s32 @!p0 s1  }
0x146: {  	[bflag:$0x3] =	sbarrier.arrive $0xFFFF  }
0x147: {  	_ =	shalt  }

</sc_bundles>
